<compile_context>
chip_gen: v7x
topology: tpu7x:2x2x1
jax: 0.10.2.dev20260603
libtpu: 0.0.44.dev20260713+nightly
codegen_flags: <defaults>
</compile_context>

<pallas_src>
import jax
import jax.numpy as jnp
from jax import lax
from jax.experimental import pallas as pl
from jax.experimental.pallas import tpu as pltpu
from jax.experimental.pallas import tpu_sc as plsc

_VOCAB = 8192
_B = 16
_T = 512
_N = _B * _T
_NC = 2
_NS = 16
_NW = _NC * _NS
_RPW = _N // _NW
_CHUNK = 4
_NCHUNKS = _RPW // _CHUNK
_L = 16
_VPR = _VOCAB // _L
_LN2 = 0.6931471805599453


def _log16(s):
    bits = plsc.bitcast(s, jnp.int32)
    e = (bits >> 23) - 127
    m = plsc.bitcast((bits & 0x007FFFFF) | 0x3F800000, jnp.float32)
    t = (e.astype(jnp.float32) + (m - 1.0)) * _LN2
    t = t + s * jnp.exp(-t) - 1.0
    t = t + s * jnp.exp(-t) - 1.0
    t = t + s * jnp.exp(-t) - 1.0
    return t


def _perm(v, idx):
    return v.at[idx].get(mode="promise_in_bounds")


def _body(x_hbm, y_hbm, tab_hbm, out_hbm, part_hbm,
          xv, yv, buf0, buf1, partv, gsem0, gsem1, ssem0, ssem1):
    wid = lax.axis_index("s") * _NC + lax.axis_index("c")
    base = wid * _RPW
    cbase = wid * _NCHUNKS
    pltpu.sync_copy(x_hbm.at[pl.ds(cbase, _NCHUNKS)], xv)
    pltpu.sync_copy(y_hbm.at[pl.ds(cbase, _NCHUNKS)], yv)
    lanes = lax.iota(jnp.int32, 16)
    zero16 = jnp.zeros((_L,), jnp.float32)
    chunk_mask = lanes < _CHUNK
    rowids = lanes & (_CHUNK - 1)

    pltpu.async_copy(tab_hbm.at[xv.at[0]], buf0, gsem0)
    pltpu.async_copy(tab_hbm.at[xv.at[1]], buf1, gsem1)

    def run_chunk(c, buf, gsem, ssem, part16):
        pltpu.make_async_copy(tab_hbm.at[xv.at[c]], buf, gsem).wait()
        pltpu.async_copy(buf, out_hbm.at[pl.ds(base + c * _CHUNK, _CHUNK)],
                         ssem)
        sums16 = jnp.ones((_L,), jnp.float32)
        for rb in range(_CHUNK):
            def inner8(i, acc):
                a0, a1 = acc
                b0 = i * (_L * 8)
                for u in range(8):
                    v = buf[rb, pl.ds(b0 + u * _L, _L)]
                    if u % 2 == 0:
                        a0 = a0 + jnp.exp(v)
                    else:
                        a1 = a1 + jnp.exp(v)
                return a0, a1

            a0, a1 = lax.fori_loop(0, _VPR // 8, inner8, (zero16, zero16))
            srow = a0 + a1
            for k in (8, 4, 2, 1):
                srow = srow + _perm(srow, lanes ^ k)
            sums16 = jnp.where(lanes == rb, srow, sums16)
        y16 = yv[c]
        picked16 = plsc.load_gather(buf, [rowids, y16], mask=chunk_mask)
        picked16 = jnp.where(chunk_mask, picked16, 0.0)
        part16 = part16 + (picked16 - _log16(sums16))
        pltpu.make_async_copy(buf, out_hbm.at[pl.ds(base + c * _CHUNK, _CHUNK)],
                              ssem).wait()

        @pl.when(c + 2 < _NCHUNKS)
        def _():
            pltpu.async_copy(tab_hbm.at[xv.at[c + 2]], buf, gsem)

        return part16

    def pair(i, part16):
        part16 = run_chunk(2 * i, buf0, gsem0, ssem0, part16)
        part16 = run_chunk(2 * i + 1, buf1, gsem1, ssem1, part16)
        return part16

    part16 = lax.fori_loop(0, _NCHUNKS // 2, pair, zero16)
    partv[...] = part16
    pltpu.sync_copy(partv, part_hbm.at[wid])


def kernel(batch_x, batch_y, embedding_table):
    x = batch_x.reshape(_N // _CHUNK, _CHUNK).astype(jnp.int32)
    y = batch_y.reshape(_N // _CHUNK, _CHUNK).astype(jnp.int32)
    y = jnp.pad(y, ((0, 0), (0, _L - _CHUNK)))
    mesh = plsc.VectorSubcoreMesh(core_axis_name="c", subcore_axis_name="s")
    flat_logits, part = pl.kernel(
        _body,
        mesh=mesh,
        compiler_params=pltpu.CompilerParams(needs_layout_passes=False),
        out_type=[
            jax.ShapeDtypeStruct((_N, _VOCAB), jnp.float32),
            jax.ShapeDtypeStruct((_NW, _L), jnp.float32),
        ],
        scratch_types=[
            pltpu.VMEM((_NCHUNKS, _CHUNK), jnp.int32),
            pltpu.VMEM((_NCHUNKS, _L), jnp.int32),
            pltpu.VMEM((_CHUNK, _VOCAB), jnp.float32),
            pltpu.VMEM((_CHUNK, _VOCAB), jnp.float32),
            pltpu.VMEM((_L,), jnp.float32),
            pltpu.SemaphoreType.DMA,
            pltpu.SemaphoreType.DMA,
            pltpu.SemaphoreType.DMA,
            pltpu.SemaphoreType.DMA,
        ],
    )(x, y, embedding_table)
    logits = flat_logits.reshape(_B, _T, _VOCAB)
    loss = -(jnp.sum(part) / _N)
    return (logits, loss)

# --- scband reference (transcript-rebuilt; emitter-appended) ---
"""Pipeline reference for scband-bigram-model-78872779424005 (READ-ONLY COPY).

The authoritative reference and input builder live on the scoring server;
editing this copy changes nothing except your own understanding.
"""

import jax, jax.numpy as jnp
import numpy as np

VOCAB = 8192
B, T = 16, 512


def setup_inputs(seed: int = 0) -> dict:
    key = jax.random.key(seed)
    k1, k2, k3 = jax.random.split(key, 3)
    batch_x = jax.random.randint(k1, (B, T), 0, VOCAB)
    batch_y = jax.random.randint(k2, (B, T), 0, VOCAB)
    # nn.Embedding default init: N(0, 1)
    embedding_table = jax.random.normal(k3, (VOCAB, VOCAB), dtype=jnp.float32)
    return {"batch_x": batch_x, "batch_y": batch_y, "embedding_table": embedding_table}


def reference(batch_x, batch_y, embedding_table):
    # logits = embedding_table[batch_x]  (gather rows; embedding_dim == vocab_size)
    logits = jnp.take(embedding_table, batch_x, axis=0)  # [B, T, C]
    Bdim, Tdim, C = logits.shape
    flat_logits = logits.reshape(Bdim * Tdim, C)
    flat_y = batch_y.reshape(Bdim * Tdim)
    # F.cross_entropy with mean reduction
    logp = jax.nn.log_softmax(flat_logits, axis=-1)
    picked = jnp.take_along_axis(logp, flat_y[:, None], axis=1)[:, 0]
    loss = -jnp.mean(picked)
    return (logits, loss)

if __name__ == "__main__":
    import jax
    _d = setup_inputs()
    print(jax.jit(kernel)(*tuple(_d.values())))

</pallas_src>

<mosaic_0001>
#map = affine_map<(d0, d1) -> (0, 0)>
module attributes {stable_mosaic.version = 14 : i64} {
  func.func @_body(%arg0: i32, %arg1: i32, %arg2: memref<2048x4xi32, #tpu.memory_space<hbm>>, %arg3: memref<2048x16xi32, #tpu.memory_space<hbm>>, %arg4: memref<8192x8192xf32, #tpu.memory_space<hbm>>, %arg5: memref<8192x8192xf32, #tpu.memory_space<hbm>>, %arg6: memref<32x16xf32, #tpu.memory_space<hbm>>, %arg7: memref<64x4xi32, #tpu.memory_space<vmem>>, %arg8: memref<64x16xi32, #tpu.memory_space<vmem>>, %arg9: memref<4x8192xf32, #tpu.memory_space<vmem>>, %arg10: memref<4x8192xf32, #tpu.memory_space<vmem>>, %arg11: memref<16xf32, #tpu.memory_space<vmem>>, %arg12: memref<!tpu.dma_semaphore, #tpu.memory_space<semaphore_mem>>, %arg13: memref<!tpu.dma_semaphore, #tpu.memory_space<semaphore_mem>>, %arg14: memref<!tpu.dma_semaphore, #tpu.memory_space<semaphore_mem>>, %arg15: memref<!tpu.dma_semaphore, #tpu.memory_space<semaphore_mem>>) attributes {dimension_semantics = [#tpu.dimension_semantics<core_parallel>, #tpu.dimension_semantics<subcore_parallel>], iteration_bounds = array<i64: 2, 16>, scalar_prefetch = 0 : i64, scratch_operands = 9 : i64, tpu.core_type = #tpu.core_type<sc_vector_subcore>, window_params = [{transform_indices = #map}, {transform_indices = #map}, {transform_indices = #map}, {transform_indices = #map}, {transform_indices = #map}]} {
    %mul3A = arith.constant 2 : i32
    %mul3A_0 = arith.muli %arg1, %mul3A : i32
    %add3A = arith.addi %mul3A_0, %arg0 : i32
    %mul3A_1 = arith.constant 256 : i32
    %mul3A_2 = arith.muli %add3A, %mul3A_1 : i32
    %mul3A_3 = arith.constant 64 : i32
    %mul3A_4 = arith.muli %add3A, %mul3A_3 : i32
    "tpu.region"() ({
      %run_scoped3A = tpu.sem_alloc : memref<!tpu.dma_semaphore, #tpu.memory_space<semaphore_mem>>
      %dma_start3A_29 = arith.constant 0 : i32
      %dma_start3A_30 = tpu.memref_slice %arg2[%mul3A_4, %dma_start3A_29] : memref<2048x4xi32, #tpu.memory_space<hbm>> -> memref<64x4xi32, #tpu.memory_space<hbm>>
      %dma_start3A_31 = arith.constant 0 : i32
      %dma_start3A_32 = tpu.memref_slice %arg2[%mul3A_4, %dma_start3A_31] : memref<2048x4xi32, #tpu.memory_space<hbm>> -> memref<64x4xi32, #tpu.memory_space<hbm>>
      tpu.enqueue_dma source(%dma_start3A_32 : memref<64x4xi32, #tpu.memory_space<hbm>>) target(%arg7 : memref<64x4xi32, #tpu.memory_space<vmem>>) target_semaphore(%run_scoped3A : memref<!tpu.dma_semaphore, #tpu.memory_space<semaphore_mem>>)
      %dma_wait3A = arith.constant 0 : i32
      %dma_wait3A_33 = tpu.memref_slice %arg2[%mul3A_4, %dma_wait3A] : memref<2048x4xi32, #tpu.memory_space<hbm>> -> memref<64x4xi32, #tpu.memory_space<hbm>>
      %dma_wait3A_34 = arith.constant 0 : i32
      %dma_wait3A_35 = tpu.memref_slice %arg2[%mul3A_4, %dma_wait3A_34] : memref<2048x4xi32, #tpu.memory_space<hbm>> -> memref<64x4xi32, #tpu.memory_space<hbm>>
      tpu.wait_dma2 semaphore(%run_scoped3A : memref<!tpu.dma_semaphore, #tpu.memory_space<semaphore_mem>>) src(%dma_wait3A_35 : memref<64x4xi32, #tpu.memory_space<hbm>>) dst(%arg7 : memref<64x4xi32, #tpu.memory_space<vmem>>)
      tpu.yield
    }) : () -> ()
    "tpu.region"() ({
      %run_scoped3A = tpu.sem_alloc : memref<!tpu.dma_semaphore, #tpu.memory_space<semaphore_mem>>
      %dma_start3A_29 = arith.constant 0 : i32
      %dma_start3A_30 = tpu.memref_slice %arg3[%mul3A_4, %dma_start3A_29] : memref<2048x16xi32, #tpu.memory_space<hbm>> -> memref<64x16xi32, #tpu.memory_space<hbm>>
      %dma_start3A_31 = arith.constant 0 : i32
      %dma_start3A_32 = tpu.memref_slice %arg3[%mul3A_4, %dma_start3A_31] : memref<2048x16xi32, #tpu.memory_space<hbm>> -> memref<64x16xi32, #tpu.memory_space<hbm>>
      tpu.enqueue_dma source(%dma_start3A_32 : memref<64x16xi32, #tpu.memory_space<hbm>>) target(%arg8 : memref<64x16xi32, #tpu.memory_space<vmem>>) target_semaphore(%run_scoped3A : memref<!tpu.dma_semaphore, #tpu.memory_space<semaphore_mem>>)
      %dma_wait3A = arith.constant 0 : i32
      %dma_wait3A_33 = tpu.memref_slice %arg3[%mul3A_4, %dma_wait3A] : memref<2048x16xi32, #tpu.memory_space<hbm>> -> memref<64x16xi32, #tpu.memory_space<hbm>>
      %dma_wait3A_34 = arith.constant 0 : i32
      %dma_wait3A_35 = tpu.memref_slice %arg3[%mul3A_4, %dma_wait3A_34] : memref<2048x16xi32, #tpu.memory_space<hbm>> -> memref<64x16xi32, #tpu.memory_space<hbm>>
      tpu.wait_dma2 semaphore(%run_scoped3A : memref<!tpu.dma_semaphore, #tpu.memory_space<semaphore_mem>>) src(%dma_wait3A_35 : memref<64x16xi32, #tpu.memory_space<hbm>>) dst(%arg8 : memref<64x16xi32, #tpu.memory_space<vmem>>)
      tpu.yield
    }) : () -> ()
    %iota3A = tpu.iota {dimensions = array<i32: 0>} : vector<16xi32>
    %broadcast_in_dim3A = arith.constant 0.000000e+00 : f32
    %broadcast_in_dim3A_5 = vector.broadcast %broadcast_in_dim3A : f32 to vector<16xf32>
    %lt3A = arith.constant 4 : i32
    %lt3A_6 = vector.broadcast %lt3A : i32 to vector<16xi32>
    %lt3A_7 = arith.cmpi slt, %iota3A, %lt3A_6 : vector<16xi32>
    %and3A = arith.constant 3 : i32
    %and3A_8 = vector.broadcast %and3A : i32 to vector<16xi32>
    %and3A_9 = arith.andi %iota3A, %and3A_8 : vector<16xi32>
    %dma_start3A = arith.constant 0 : i32
    %dma_start3A_10 = arith.constant 0 : i32
    %dma_start3A_11 = tpu.memref_slice %arg7[%dma_start3A, %dma_start3A_10] : memref<64x4xi32, #tpu.memory_space<vmem>> -> memref<1x4xi32, #tpu.memory_space<vmem>>
    %dma_start3A_12 = tpu.memref_squeeze %dma_start3A_11 : memref<1x4xi32, #tpu.memory_space<vmem>> -> memref<4xi32, #tpu.memory_space<vmem>>
    %dma_start3A_13 = arith.constant 0 : i32
    %dma_start3A_14 = arith.constant 0 : i32
    %dma_start3A_15 = tpu.memref_slice %arg4[%dma_start3A_13, %dma_start3A_14] : memref<8192x8192xf32, #tpu.memory_space<hbm>> -> memref<8192x8192xf32, #tpu.memory_space<hbm>>
    tpu.enqueue_indirect_dma source(%dma_start3A_15 : memref<8192x8192xf32, #tpu.memory_space<hbm>>) target(%arg9 : memref<4x8192xf32, #tpu.memory_space<vmem>>) offsets(%dma_start3A_12 : memref<4xi32, #tpu.memory_space<vmem>>) semaphore(%arg12 : memref<!tpu.dma_semaphore, #tpu.memory_space<semaphore_mem>>)
    %dma_start3A_16 = arith.constant 1 : i32
    %dma_start3A_17 = arith.constant 0 : i32
    %dma_start3A_18 = tpu.memref_slice %arg7[%dma_start3A_16, %dma_start3A_17] : memref<64x4xi32, #tpu.memory_space<vmem>> -> memref<1x4xi32, #tpu.memory_space<vmem>>
    %dma_start3A_19 = tpu.memref_squeeze %dma_start3A_18 : memref<1x4xi32, #tpu.memory_space<vmem>> -> memref<4xi32, #tpu.memory_space<vmem>>
    %dma_start3A_20 = arith.constant 0 : i32
    %dma_start3A_21 = arith.constant 0 : i32
    %dma_start3A_22 = tpu.memref_slice %arg4[%dma_start3A_20, %dma_start3A_21] : memref<8192x8192xf32, #tpu.memory_space<hbm>> -> memref<8192x8192xf32, #tpu.memory_space<hbm>>
    tpu.enqueue_indirect_dma source(%dma_start3A_22 : memref<8192x8192xf32, #tpu.memory_space<hbm>>) target(%arg10 : memref<4x8192xf32, #tpu.memory_space<vmem>>) offsets(%dma_start3A_19 : memref<4xi32, #tpu.memory_space<vmem>>) semaphore(%arg13 : memref<!tpu.dma_semaphore, #tpu.memory_space<semaphore_mem>>)
    %scan3A = arith.constant 0 : i32
    %scan3A_23 = arith.constant 32 : i32
    %scan3A_24 = arith.addi %scan3A, %scan3A_23 : i32
    %scan3A_25 = arith.constant 1 : i32
    %scan3A_26 = scf.for %scan3A_29 = %scan3A to %scan3A_24 step %scan3A_25 iter_args(%scan3A_30 = %broadcast_in_dim3A_5) -> (vector<16xf32>)  : i32 {
      %mul3A_31 = arith.constant 2 : i32
      %mul3A_32 = arith.muli %mul3A_31, %scan3A_29 : i32
      %dma_wait3A = arith.constant 0 : i32
      %dma_wait3A_33 = tpu.memref_slice %arg7[%mul3A_32, %dma_wait3A] : memref<64x4xi32, #tpu.memory_space<vmem>> -> memref<1x4xi32, #tpu.memory_space<vmem>>
      %dma_wait3A_34 = tpu.memref_squeeze %dma_wait3A_33 : memref<1x4xi32, #tpu.memory_space<vmem>> -> memref<4xi32, #tpu.memory_space<vmem>>
      %dma_wait3A_35 = arith.constant 0 : i32
      %dma_wait3A_36 = arith.constant 0 : i32
      %dma_wait3A_37 = tpu.memref_slice %arg4[%dma_wait3A_35, %dma_wait3A_36] : memref<8192x8192xf32, #tpu.memory_space<hbm>> -> memref<8192x8192xf32, #tpu.memory_space<hbm>>
      tpu.wait_indirect_dma semaphore(%arg12 : memref<!tpu.dma_semaphore, #tpu.memory_space<semaphore_mem>>) src(%dma_wait3A_37 : memref<8192x8192xf32, #tpu.memory_space<hbm>>) dst(%arg9 : memref<4x8192xf32, #tpu.memory_space<vmem>>)
      %mul3A_38 = arith.constant 4 : i32
      %mul3A_39 = arith.muli %mul3A_32, %mul3A_38 : i32
      %add3A_40 = arith.addi %mul3A_2, %mul3A_39 : i32
      %dma_start3A_41 = arith.constant 0 : i32
      %dma_start3A_42 = tpu.memref_slice %arg5[%add3A_40, %dma_start3A_41] : memref<8192x8192xf32, #tpu.memory_space<hbm>> -> memref<4x8192xf32, #tpu.memory_space<hbm>>
      %dma_start3A_43 = arith.constant 0 : i32
      %dma_start3A_44 = tpu.memref_slice %arg5[%add3A_40, %dma_start3A_43] : memref<8192x8192xf32, #tpu.memory_space<hbm>> -> memref<4x8192xf32, #tpu.memory_space<hbm>>
      tpu.enqueue_dma source(%arg9 : memref<4x8192xf32, #tpu.memory_space<vmem>>) target(%dma_start3A_44 : memref<4x8192xf32, #tpu.memory_space<hbm>>) target_semaphore(%arg14 : memref<!tpu.dma_semaphore, #tpu.memory_space<semaphore_mem>>)
      %broadcast_in_dim3A_45 = arith.constant 1.000000e+00 : f32
      %broadcast_in_dim3A_46 = vector.broadcast %broadcast_in_dim3A_45 : f32 to vector<16xf32>
      %scan3A_47 = arith.constant 0 : i32
      %scan3A_48 = arith.constant 64 : i32
      %scan3A_49 = arith.addi %scan3A_47, %scan3A_48 : i32
      %scan3A_50 = arith.constant 1 : i32
      %scan3A_51:2 = scf.for %scan3A_732 = %scan3A_47 to %scan3A_49 step %scan3A_50 iter_args(%scan3A_733 = %broadcast_in_dim3A_5, %scan3A_734 = %broadcast_in_dim3A_5) -> (vector<16xf32>, vector<16xf32>)  : i32 {
        %mul3A_735 = arith.constant 128 : i32
        %mul3A_736 = arith.muli %scan3A_732, %mul3A_735 : i32
        %add3A_737 = arith.constant 0 : i32
        %add3A_738 = arith.addi %mul3A_736, %add3A_737 : i32
        %get3A_739 = arith.constant 0 : i32
        %get3A_740 = arith.index_cast %get3A_739 : i32 to index
        %get3A_741 = arith.index_cast %add3A_738 : i32 to index
        %get3A_742 = tpu.vector_load %arg9[%get3A_740, %get3A_741] {strides = array<i32>} : memref<4x8192xf32, #tpu.memory_space<vmem>>, vector<16xf32>,
        %exp3A_743 = math.exp %get3A_742 : vector<16xf32>
        %add3A_744 = arith.addf %scan3A_733, %exp3A_743 : vector<16xf32>
        %add3A_745 = arith.constant 16 : i32
        %add3A_746 = arith.addi %mul3A_736, %add3A_745 : i32
        %get3A_747 = arith.constant 0 : i32
        %get3A_748 = arith.index_cast %get3A_747 : i32 to index
        %get3A_749 = arith.index_cast %add3A_746 : i32 to index
        %get3A_750 = tpu.vector_load %arg9[%get3A_748, %get3A_749] {strides = array<i32>} : memref<4x8192xf32, #tpu.memory_space<vmem>>, vector<16xf32>,
        %exp3A_751 = math.exp %get3A_750 : vector<16xf32>
        %add3A_752 = arith.addf %scan3A_734, %exp3A_751 : vector<16xf32>
        %add3A_753 = arith.constant 32 : i32
        %add3A_754 = arith.addi %mul3A_736, %add3A_753 : i32
        %get3A_755 = arith.constant 0 : i32
        %get3A_756 = arith.index_cast %get3A_755 : i32 to index
        %get3A_757 = arith.index_cast %add3A_754 : i32 to index
        %get3A_758 = tpu.vector_load %arg9[%get3A_756, %get3A_757] {strides = array<i32>} : memref<4x8192xf32, #tpu.memory_space<vmem>>, vector<16xf32>,
        %exp3A_759 = math.exp %get3A_758 : vector<16xf32>
        %add3A_760 = arith.addf %add3A_744, %exp3A_759 : vector<16xf32>
        %add3A_761 = arith.constant 48 : i32
        %add3A_762 = arith.addi %mul3A_736, %add3A_761 : i32
        %get3A_763 = arith.constant 0 : i32
        %get3A_764 = arith.index_cast %get3A_763 : i32 to index
        %get3A_765 = arith.index_cast %add3A_762 : i32 to index
        %get3A_766 = tpu.vector_load %arg9[%get3A_764, %get3A_765] {strides = array<i32>} : memref<4x8192xf32, #tpu.memory_space<vmem>>, vector<16xf32>,
        %exp3A_767 = math.exp %get3A_766 : vector<16xf32>
        %add3A_768 = arith.addf %add3A_752, %exp3A_767 : vector<16xf32>
        %add3A_769 = arith.constant 64 : i32
        %add3A_770 = arith.addi %mul3A_736, %add3A_769 : i32
        %get3A_771 = arith.constant 0 : i32
        %get3A_772 = arith.index_cast %get3A_771 : i32 to index
        %get3A_773 = arith.index_cast %add3A_770 : i32 to index
        %get3A_774 = tpu.vector_load %arg9[%get3A_772, %get3A_773] {strides = array<i32>} : memref<4x8192xf32, #tpu.memory_space<vmem>>, vector<16xf32>,
        %exp3A_775 = math.exp %get3A_774 : vector<16xf32>
        %add3A_776 = arith.addf %add3A_760, %exp3A_775 : vector<16xf32>
        %add3A_777 = arith.constant 80 : i32
        %add3A_778 = arith.addi %mul3A_736, %add3A_777 : i32
        %get3A_779 = arith.constant 0 : i32
        %get3A_780 = arith.index_cast %get3A_779 : i32 to index
        %get3A_781 = arith.index_cast %add3A_778 : i32 to index
        %get3A_782 = tpu.vector_load %arg9[%get3A_780, %get3A_781] {strides = array<i32>} : memref<4x8192xf32, #tpu.memory_space<vmem>>, vector<16xf32>,
        %exp3A_783 = math.exp %get3A_782 : vector<16xf32>
        %add3A_784 = arith.addf %add3A_768, %exp3A_783 : vector<16xf32>
        %add3A_785 = arith.constant 96 : i32
        %add3A_786 = arith.addi %mul3A_736, %add3A_785 : i32
        %get3A_787 = arith.constant 0 : i32
        %get3A_788 = arith.index_cast %get3A_787 : i32 to index
        %get3A_789 = arith.index_cast %add3A_786 : i32 to index
        %get3A_790 = tpu.vector_load %arg9[%get3A_788, %get3A_789] {strides = array<i32>} : memref<4x8192xf32, #tpu.memory_space<vmem>>, vector<16xf32>,
        %exp3A_791 = math.exp %get3A_790 : vector<16xf32>
        %add3A_792 = arith.addf %add3A_776, %exp3A_791 : vector<16xf32>
        %add3A_793 = arith.constant 112 : i32
        %add3A_794 = arith.addi %mul3A_736, %add3A_793 : i32
        %get3A_795 = arith.constant 0 : i32
        %get3A_796 = arith.index_cast %get3A_795 : i32 to index
        %get3A_797 = arith.index_cast %add3A_794 : i32 to index
        %get3A_798 = tpu.vector_load %arg9[%get3A_796, %get3A_797] {strides = array<i32>} : memref<4x8192xf32, #tpu.memory_space<vmem>>, vector<16xf32>,
        %exp3A_799 = math.exp %get3A_798 : vector<16xf32>
        %add3A_800 = arith.addf %add3A_784, %exp3A_799 : vector<16xf32>
        scf.yield %add3A_792, %add3A_800 : vector<16xf32>, vector<16xf32>
      }
      %scan3A_52 = arith.constant 64 : i32
      %add3A_53 = arith.addf %scan3A_51#0, %scan3A_51#1 : vector<16xf32>
      %xor3A = arith.constant 8 : i32
      %xor3A_54 = vector.broadcast %xor3A : i32 to vector<16xi32>
      %xor3A_55 = arith.xori %iota3A, %xor3A_54 : vector<16xi32>
      %lt3A_56 = arith.constant 0 : i32
      %lt3A_57 = vector.broadcast %lt3A_56 : i32 to vector<16xi32>
      %lt3A_58 = arith.cmpi slt, %xor3A_55, %lt3A_57 : vector<16xi32>
      %add3A_59 = arith.constant 16 : i32
      %add3A_60 = vector.broadcast %add3A_59 : i32 to vector<16xi32>
      %add3A_61 = arith.addi %xor3A_55, %add3A_60 : vector<16xi32>
      %select_n3A = arith.select %lt3A_58, %add3A_61, %xor3A_55 : vector<16xi1>, vector<16xi32>
      %broadcast_in_dim3A_62 = vector.shape_cast %select_n3A : vector<16xi32> to vector<16x1xi32>
      %gather3A = vector.shape_cast %broadcast_in_dim3A_62 : vector<16x1xi32> to vector<16xi32>
      %gather3A_63 = tpu.dynamic_gather %add3A_53[%gather3A] in [0] : vector<16xf32>, vector<16xi32> -> vector<16xf32>
      %add3A_64 = arith.addf %add3A_53, %gather3A_63 : vector<16xf32>
      %xor3A_65 = arith.constant 4 : i32
      %xor3A_66 = vector.broadcast %xor3A_65 : i32 to vector<16xi32>
      %xor3A_67 = arith.xori %iota3A, %xor3A_66 : vector<16xi32>
      %lt3A_68 = arith.constant 0 : i32
      %lt3A_69 = vector.broadcast %lt3A_68 : i32 to vector<16xi32>
      %lt3A_70 = arith.cmpi slt, %xor3A_67, %lt3A_69 : vector<16xi32>
      %add3A_71 = arith.constant 16 : i32
      %add3A_72 = vector.broadcast %add3A_71 : i32 to vector<16xi32>
      %add3A_73 = arith.addi %xor3A_67, %add3A_72 : vector<16xi32>
      %select_n3A_74 = arith.select %lt3A_70, %add3A_73, %xor3A_67 : vector<16xi1>, vector<16xi32>
      %broadcast_in_dim3A_75 = vector.shape_cast %select_n3A_74 : vector<16xi32> to vector<16x1xi32>
      %gather3A_76 = vector.shape_cast %broadcast_in_dim3A_75 : vector<16x1xi32> to vector<16xi32>
      %gather3A_77 = tpu.dynamic_gather %add3A_64[%gather3A_76] in [0] : vector<16xf32>, vector<16xi32> -> vector<16xf32>
      %add3A_78 = arith.addf %add3A_64, %gather3A_77 : vector<16xf32>
      %xor3A_79 = arith.constant 2 : i32
      %xor3A_80 = vector.broadcast %xor3A_79 : i32 to vector<16xi32>
      %xor3A_81 = arith.xori %iota3A, %xor3A_80 : vector<16xi32>
      %lt3A_82 = arith.constant 0 : i32
      %lt3A_83 = vector.broadcast %lt3A_82 : i32 to vector<16xi32>
      %lt3A_84 = arith.cmpi slt, %xor3A_81, %lt3A_83 : vector<16xi32>
      %add3A_85 = arith.constant 16 : i32
      %add3A_86 = vector.broadcast %add3A_85 : i32 to vector<16xi32>
      %add3A_87 = arith.addi %xor3A_81, %add3A_86 : vector<16xi32>
      %select_n3A_88 = arith.select %lt3A_84, %add3A_87, %xor3A_81 : vector<16xi1>, vector<16xi32>
      %broadcast_in_dim3A_89 = vector.shape_cast %select_n3A_88 : vector<16xi32> to vector<16x1xi32>
      %gather3A_90 = vector.shape_cast %broadcast_in_dim3A_89 : vector<16x1xi32> to vector<16xi32>
      %gather3A_91 = tpu.dynamic_gather %add3A_78[%gather3A_90] in [0] : vector<16xf32>, vector<16xi32> -> vector<16xf32>
      %add3A_92 = arith.addf %add3A_78, %gather3A_91 : vector<16xf32>
      %xor3A_93 = arith.constant 1 : i32
      %xor3A_94 = vector.broadcast %xor3A_93 : i32 to vector<16xi32>
      %xor3A_95 = arith.xori %iota3A, %xor3A_94 : vector<16xi32>
      %lt3A_96 = arith.constant 0 : i32
      %lt3A_97 = vector.broadcast %lt3A_96 : i32 to vector<16xi32>
      %lt3A_98 = arith.cmpi slt, %xor3A_95, %lt3A_97 : vector<16xi32>
      %add3A_99 = arith.constant 16 : i32
      %add3A_100 = vector.broadcast %add3A_99 : i32 to vector<16xi32>
      %add3A_101 = arith.addi %xor3A_95, %add3A_100 : vector<16xi32>
      %select_n3A_102 = arith.select %lt3A_98, %add3A_101, %xor3A_95 : vector<16xi1>, vector<16xi32>
      %broadcast_in_dim3A_103 = vector.shape_cast %select_n3A_102 : vector<16xi32> to vector<16x1xi32>
      %gather3A_104 = vector.shape_cast %broadcast_in_dim3A_103 : vector<16x1xi32> to vector<16xi32>
      %gather3A_105 = tpu.dynamic_gather %add3A_92[%gather3A_104] in [0] : vector<16xf32>, vector<16xi32> -> vector<16xf32>
      %add3A_106 = arith.addf %add3A_92, %gather3A_105 : vector<16xf32>
      %eq3A = arith.constant 0 : i32
      %eq3A_107 = vector.broadcast %eq3A : i32 to vector<16xi32>
      %eq3A_108 = arith.cmpi eq, %iota3A, %eq3A_107 : vector<16xi32>
      %select_n3A_109 = arith.select %eq3A_108, %add3A_106, %broadcast_in_dim3A_46 : vector<16xi1>, vector<16xf32>
      %scan3A_110 = arith.constant 0 : i32
      %scan3A_111 = arith.constant 64 : i32
      %scan3A_112 = arith.addi %scan3A_110, %scan3A_111 : i32
      %scan3A_113 = arith.constant 1 : i32
      %scan3A_114:2 = scf.for %scan3A_732 = %scan3A_110 to %scan3A_112 step %scan3A_113 iter_args(%scan3A_733 = %broadcast_in_dim3A_5, %scan3A_734 = %broadcast_in_dim3A_5) -> (vector<16xf32>, vector<16xf32>)  : i32 {
        %mul3A_735 = arith.constant 128 : i32
        %mul3A_736 = arith.muli %scan3A_732, %mul3A_735 : i32
        %add3A_737 = arith.constant 0 : i32
        %add3A_738 = arith.addi %mul3A_736, %add3A_737 : i32
        %get3A_739 = arith.constant 1 : i32
        %get3A_740 = arith.index_cast %get3A_739 : i32 to index
        %get3A_741 = arith.index_cast %add3A_738 : i32 to index
        %get3A_742 = tpu.vector_load %arg9[%get3A_740, %get3A_741] {strides = array<i32>} : memref<4x8192xf32, #tpu.memory_space<vmem>>, vector<16xf32>,
        %exp3A_743 = math.exp %get3A_742 : vector<16xf32>
        %add3A_744 = arith.addf %scan3A_733, %exp3A_743 : vector<16xf32>
        %add3A_745 = arith.constant 16 : i32
        %add3A_746 = arith.addi %mul3A_736, %add3A_745 : i32
        %get3A_747 = arith.constant 1 : i32
        %get3A_748 = arith.index_cast %get3A_747 : i32 to index
        %get3A_749 = arith.index_cast %add3A_746 : i32 to index
        %get3A_750 = tpu.vector_load %arg9[%get3A_748, %get3A_749] {strides = array<i32>} : memref<4x8192xf32, #tpu.memory_space<vmem>>, vector<16xf32>,
        %exp3A_751 = math.exp %get3A_750 : vector<16xf32>
        %add3A_752 = arith.addf %scan3A_734, %exp3A_751 : vector<16xf32>
        %add3A_753 = arith.constant 32 : i32
        %add3A_754 = arith.addi %mul3A_736, %add3A_753 : i32
        %get3A_755 = arith.constant 1 : i32
        %get3A_756 = arith.index_cast %get3A_755 : i32 to index
        %get3A_757 = arith.index_cast %add3A_754 : i32 to index
        %get3A_758 = tpu.vector_load %arg9[%get3A_756, %get3A_757] {strides = array<i32>} : memref<4x8192xf32, #tpu.memory_space<vmem>>, vector<16xf32>,
        %exp3A_759 = math.exp %get3A_758 : vector<16xf32>
        %add3A_760 = arith.addf %add3A_744, %exp3A_759 : vector<16xf32>
        %add3A_761 = arith.constant 48 : i32
        %add3A_762 = arith.addi %mul3A_736, %add3A_761 : i32
        %get3A_763 = arith.constant 1 : i32
        %get3A_764 = arith.index_cast %get3A_763 : i32 to index
        %get3A_765 = arith.index_cast %add3A_762 : i32 to index
        %get3A_766 = tpu.vector_load %arg9[%get3A_764, %get3A_765] {strides = array<i32>} : memref<4x8192xf32, #tpu.memory_space<vmem>>, vector<16xf32>,
        %exp3A_767 = math.exp %get3A_766 : vector<16xf32>
        %add3A_768 = arith.addf %add3A_752, %exp3A_767 : vector<16xf32>
        %add3A_769 = arith.constant 64 : i32
        %add3A_770 = arith.addi %mul3A_736, %add3A_769 : i32
        %get3A_771 = arith.constant 1 : i32
        %get3A_772 = arith.index_cast %get3A_771 : i32 to index
        %get3A_773 = arith.index_cast %add3A_770 : i32 to index
        %get3A_774 = tpu.vector_load %arg9[%get3A_772, %get3A_773] {strides = array<i32>} : memref<4x8192xf32, #tpu.memory_space<vmem>>, vector<16xf32>,
        %exp3A_775 = math.exp %get3A_774 : vector<16xf32>
        %add3A_776 = arith.addf %add3A_760, %exp3A_775 : vector<16xf32>
        %add3A_777 = arith.constant 80 : i32
        %add3A_778 = arith.addi %mul3A_736, %add3A_777 : i32
        %get3A_779 = arith.constant 1 : i32
        %get3A_780 = arith.index_cast %get3A_779 : i32 to index
        %get3A_781 = arith.index_cast %add3A_778 : i32 to index
        %get3A_782 = tpu.vector_load %arg9[%get3A_780, %get3A_781] {strides = array<i32>} : memref<4x8192xf32, #tpu.memory_space<vmem>>, vector<16xf32>,
        %exp3A_783 = math.exp %get3A_782 : vector<16xf32>
        %add3A_784 = arith.addf %add3A_768, %exp3A_783 : vector<16xf32>
        %add3A_785 = arith.constant 96 : i32
        %add3A_786 = arith.addi %mul3A_736, %add3A_785 : i32
        %get3A_787 = arith.constant 1 : i32
        %get3A_788 = arith.index_cast %get3A_787 : i32 to index
        %get3A_789 = arith.index_cast %add3A_786 : i32 to index
        %get3A_790 = tpu.vector_load %arg9[%get3A_788, %get3A_789] {strides = array<i32>} : memref<4x8192xf32, #tpu.memory_space<vmem>>, vector<16xf32>,
        %exp3A_791 = math.exp %get3A_790 : vector<16xf32>
        %add3A_792 = arith.addf %add3A_776, %exp3A_791 : vector<16xf32>
        %add3A_793 = arith.constant 112 : i32
        %add3A_794 = arith.addi %mul3A_736, %add3A_793 : i32
        %get3A_795 = arith.constant 1 : i32
        %get3A_796 = arith.index_cast %get3A_795 : i32 to index
        %get3A_797 = arith.index_cast %add3A_794 : i32 to index
        %get3A_798 = tpu.vector_load %arg9[%get3A_796, %get3A_797] {strides = array<i32>} : memref<4x8192xf32, #tpu.memory_space<vmem>>, vector<16xf32>,
        %exp3A_799 = math.exp %get3A_798 : vector<16xf32>
        %add3A_800 = arith.addf %add3A_784, %exp3A_799 : vector<16xf32>
        scf.yield %add3A_792, %add3A_800 : vector<16xf32>, vector<16xf32>
      }
      %scan3A_115 = arith.constant 64 : i32
      %add3A_116 = arith.addf %scan3A_114#0, %scan3A_114#1 : vector<16xf32>
      %xor3A_117 = arith.constant 8 : i32
      %xor3A_118 = vector.broadcast %xor3A_117 : i32 to vector<16xi32>
      %xor3A_119 = arith.xori %iota3A, %xor3A_118 : vector<16xi32>
      %lt3A_120 = arith.constant 0 : i32
      %lt3A_121 = vector.broadcast %lt3A_120 : i32 to vector<16xi32>
      %lt3A_122 = arith.cmpi slt, %xor3A_119, %lt3A_121 : vector<16xi32>
      %add3A_123 = arith.constant 16 : i32
      %add3A_124 = vector.broadcast %add3A_123 : i32 to vector<16xi32>
      %add3A_125 = arith.addi %xor3A_119, %add3A_124 : vector<16xi32>
      %select_n3A_126 = arith.select %lt3A_122, %add3A_125, %xor3A_119 : vector<16xi1>, vector<16xi32>
      %broadcast_in_dim3A_127 = vector.shape_cast %select_n3A_126 : vector<16xi32> to vector<16x1xi32>
      %gather3A_128 = vector.shape_cast %broadcast_in_dim3A_127 : vector<16x1xi32> to vector<16xi32>
      %gather3A_129 = tpu.dynamic_gather %add3A_116[%gather3A_128] in [0] : vector<16xf32>, vector<16xi32> -> vector<16xf32>
      %add3A_130 = arith.addf %add3A_116, %gather3A_129 : vector<16xf32>
      %xor3A_131 = arith.constant 4 : i32
      %xor3A_132 = vector.broadcast %xor3A_131 : i32 to vector<16xi32>
      %xor3A_133 = arith.xori %iota3A, %xor3A_132 : vector<16xi32>
      %lt3A_134 = arith.constant 0 : i32
      %lt3A_135 = vector.broadcast %lt3A_134 : i32 to vector<16xi32>
      %lt3A_136 = arith.cmpi slt, %xor3A_133, %lt3A_135 : vector<16xi32>
      %add3A_137 = arith.constant 16 : i32
      %add3A_138 = vector.broadcast %add3A_137 : i32 to vector<16xi32>
      %add3A_139 = arith.addi %xor3A_133, %add3A_138 : vector<16xi32>
      %select_n3A_140 = arith.select %lt3A_136, %add3A_139, %xor3A_133 : vector<16xi1>, vector<16xi32>
      %broadcast_in_dim3A_141 = vector.shape_cast %select_n3A_140 : vector<16xi32> to vector<16x1xi32>
      %gather3A_142 = vector.shape_cast %broadcast_in_dim3A_141 : vector<16x1xi32> to vector<16xi32>
      %gather3A_143 = tpu.dynamic_gather %add3A_130[%gather3A_142] in [0] : vector<16xf32>, vector<16xi32> -> vector<16xf32>
      %add3A_144 = arith.addf %add3A_130, %gather3A_143 : vector<16xf32>
      %xor3A_145 = arith.constant 2 : i32
      %xor3A_146 = vector.broadcast %xor3A_145 : i32 to vector<16xi32>
      %xor3A_147 = arith.xori %iota3A, %xor3A_146 : vector<16xi32>
      %lt3A_148 = arith.constant 0 : i32
      %lt3A_149 = vector.broadcast %lt3A_148 : i32 to vector<16xi32>
      %lt3A_150 = arith.cmpi slt, %xor3A_147, %lt3A_149 : vector<16xi32>
      %add3A_151 = arith.constant 16 : i32
      %add3A_152 = vector.broadcast %add3A_151 : i32 to vector<16xi32>
      %add3A_153 = arith.addi %xor3A_147, %add3A_152 : vector<16xi32>
      %select_n3A_154 = arith.select %lt3A_150, %add3A_153, %xor3A_147 : vector<16xi1>, vector<16xi32>
      %broadcast_in_dim3A_155 = vector.shape_cast %select_n3A_154 : vector<16xi32> to vector<16x1xi32>
      %gather3A_156 = vector.shape_cast %broadcast_in_dim3A_155 : vector<16x1xi32> to vector<16xi32>
      %gather3A_157 = tpu.dynamic_gather %add3A_144[%gather3A_156] in [0] : vector<16xf32>, vector<16xi32> -> vector<16xf32>
      %add3A_158 = arith.addf %add3A_144, %gather3A_157 : vector<16xf32>
      %xor3A_159 = arith.constant 1 : i32
      %xor3A_160 = vector.broadcast %xor3A_159 : i32 to vector<16xi32>
      %xor3A_161 = arith.xori %iota3A, %xor3A_160 : vector<16xi32>
      %lt3A_162 = arith.constant 0 : i32
      %lt3A_163 = vector.broadcast %lt3A_162 : i32 to vector<16xi32>
      %lt3A_164 = arith.cmpi slt, %xor3A_161, %lt3A_163 : vector<16xi32>
      %add3A_165 = arith.constant 16 : i32
      %add3A_166 = vector.broadcast %add3A_165 : i32 to vector<16xi32>
      %add3A_167 = arith.addi %xor3A_161, %add3A_166 : vector<16xi32>
      %select_n3A_168 = arith.select %lt3A_164, %add3A_167, %xor3A_161 : vector<16xi1>, vector<16xi32>
      %broadcast_in_dim3A_169 = vector.shape_cast %select_n3A_168 : vector<16xi32> to vector<16x1xi32>
      %gather3A_170 = vector.shape_cast %broadcast_in_dim3A_169 : vector<16x1xi32> to vector<16xi32>
      %gather3A_171 = tpu.dynamic_gather %add3A_158[%gather3A_170] in [0] : vector<16xf32>, vector<16xi32> -> vector<16xf32>
      %add3A_172 = arith.addf %add3A_158, %gather3A_171 : vector<16xf32>
      %eq3A_173 = arith.constant 1 : i32
      %eq3A_174 = vector.broadcast %eq3A_173 : i32 to vector<16xi32>
      %eq3A_175 = arith.cmpi eq, %iota3A, %eq3A_174 : vector<16xi32>
      %select_n3A_176 = arith.select %eq3A_175, %add3A_172, %select_n3A_109 : vector<16xi1>, vector<16xf32>
      %scan3A_177 = arith.constant 0 : i32
      %scan3A_178 = arith.constant 64 : i32
      %scan3A_179 = arith.addi %scan3A_177, %scan3A_178 : i32
      %scan3A_180 = arith.constant 1 : i32
      %scan3A_181:2 = scf.for %scan3A_732 = %scan3A_177 to %scan3A_179 step %scan3A_180 iter_args(%scan3A_733 = %broadcast_in_dim3A_5, %scan3A_734 = %broadcast_in_dim3A_5) -> (vector<16xf32>, vector<16xf32>)  : i32 {
        %mul3A_735 = arith.constant 128 : i32
        %mul3A_736 = arith.muli %scan3A_732, %mul3A_735 : i32
        %add3A_737 = arith.constant 0 : i32
        %add3A_738 = arith.addi %mul3A_736, %add3A_737 : i32
        %get3A_739 = arith.constant 2 : i32
        %get3A_740 = arith.index_cast %get3A_739 : i32 to index
        %get3A_741 = arith.index_cast %add3A_738 : i32 to index
        %get3A_742 = tpu.vector_load %arg9[%get3A_740, %get3A_741] {strides = array<i32>} : memref<4x8192xf32, #tpu.memory_space<vmem>>, vector<16xf32>,
        %exp3A_743 = math.exp %get3A_742 : vector<16xf32>
        %add3A_744 = arith.addf %scan3A_733, %exp3A_743 : vector<16xf32>
        %add3A_745 = arith.constant 16 : i32
        %add3A_746 = arith.addi %mul3A_736, %add3A_745 : i32
        %get3A_747 = arith.constant 2 : i32
        %get3A_748 = arith.index_cast %get3A_747 : i32 to index
        %get3A_749 = arith.index_cast %add3A_746 : i32 to index
        %get3A_750 = tpu.vector_load %arg9[%get3A_748, %get3A_749] {strides = array<i32>} : memref<4x8192xf32, #tpu.memory_space<vmem>>, vector<16xf32>,
        %exp3A_751 = math.exp %get3A_750 : vector<16xf32>
        %add3A_752 = arith.addf %scan3A_734, %exp3A_751 : vector<16xf32>
        %add3A_753 = arith.constant 32 : i32
        %add3A_754 = arith.addi %mul3A_736, %add3A_753 : i32
        %get3A_755 = arith.constant 2 : i32
        %get3A_756 = arith.index_cast %get3A_755 : i32 to index
        %get3A_757 = arith.index_cast %add3A_754 : i32 to index
        %get3A_758 = tpu.vector_load %arg9[%get3A_756, %get3A_757] {strides = array<i32>} : memref<4x8192xf32, #tpu.memory_space<vmem>>, vector<16xf32>,
        %exp3A_759 = math.exp %get3A_758 : vector<16xf32>
        %add3A_760 = arith.addf %add3A_744, %exp3A_759 : vector<16xf32>
        %add3A_761 = arith.constant 48 : i32
        %add3A_762 = arith.addi %mul3A_736, %add3A_761 : i32
        %get3A_763 = arith.constant 2 : i32
        %get3A_764 = arith.index_cast %get3A_763 : i32 to index
        %get3A_765 = arith.index_cast %add3A_762 : i32 to index
        %get3A_766 = tpu.vector_load %arg9[%get3A_764, %get3A_765] {strides = array<i32>} : memref<4x8192xf32, #tpu.memory_space<vmem>>, vector<16xf32>,
        %exp3A_767 = math.exp %get3A_766 : vector<16xf32>
        %add3A_768 = arith.addf %add3A_752, %exp3A_767 : vector<16xf32>
        %add3A_769 = arith.constant 64 : i32
        %add3A_770 = arith.addi %mul3A_736, %add3A_769 : i32
        %get3A_771 = arith.constant 2 : i32
        %get3A_772 = arith.index_cast %get3A_771 : i32 to index
        %get3A_773 = arith.index_cast %add3A_770 : i32 to index
        %get3A_774 = tpu.vector_load %arg9[%get3A_772, %get3A_773] {strides = array<i32>} : memref<4x8192xf32, #tpu.memory_space<vmem>>, vector<16xf32>,
        %exp3A_775 = math.exp %get3A_774 : vector<16xf32>
        %add3A_776 = arith.addf %add3A_760, %exp3A_775 : vector<16xf32>
        %add3A_777 = arith.constant 80 : i32
        %add3A_778 = arith.addi %mul3A_736, %add3A_777 : i32
        %get3A_779 = arith.constant 2 : i32
        %get3A_780 = arith.index_cast %get3A_779 : i32 to index
        %get3A_781 = arith.index_cast %add3A_778 : i32 to index
        %get3A_782 = tpu.vector_load %arg9[%get3A_780, %get3A_781] {strides = array<i32>} : memref<4x8192xf32, #tpu.memory_space<vmem>>, vector<16xf32>,
        %exp3A_783 = math.exp %get3A_782 : vector<16xf32>
        %add3A_784 = arith.addf %add3A_768, %exp3A_783 : vector<16xf32>
        %add3A_785 = arith.constant 96 : i32
        %add3A_786 = arith.addi %mul3A_736, %add3A_785 : i32
        %get3A_787 = arith.constant 2 : i32
        %get3A_788 = arith.index_cast %get3A_787 : i32 to index
        %get3A_789 = arith.index_cast %add3A_786 : i32 to index
        %get3A_790 = tpu.vector_load %arg9[%get3A_788, %get3A_789] {strides = array<i32>} : memref<4x8192xf32, #tpu.memory_space<vmem>>, vector<16xf32>,
        %exp3A_791 = math.exp %get3A_790 : vector<16xf32>
        %add3A_792 = arith.addf %add3A_776, %exp3A_791 : vector<16xf32>
        %add3A_793 = arith.constant 112 : i32
        %add3A_794 = arith.addi %mul3A_736, %add3A_793 : i32
        %get3A_795 = arith.constant 2 : i32
        %get3A_796 = arith.index_cast %get3A_795 : i32 to index
        %get3A_797 = arith.index_cast %add3A_794 : i32 to index
        %get3A_798 = tpu.vector_load %arg9[%get3A_796, %get3A_797] {strides = array<i32>} : memref<4x8192xf32, #tpu.memory_space<vmem>>, vector<16xf32>,
        %exp3A_799 = math.exp %get3A_798 : vector<16xf32>
        %add3A_800 = arith.addf %add3A_784, %exp3A_799 : vector<16xf32>
        scf.yield %add3A_792, %add3A_800 : vector<16xf32>, vector<16xf32>
      }
      %scan3A_182 = arith.constant 64 : i32
      %add3A_183 = arith.addf %scan3A_181#0, %scan3A_181#1 : vector<16xf32>
      %xor3A_184 = arith.constant 8 : i32
      %xor3A_185 = vector.broadcast %xor3A_184 : i32 to vector<16xi32>
      %xor3A_186 = arith.xori %iota3A, %xor3A_185 : vector<16xi32>
      %lt3A_187 = arith.constant 0 : i32
      %lt3A_188 = vector.broadcast %lt3A_187 : i32 to vector<16xi32>
      %lt3A_189 = arith.cmpi slt, %xor3A_186, %lt3A_188 : vector<16xi32>
      %add3A_190 = arith.constant 16 : i32
      %add3A_191 = vector.broadcast %add3A_190 : i32 to vector<16xi32>
      %add3A_192 = arith.addi %xor3A_186, %add3A_191 : vector<16xi32>
      %select_n3A_193 = arith.select %lt3A_189, %add3A_192, %xor3A_186 : vector<16xi1>, vector<16xi32>
      %broadcast_in_dim3A_194 = vector.shape_cast %select_n3A_193 : vector<16xi32> to vector<16x1xi32>
      %gather3A_195 = vector.shape_cast %broadcast_in_dim3A_194 : vector<16x1xi32> to vector<16xi32>
      %gather3A_196 = tpu.dynamic_gather %add3A_183[%gather3A_195] in [0] : vector<16xf32>, vector<16xi32> -> vector<16xf32>
      %add3A_197 = arith.addf %add3A_183, %gather3A_196 : vector<16xf32>
      %xor3A_198 = arith.constant 4 : i32
      %xor3A_199 = vector.broadcast %xor3A_198 : i32 to vector<16xi32>
      %xor3A_200 = arith.xori %iota3A, %xor3A_199 : vector<16xi32>
      %lt3A_201 = arith.constant 0 : i32
      %lt3A_202 = vector.broadcast %lt3A_201 : i32 to vector<16xi32>
      %lt3A_203 = arith.cmpi slt, %xor3A_200, %lt3A_202 : vector<16xi32>
      %add3A_204 = arith.constant 16 : i32
      %add3A_205 = vector.broadcast %add3A_204 : i32 to vector<16xi32>
      %add3A_206 = arith.addi %xor3A_200, %add3A_205 : vector<16xi32>
      %select_n3A_207 = arith.select %lt3A_203, %add3A_206, %xor3A_200 : vector<16xi1>, vector<16xi32>
      %broadcast_in_dim3A_208 = vector.shape_cast %select_n3A_207 : vector<16xi32> to vector<16x1xi32>
      %gather3A_209 = vector.shape_cast %broadcast_in_dim3A_208 : vector<16x1xi32> to vector<16xi32>
      %gather3A_210 = tpu.dynamic_gather %add3A_197[%gather3A_209] in [0] : vector<16xf32>, vector<16xi32> -> vector<16xf32>
      %add3A_211 = arith.addf %add3A_197, %gather3A_210 : vector<16xf32>
      %xor3A_212 = arith.constant 2 : i32
      %xor3A_213 = vector.broadcast %xor3A_212 : i32 to vector<16xi32>
      %xor3A_214 = arith.xori %iota3A, %xor3A_213 : vector<16xi32>
      %lt3A_215 = arith.constant 0 : i32
      %lt3A_216 = vector.broadcast %lt3A_215 : i32 to vector<16xi32>
      %lt3A_217 = arith.cmpi slt, %xor3A_214, %lt3A_216 : vector<16xi32>
      %add3A_218 = arith.constant 16 : i32
      %add3A_219 = vector.broadcast %add3A_218 : i32 to vector<16xi32>
      %add3A_220 = arith.addi %xor3A_214, %add3A_219 : vector<16xi32>
      %select_n3A_221 = arith.select %lt3A_217, %add3A_220, %xor3A_214 : vector<16xi1>, vector<16xi32>
      %broadcast_in_dim3A_222 = vector.shape_cast %select_n3A_221 : vector<16xi32> to vector<16x1xi32>
      %gather3A_223 = vector.shape_cast %broadcast_in_dim3A_222 : vector<16x1xi32> to vector<16xi32>
      %gather3A_224 = tpu.dynamic_gather %add3A_211[%gather3A_223] in [0] : vector<16xf32>, vector<16xi32> -> vector<16xf32>
      %add3A_225 = arith.addf %add3A_211, %gather3A_224 : vector<16xf32>
      %xor3A_226 = arith.constant 1 : i32
      %xor3A_227 = vector.broadcast %xor3A_226 : i32 to vector<16xi32>
      %xor3A_228 = arith.xori %iota3A, %xor3A_227 : vector<16xi32>
      %lt3A_229 = arith.constant 0 : i32
      %lt3A_230 = vector.broadcast %lt3A_229 : i32 to vector<16xi32>
      %lt3A_231 = arith.cmpi slt, %xor3A_228, %lt3A_230 : vector<16xi32>
      %add3A_232 = arith.constant 16 : i32
      %add3A_233 = vector.broadcast %add3A_232 : i32 to vector<16xi32>
      %add3A_234 = arith.addi %xor3A_228, %add3A_233 : vector<16xi32>
      %select_n3A_235 = arith.select %lt3A_231, %add3A_234, %xor3A_228 : vector<16xi1>, vector<16xi32>
      %broadcast_in_dim3A_236 = vector.shape_cast %select_n3A_235 : vector<16xi32> to vector<16x1xi32>
      %gather3A_237 = vector.shape_cast %broadcast_in_dim3A_236 : vector<16x1xi32> to vector<16xi32>
      %gather3A_238 = tpu.dynamic_gather %add3A_225[%gather3A_237] in [0] : vector<16xf32>, vector<16xi32> -> vector<16xf32>
      %add3A_239 = arith.addf %add3A_225, %gather3A_238 : vector<16xf32>
      %eq3A_240 = arith.constant 2 : i32
      %eq3A_241 = vector.broadcast %eq3A_240 : i32 to vector<16xi32>
      %eq3A_242 = arith.cmpi eq, %iota3A, %eq3A_241 : vector<16xi32>
      %select_n3A_243 = arith.select %eq3A_242, %add3A_239, %select_n3A_176 : vector<16xi1>, vector<16xf32>
      %scan3A_244 = arith.constant 0 : i32
      %scan3A_245 = arith.constant 64 : i32
      %scan3A_246 = arith.addi %scan3A_244, %scan3A_245 : i32
      %scan3A_247 = arith.constant 1 : i32
      %scan3A_248:2 = scf.for %scan3A_732 = %scan3A_244 to %scan3A_246 step %scan3A_247 iter_args(%scan3A_733 = %broadcast_in_dim3A_5, %scan3A_734 = %broadcast_in_dim3A_5) -> (vector<16xf32>, vector<16xf32>)  : i32 {
        %mul3A_735 = arith.constant 128 : i32
        %mul3A_736 = arith.muli %scan3A_732, %mul3A_735 : i32
        %add3A_737 = arith.constant 0 : i32
        %add3A_738 = arith.addi %mul3A_736, %add3A_737 : i32
        %get3A_739 = arith.constant 3 : i32
        %get3A_740 = arith.index_cast %get3A_739 : i32 to index
        %get3A_741 = arith.index_cast %add3A_738 : i32 to index
        %get3A_742 = tpu.vector_load %arg9[%get3A_740, %get3A_741] {strides = array<i32>} : memref<4x8192xf32, #tpu.memory_space<vmem>>, vector<16xf32>,
        %exp3A_743 = math.exp %get3A_742 : vector<16xf32>
        %add3A_744 = arith.addf %scan3A_733, %exp3A_743 : vector<16xf32>
        %add3A_745 = arith.constant 16 : i32
        %add3A_746 = arith.addi %mul3A_736, %add3A_745 : i32
        %get3A_747 = arith.constant 3 : i32
        %get3A_748 = arith.index_cast %get3A_747 : i32 to index
        %get3A_749 = arith.index_cast %add3A_746 : i32 to index
        %get3A_750 = tpu.vector_load %arg9[%get3A_748, %get3A_749] {strides = array<i32>} : memref<4x8192xf32, #tpu.memory_space<vmem>>, vector<16xf32>,
        %exp3A_751 = math.exp %get3A_750 : vector<16xf32>
        %add3A_752 = arith.addf %scan3A_734, %exp3A_751 : vector<16xf32>
        %add3A_753 = arith.constant 32 : i32
        %add3A_754 = arith.addi %mul3A_736, %add3A_753 : i32
        %get3A_755 = arith.constant 3 : i32
        %get3A_756 = arith.index_cast %get3A_755 : i32 to index
        %get3A_757 = arith.index_cast %add3A_754 : i32 to index
        %get3A_758 = tpu.vector_load %arg9[%get3A_756, %get3A_757] {strides = array<i32>} : memref<4x8192xf32, #tpu.memory_space<vmem>>, vector<16xf32>,
        %exp3A_759 = math.exp %get3A_758 : vector<16xf32>
        %add3A_760 = arith.addf %add3A_744, %exp3A_759 : vector<16xf32>
        %add3A_761 = arith.constant 48 : i32
        %add3A_762 = arith.addi %mul3A_736, %add3A_761 : i32
        %get3A_763 = arith.constant 3 : i32
        %get3A_764 = arith.index_cast %get3A_763 : i32 to index
        %get3A_765 = arith.index_cast %add3A_762 : i32 to index
        %get3A_766 = tpu.vector_load %arg9[%get3A_764, %get3A_765] {strides = array<i32>} : memref<4x8192xf32, #tpu.memory_space<vmem>>, vector<16xf32>,
        %exp3A_767 = math.exp %get3A_766 : vector<16xf32>
        %add3A_768 = arith.addf %add3A_752, %exp3A_767 : vector<16xf32>
        %add3A_769 = arith.constant 64 : i32
        %add3A_770 = arith.addi %mul3A_736, %add3A_769 : i32
        %get3A_771 = arith.constant 3 : i32
        %get3A_772 = arith.index_cast %get3A_771 : i32 to index
        %get3A_773 = arith.index_cast %add3A_770 : i32 to index
        %get3A_774 = tpu.vector_load %arg9[%get3A_772, %get3A_773] {strides = array<i32>} : memref<4x8192xf32, #tpu.memory_space<vmem>>, vector<16xf32>,
        %exp3A_775 = math.exp %get3A_774 : vector<16xf32>
        %add3A_776 = arith.addf %add3A_760, %exp3A_775 : vector<16xf32>
        %add3A_777 = arith.constant 80 : i32
        %add3A_778 = arith.addi %mul3A_736, %add3A_777 : i32
        %get3A_779 = arith.constant 3 : i32
        %get3A_780 = arith.index_cast %get3A_779 : i32 to index
        %get3A_781 = arith.index_cast %add3A_778 : i32 to index
        %get3A_782 = tpu.vector_load %arg9[%get3A_780, %get3A_781] {strides = array<i32>} : memref<4x8192xf32, #tpu.memory_space<vmem>>, vector<16xf32>,
        %exp3A_783 = math.exp %get3A_782 : vector<16xf32>
        %add3A_784 = arith.addf %add3A_768, %exp3A_783 : vector<16xf32>
        %add3A_785 = arith.constant 96 : i32
        %add3A_786 = arith.addi %mul3A_736, %add3A_785 : i32
        %get3A_787 = arith.constant 3 : i32
        %get3A_788 = arith.index_cast %get3A_787 : i32 to index
        %get3A_789 = arith.index_cast %add3A_786 : i32 to index
        %get3A_790 = tpu.vector_load %arg9[%get3A_788, %get3A_789] {strides = array<i32>} : memref<4x8192xf32, #tpu.memory_space<vmem>>, vector<16xf32>,
        %exp3A_791 = math.exp %get3A_790 : vector<16xf32>
        %add3A_792 = arith.addf %add3A_776, %exp3A_791 : vector<16xf32>
        %add3A_793 = arith.constant 112 : i32
        %add3A_794 = arith.addi %mul3A_736, %add3A_793 : i32
        %get3A_795 = arith.constant 3 : i32
        %get3A_796 = arith.index_cast %get3A_795 : i32 to index
        %get3A_797 = arith.index_cast %add3A_794 : i32 to index
        %get3A_798 = tpu.vector_load %arg9[%get3A_796, %get3A_797] {strides = array<i32>} : memref<4x8192xf32, #tpu.memory_space<vmem>>, vector<16xf32>,
        %exp3A_799 = math.exp %get3A_798 : vector<16xf32>
        %add3A_800 = arith.addf %add3A_784, %exp3A_799 : vector<16xf32>
        scf.yield %add3A_792, %add3A_800 : vector<16xf32>, vector<16xf32>
      }
      %scan3A_249 = arith.constant 64 : i32
      %add3A_250 = arith.addf %scan3A_248#0, %scan3A_248#1 : vector<16xf32>
      %xor3A_251 = arith.constant 8 : i32
      %xor3A_252 = vector.broadcast %xor3A_251 : i32 to vector<16xi32>
      %xor3A_253 = arith.xori %iota3A, %xor3A_252 : vector<16xi32>
      %lt3A_254 = arith.constant 0 : i32
      %lt3A_255 = vector.broadcast %lt3A_254 : i32 to vector<16xi32>
      %lt3A_256 = arith.cmpi slt, %xor3A_253, %lt3A_255 : vector<16xi32>
      %add3A_257 = arith.constant 16 : i32
      %add3A_258 = vector.broadcast %add3A_257 : i32 to vector<16xi32>
      %add3A_259 = arith.addi %xor3A_253, %add3A_258 : vector<16xi32>
      %select_n3A_260 = arith.select %lt3A_256, %add3A_259, %xor3A_253 : vector<16xi1>, vector<16xi32>
      %broadcast_in_dim3A_261 = vector.shape_cast %select_n3A_260 : vector<16xi32> to vector<16x1xi32>
      %gather3A_262 = vector.shape_cast %broadcast_in_dim3A_261 : vector<16x1xi32> to vector<16xi32>
      %gather3A_263 = tpu.dynamic_gather %add3A_250[%gather3A_262] in [0] : vector<16xf32>, vector<16xi32> -> vector<16xf32>
      %add3A_264 = arith.addf %add3A_250, %gather3A_263 : vector<16xf32>
      %xor3A_265 = arith.constant 4 : i32
      %xor3A_266 = vector.broadcast %xor3A_265 : i32 to vector<16xi32>
      %xor3A_267 = arith.xori %iota3A, %xor3A_266 : vector<16xi32>
      %lt3A_268 = arith.constant 0 : i32
      %lt3A_269 = vector.broadcast %lt3A_268 : i32 to vector<16xi32>
      %lt3A_270 = arith.cmpi slt, %xor3A_267, %lt3A_269 : vector<16xi32>
      %add3A_271 = arith.constant 16 : i32
      %add3A_272 = vector.broadcast %add3A_271 : i32 to vector<16xi32>
      %add3A_273 = arith.addi %xor3A_267, %add3A_272 : vector<16xi32>
      %select_n3A_274 = arith.select %lt3A_270, %add3A_273, %xor3A_267 : vector<16xi1>, vector<16xi32>
      %broadcast_in_dim3A_275 = vector.shape_cast %select_n3A_274 : vector<16xi32> to vector<16x1xi32>
      %gather3A_276 = vector.shape_cast %broadcast_in_dim3A_275 : vector<16x1xi32> to vector<16xi32>
      %gather3A_277 = tpu.dynamic_gather %add3A_264[%gather3A_276] in [0] : vector<16xf32>, vector<16xi32> -> vector<16xf32>
      %add3A_278 = arith.addf %add3A_264, %gather3A_277 : vector<16xf32>
      %xor3A_279 = arith.constant 2 : i32
      %xor3A_280 = vector.broadcast %xor3A_279 : i32 to vector<16xi32>
      %xor3A_281 = arith.xori %iota3A, %xor3A_280 : vector<16xi32>
      %lt3A_282 = arith.constant 0 : i32
      %lt3A_283 = vector.broadcast %lt3A_282 : i32 to vector<16xi32>
      %lt3A_284 = arith.cmpi slt, %xor3A_281, %lt3A_283 : vector<16xi32>
      %add3A_285 = arith.constant 16 : i32
      %add3A_286 = vector.broadcast %add3A_285 : i32 to vector<16xi32>
      %add3A_287 = arith.addi %xor3A_281, %add3A_286 : vector<16xi32>
      %select_n3A_288 = arith.select %lt3A_284, %add3A_287, %xor3A_281 : vector<16xi1>, vector<16xi32>
      %broadcast_in_dim3A_289 = vector.shape_cast %select_n3A_288 : vector<16xi32> to vector<16x1xi32>
      %gather3A_290 = vector.shape_cast %broadcast_in_dim3A_289 : vector<16x1xi32> to vector<16xi32>
      %gather3A_291 = tpu.dynamic_gather %add3A_278[%gather3A_290] in [0] : vector<16xf32>, vector<16xi32> -> vector<16xf32>
      %add3A_292 = arith.addf %add3A_278, %gather3A_291 : vector<16xf32>
      %xor3A_293 = arith.constant 1 : i32
      %xor3A_294 = vector.broadcast %xor3A_293 : i32 to vector<16xi32>
      %xor3A_295 = arith.xori %iota3A, %xor3A_294 : vector<16xi32>
      %lt3A_296 = arith.constant 0 : i32
      %lt3A_297 = vector.broadcast %lt3A_296 : i32 to vector<16xi32>
      %lt3A_298 = arith.cmpi slt, %xor3A_295, %lt3A_297 : vector<16xi32>
      %add3A_299 = arith.constant 16 : i32
      %add3A_300 = vector.broadcast %add3A_299 : i32 to vector<16xi32>
      %add3A_301 = arith.addi %xor3A_295, %add3A_300 : vector<16xi32>
      %select_n3A_302 = arith.select %lt3A_298, %add3A_301, %xor3A_295 : vector<16xi1>, vector<16xi32>
      %broadcast_in_dim3A_303 = vector.shape_cast %select_n3A_302 : vector<16xi32> to vector<16x1xi32>
      %gather3A_304 = vector.shape_cast %broadcast_in_dim3A_303 : vector<16x1xi32> to vector<16xi32>
      %gather3A_305 = tpu.dynamic_gather %add3A_292[%gather3A_304] in [0] : vector<16xf32>, vector<16xi32> -> vector<16xf32>
      %add3A_306 = arith.addf %add3A_292, %gather3A_305 : vector<16xf32>
      %eq3A_307 = arith.constant 3 : i32
      %eq3A_308 = vector.broadcast %eq3A_307 : i32 to vector<16xi32>
      %eq3A_309 = arith.cmpi eq, %iota3A, %eq3A_308 : vector<16xi32>
      %select_n3A_310 = arith.select %eq3A_309, %add3A_306, %select_n3A_243 : vector<16xi1>, vector<16xf32>
      %get3A = arith.index_cast %mul3A_32 : i32 to index
      %get3A_311 = arith.constant 0 : index
      %get3A_312 = tpu.vector_load %arg8[%get3A, %get3A_311] {strides = array<i32>} : memref<64x16xi32, #tpu.memory_space<vmem>>, vector<16xi32>,
      %gather3A_313 = tpu.vector_load_idx %arg9[%and3A_9, %get3A_312] masked %lt3A_7 : memref<4x8192xf32, #tpu.memory_space<vmem>>[vector<16xi32>, vector<16xi32>], vector<16xf32>, vector<16xi1>
      %jit3A = arith.constant 0.000000e+00 : f32
      %broadcast_in_dim3A_314 = vector.broadcast %jit3A : f32 to vector<16xf32>
      %select_n3A_315 = arith.select %lt3A_7, %gather3A_313, %broadcast_in_dim3A_314 : vector<16xi1>, vector<16xf32>
      %bitcast3A = vector.bitcast %select_n3A_310 : vector<16xf32> to vector<16xi32>
      %shift_right_arithmetic3A = arith.constant 23 : i32
      %shift_right_arithmetic3A_316 = vector.broadcast %shift_right_arithmetic3A : i32 to vector<16xi32>
      %shift_right_arithmetic3A_317 = arith.shrsi %bitcast3A, %shift_right_arithmetic3A_316 : vector<16xi32>
      %sub3A = arith.constant 127 : i32
      %sub3A_318 = vector.broadcast %sub3A : i32 to vector<16xi32>
      %sub3A_319 = arith.subi %shift_right_arithmetic3A_317, %sub3A_318 : vector<16xi32>
      %and3A_320 = arith.constant 8388607 : i32
      %and3A_321 = vector.broadcast %and3A_320 : i32 to vector<16xi32>
      %and3A_322 = arith.andi %bitcast3A, %and3A_321 : vector<16xi32>
      %or3A = arith.constant 1065353216 : i32
      %or3A_323 = vector.broadcast %or3A : i32 to vector<16xi32>
      %or3A_324 = arith.ori %and3A_322, %or3A_323 : vector<16xi32>
      %bitcast3A_325 = vector.bitcast %or3A_324 : vector<16xi32> to vector<16xf32>
      %convert_element_type3A = arith.sitofp %sub3A_319 : vector<16xi32> to vector<16xf32>
      %sub3A_326 = arith.constant 1.000000e+00 : f32
      %sub3A_327 = vector.broadcast %sub3A_326 : f32 to vector<16xf32>
      %sub3A_328 = arith.subf %bitcast3A_325, %sub3A_327 : vector<16xf32>
      %add3A_329 = arith.addf %convert_element_type3A, %sub3A_328 : vector<16xf32>
      %mul3A_330 = arith.constant 0.693147182 : f32
      %mul3A_331 = vector.broadcast %mul3A_330 : f32 to vector<16xf32>
      %mul3A_332 = arith.mulf %add3A_329, %mul3A_331 : vector<16xf32>
      %neg3A = arith.constant 0.000000e+00 : f32
      %neg3A_333 = vector.broadcast %neg3A : f32 to vector<16xf32>
      %neg3A_334 = arith.subf %neg3A_333, %mul3A_332 : vector<16xf32>
      %exp3A = math.exp %neg3A_334 : vector<16xf32>
      %mul3A_335 = arith.mulf %select_n3A_310, %exp3A : vector<16xf32>
      %add3A_336 = arith.addf %mul3A_332, %mul3A_335 : vector<16xf32>
      %sub3A_337 = arith.constant 1.000000e+00 : f32
      %sub3A_338 = vector.broadcast %sub3A_337 : f32 to vector<16xf32>
      %sub3A_339 = arith.subf %add3A_336, %sub3A_338 : vector<16xf32>
      %neg3A_340 = arith.constant 0.000000e+00 : f32
      %neg3A_341 = vector.broadcast %neg3A_340 : f32 to vector<16xf32>
      %neg3A_342 = arith.subf %neg3A_341, %sub3A_339 : vector<16xf32>
      %exp3A_343 = math.exp %neg3A_342 : vector<16xf32>
      %mul3A_344 = arith.mulf %select_n3A_310, %exp3A_343 : vector<16xf32>
      %add3A_345 = arith.addf %sub3A_339, %mul3A_344 : vector<16xf32>
      %sub3A_346 = arith.constant 1.000000e+00 : f32
      %sub3A_347 = vector.broadcast %sub3A_346 : f32 to vector<16xf32>
      %sub3A_348 = arith.subf %add3A_345, %sub3A_347 : vector<16xf32>
      %neg3A_349 = arith.constant 0.000000e+00 : f32
      %neg3A_350 = vector.broadcast %neg3A_349 : f32 to vector<16xf32>
      %neg3A_351 = arith.subf %neg3A_350, %sub3A_348 : vector<16xf32>
      %exp3A_352 = math.exp %neg3A_351 : vector<16xf32>
      %mul3A_353 = arith.mulf %select_n3A_310, %exp3A_352 : vector<16xf32>
      %add3A_354 = arith.addf %sub3A_348, %mul3A_353 : vector<16xf32>
      %sub3A_355 = arith.constant 1.000000e+00 : f32
      %sub3A_356 = vector.broadcast %sub3A_355 : f32 to vector<16xf32>
      %sub3A_357 = arith.subf %add3A_354, %sub3A_356 : vector<16xf32>
      %sub3A_358 = arith.subf %select_n3A_315, %sub3A_357 : vector<16xf32>
      %add3A_359 = arith.addf %scan3A_30, %sub3A_358 : vector<16xf32>
      %mul3A_360 = arith.constant 4 : i32
      %mul3A_361 = arith.muli %mul3A_32, %mul3A_360 : i32
      %add3A_362 = arith.addi %mul3A_2, %mul3A_361 : i32
      %dma_wait3A_363 = arith.constant 0 : i32
      %dma_wait3A_364 = tpu.memref_slice %arg5[%add3A_362, %dma_wait3A_363] : memref<8192x8192xf32, #tpu.memory_space<hbm>> -> memref<4x8192xf32, #tpu.memory_space<hbm>>
      %dma_wait3A_365 = arith.constant 0 : i32
      %dma_wait3A_366 = tpu.memref_slice %arg5[%add3A_362, %dma_wait3A_365] : memref<8192x8192xf32, #tpu.memory_space<hbm>> -> memref<4x8192xf32, #tpu.memory_space<hbm>>
      tpu.wait_dma2 semaphore(%arg14 : memref<!tpu.dma_semaphore, #tpu.memory_space<semaphore_mem>>) src(%arg9 : memref<4x8192xf32, #tpu.memory_space<vmem>>) dst(%dma_wait3A_366 : memref<4x8192xf32, #tpu.memory_space<hbm>>)
      %add3A_367 = arith.constant 2 : i32
      %add3A_368 = arith.addi %mul3A_32, %add3A_367 : i32
      %lt3A_369 = arith.constant 64 : i32
      %lt3A_370 = arith.cmpi slt, %add3A_368, %lt3A_369 : i32
      %convert_element_type3A_371 = arith.extui %lt3A_370 : i1 to i32
      %cond3A = arith.constant 0 : i32
      %cond3A_372 = arith.cmpi ne, %convert_element_type3A_371, %cond3A : i32
      scf.if %cond3A_372 {
        %add3A_732 = arith.constant 2 : i32
        %add3A_733 = arith.addi %mul3A_32, %add3A_732 : i32
        %dma_start3A_734 = arith.constant 0 : i32
        %dma_start3A_735 = tpu.memref_slice %arg7[%add3A_733, %dma_start3A_734] : memref<64x4xi32, #tpu.memory_space<vmem>> -> memref<1x4xi32, #tpu.memory_space<vmem>>
        %dma_start3A_736 = tpu.memref_squeeze %dma_start3A_735 : memref<1x4xi32, #tpu.memory_space<vmem>> -> memref<4xi32, #tpu.memory_space<vmem>>
        %dma_start3A_737 = arith.constant 0 : i32
        %dma_start3A_738 = arith.constant 0 : i32
        %dma_start3A_739 = tpu.memref_slice %arg4[%dma_start3A_737, %dma_start3A_738] : memref<8192x8192xf32, #tpu.memory_space<hbm>> -> memref<8192x8192xf32, #tpu.memory_space<hbm>>
        tpu.enqueue_indirect_dma source(%dma_start3A_739 : memref<8192x8192xf32, #tpu.memory_space<hbm>>) target(%arg9 : memref<4x8192xf32, #tpu.memory_space<vmem>>) offsets(%dma_start3A_736 : memref<4xi32, #tpu.memory_space<vmem>>) semaphore(%arg12 : memref<!tpu.dma_semaphore, #tpu.memory_space<semaphore_mem>>)
      } else {
      }
      %mul3A_373 = arith.constant 2 : i32
      %mul3A_374 = arith.muli %mul3A_373, %scan3A_29 : i32
      %add3A_375 = arith.constant 1 : i32
      %add3A_376 = arith.addi %mul3A_374, %add3A_375 : i32
      %dma_wait3A_377 = arith.constant 0 : i32
      %dma_wait3A_378 = tpu.memref_slice %arg7[%add3A_376, %dma_wait3A_377] : memref<64x4xi32, #tpu.memory_space<vmem>> -> memref<1x4xi32, #tpu.memory_space<vmem>>
      %dma_wait3A_379 = tpu.memref_squeeze %dma_wait3A_378 : memref<1x4xi32, #tpu.memory_space<vmem>> -> memref<4xi32, #tpu.memory_space<vmem>>
      %dma_wait3A_380 = arith.constant 0 : i32
      %dma_wait3A_381 = arith.constant 0 : i32
      %dma_wait3A_382 = tpu.memref_slice %arg4[%dma_wait3A_380, %dma_wait3A_381] : memref<8192x8192xf32, #tpu.memory_space<hbm>> -> memref<8192x8192xf32, #tpu.memory_space<hbm>>
      tpu.wait_indirect_dma semaphore(%arg13 : memref<!tpu.dma_semaphore, #tpu.memory_space<semaphore_mem>>) src(%dma_wait3A_382 : memref<8192x8192xf32, #tpu.memory_space<hbm>>) dst(%arg10 : memref<4x8192xf32, #tpu.memory_space<vmem>>)
      %mul3A_383 = arith.constant 4 : i32
      %mul3A_384 = arith.muli %add3A_376, %mul3A_383 : i32
      %add3A_385 = arith.addi %mul3A_2, %mul3A_384 : i32
      %dma_start3A_386 = arith.constant 0 : i32
      %dma_start3A_387 = tpu.memref_slice %arg5[%add3A_385, %dma_start3A_386] : memref<8192x8192xf32, #tpu.memory_space<hbm>> -> memref<4x8192xf32, #tpu.memory_space<hbm>>
      %dma_start3A_388 = arith.constant 0 : i32
      %dma_start3A_389 = tpu.memref_slice %arg5[%add3A_385, %dma_start3A_388] : memref<8192x8192xf32, #tpu.memory_space<hbm>> -> memref<4x8192xf32, #tpu.memory_space<hbm>>
      tpu.enqueue_dma source(%arg10 : memref<4x8192xf32, #tpu.memory_space<vmem>>) target(%dma_start3A_389 : memref<4x8192xf32, #tpu.memory_space<hbm>>) target_semaphore(%arg15 : memref<!tpu.dma_semaphore, #tpu.memory_space<semaphore_mem>>)
      %broadcast_in_dim3A_390 = arith.constant 1.000000e+00 : f32
      %broadcast_in_dim3A_391 = vector.broadcast %broadcast_in_dim3A_390 : f32 to vector<16xf32>
      %scan3A_392 = arith.constant 0 : i32
      %scan3A_393 = arith.constant 64 : i32
      %scan3A_394 = arith.addi %scan3A_392, %scan3A_393 : i32
      %scan3A_395 = arith.constant 1 : i32
      %scan3A_396:2 = scf.for %scan3A_732 = %scan3A_392 to %scan3A_394 step %scan3A_395 iter_args(%scan3A_733 = %broadcast_in_dim3A_5, %scan3A_734 = %broadcast_in_dim3A_5) -> (vector<16xf32>, vector<16xf32>)  : i32 {
        %mul3A_735 = arith.constant 128 : i32
        %mul3A_736 = arith.muli %scan3A_732, %mul3A_735 : i32
        %add3A_737 = arith.constant 0 : i32
        %add3A_738 = arith.addi %mul3A_736, %add3A_737 : i32
        %get3A_739 = arith.constant 0 : i32
        %get3A_740 = arith.index_cast %get3A_739 : i32 to index
        %get3A_741 = arith.index_cast %add3A_738 : i32 to index
        %get3A_742 = tpu.vector_load %arg10[%get3A_740, %get3A_741] {strides = array<i32>} : memref<4x8192xf32, #tpu.memory_space<vmem>>, vector<16xf32>,
        %exp3A_743 = math.exp %get3A_742 : vector<16xf32>
        %add3A_744 = arith.addf %scan3A_733, %exp3A_743 : vector<16xf32>
        %add3A_745 = arith.constant 16 : i32
        %add3A_746 = arith.addi %mul3A_736, %add3A_745 : i32
        %get3A_747 = arith.constant 0 : i32
        %get3A_748 = arith.index_cast %get3A_747 : i32 to index
        %get3A_749 = arith.index_cast %add3A_746 : i32 to index
        %get3A_750 = tpu.vector_load %arg10[%get3A_748, %get3A_749] {strides = array<i32>} : memref<4x8192xf32, #tpu.memory_space<vmem>>, vector<16xf32>,
        %exp3A_751 = math.exp %get3A_750 : vector<16xf32>
        %add3A_752 = arith.addf %scan3A_734, %exp3A_751 : vector<16xf32>
        %add3A_753 = arith.constant 32 : i32
        %add3A_754 = arith.addi %mul3A_736, %add3A_753 : i32
        %get3A_755 = arith.constant 0 : i32
        %get3A_756 = arith.index_cast %get3A_755 : i32 to index
        %get3A_757 = arith.index_cast %add3A_754 : i32 to index
        %get3A_758 = tpu.vector_load %arg10[%get3A_756, %get3A_757] {strides = array<i32>} : memref<4x8192xf32, #tpu.memory_space<vmem>>, vector<16xf32>,
        %exp3A_759 = math.exp %get3A_758 : vector<16xf32>
        %add3A_760 = arith.addf %add3A_744, %exp3A_759 : vector<16xf32>
        %add3A_761 = arith.constant 48 : i32
        %add3A_762 = arith.addi %mul3A_736, %add3A_761 : i32
        %get3A_763 = arith.constant 0 : i32
        %get3A_764 = arith.index_cast %get3A_763 : i32 to index
        %get3A_765 = arith.index_cast %add3A_762 : i32 to index
        %get3A_766 = tpu.vector_load %arg10[%get3A_764, %get3A_765] {strides = array<i32>} : memref<4x8192xf32, #tpu.memory_space<vmem>>, vector<16xf32>,
        %exp3A_767 = math.exp %get3A_766 : vector<16xf32>
        %add3A_768 = arith.addf %add3A_752, %exp3A_767 : vector<16xf32>
        %add3A_769 = arith.constant 64 : i32
        %add3A_770 = arith.addi %mul3A_736, %add3A_769 : i32
        %get3A_771 = arith.constant 0 : i32
        %get3A_772 = arith.index_cast %get3A_771 : i32 to index
        %get3A_773 = arith.index_cast %add3A_770 : i32 to index
        %get3A_774 = tpu.vector_load %arg10[%get3A_772, %get3A_773] {strides = array<i32>} : memref<4x8192xf32, #tpu.memory_space<vmem>>, vector<16xf32>,
        %exp3A_775 = math.exp %get3A_774 : vector<16xf32>
        %add3A_776 = arith.addf %add3A_760, %exp3A_775 : vector<16xf32>
        %add3A_777 = arith.constant 80 : i32
        %add3A_778 = arith.addi %mul3A_736, %add3A_777 : i32
        %get3A_779 = arith.constant 0 : i32
        %get3A_780 = arith.index_cast %get3A_779 : i32 to index
        %get3A_781 = arith.index_cast %add3A_778 : i32 to index
        %get3A_782 = tpu.vector_load %arg10[%get3A_780, %get3A_781] {strides = array<i32>} : memref<4x8192xf32, #tpu.memory_space<vmem>>, vector<16xf32>,
        %exp3A_783 = math.exp %get3A_782 : vector<16xf32>
        %add3A_784 = arith.addf %add3A_768, %exp3A_783 : vector<16xf32>
        %add3A_785 = arith.constant 96 : i32
        %add3A_786 = arith.addi %mul3A_736, %add3A_785 : i32
        %get3A_787 = arith.constant 0 : i32
        %get3A_788 = arith.index_cast %get3A_787 : i32 to index
        %get3A_789 = arith.index_cast %add3A_786 : i32 to index
        %get3A_790 = tpu.vector_load %arg10[%get3A_788, %get3A_789] {strides = array<i32>} : memref<4x8192xf32, #tpu.memory_space<vmem>>, vector<16xf32>,
        %exp3A_791 = math.exp %get3A_790 : vector<16xf32>
        %add3A_792 = arith.addf %add3A_776, %exp3A_791 : vector<16xf32>
        %add3A_793 = arith.constant 112 : i32
        %add3A_794 = arith.addi %mul3A_736, %add3A_793 : i32
        %get3A_795 = arith.constant 0 : i32
        %get3A_796 = arith.index_cast %get3A_795 : i32 to index
        %get3A_797 = arith.index_cast %add3A_794 : i32 to index
        %get3A_798 = tpu.vector_load %arg10[%get3A_796, %get3A_797] {strides = array<i32>} : memref<4x8192xf32, #tpu.memory_space<vmem>>, vector<16xf32>,
        %exp3A_799 = math.exp %get3A_798 : vector<16xf32>
        %add3A_800 = arith.addf %add3A_784, %exp3A_799 : vector<16xf32>
        scf.yield %add3A_792, %add3A_800 : vector<16xf32>, vector<16xf32>
      }
      %scan3A_397 = arith.constant 64 : i32
      %add3A_398 = arith.addf %scan3A_396#0, %scan3A_396#1 : vector<16xf32>
      %xor3A_399 = arith.constant 8 : i32
      %xor3A_400 = vector.broadcast %xor3A_399 : i32 to vector<16xi32>
      %xor3A_401 = arith.xori %iota3A, %xor3A_400 : vector<16xi32>
      %lt3A_402 = arith.constant 0 : i32
      %lt3A_403 = vector.broadcast %lt3A_402 : i32 to vector<16xi32>
      %lt3A_404 = arith.cmpi slt, %xor3A_401, %lt3A_403 : vector<16xi32>
      %add3A_405 = arith.constant 16 : i32
      %add3A_406 = vector.broadcast %add3A_405 : i32 to vector<16xi32>
      %add3A_407 = arith.addi %xor3A_401, %add3A_406 : vector<16xi32>
      %select_n3A_408 = arith.select %lt3A_404, %add3A_407, %xor3A_401 : vector<16xi1>, vector<16xi32>
      %broadcast_in_dim3A_409 = vector.shape_cast %select_n3A_408 : vector<16xi32> to vector<16x1xi32>
      %gather3A_410 = vector.shape_cast %broadcast_in_dim3A_409 : vector<16x1xi32> to vector<16xi32>
      %gather3A_411 = tpu.dynamic_gather %add3A_398[%gather3A_410] in [0] : vector<16xf32>, vector<16xi32> -> vector<16xf32>
      %add3A_412 = arith.addf %add3A_398, %gather3A_411 : vector<16xf32>
      %xor3A_413 = arith.constant 4 : i32
      %xor3A_414 = vector.broadcast %xor3A_413 : i32 to vector<16xi32>
      %xor3A_415 = arith.xori %iota3A, %xor3A_414 : vector<16xi32>
      %lt3A_416 = arith.constant 0 : i32
      %lt3A_417 = vector.broadcast %lt3A_416 : i32 to vector<16xi32>
      %lt3A_418 = arith.cmpi slt, %xor3A_415, %lt3A_417 : vector<16xi32>
      %add3A_419 = arith.constant 16 : i32
      %add3A_420 = vector.broadcast %add3A_419 : i32 to vector<16xi32>
      %add3A_421 = arith.addi %xor3A_415, %add3A_420 : vector<16xi32>
      %select_n3A_422 = arith.select %lt3A_418, %add3A_421, %xor3A_415 : vector<16xi1>, vector<16xi32>
      %broadcast_in_dim3A_423 = vector.shape_cast %select_n3A_422 : vector<16xi32> to vector<16x1xi32>
      %gather3A_424 = vector.shape_cast %broadcast_in_dim3A_423 : vector<16x1xi32> to vector<16xi32>
      %gather3A_425 = tpu.dynamic_gather %add3A_412[%gather3A_424] in [0] : vector<16xf32>, vector<16xi32> -> vector<16xf32>
      %add3A_426 = arith.addf %add3A_412, %gather3A_425 : vector<16xf32>
      %xor3A_427 = arith.constant 2 : i32
      %xor3A_428 = vector.broadcast %xor3A_427 : i32 to vector<16xi32>
      %xor3A_429 = arith.xori %iota3A, %xor3A_428 : vector<16xi32>
      %lt3A_430 = arith.constant 0 : i32
      %lt3A_431 = vector.broadcast %lt3A_430 : i32 to vector<16xi32>
      %lt3A_432 = arith.cmpi slt, %xor3A_429, %lt3A_431 : vector<16xi32>
      %add3A_433 = arith.constant 16 : i32
      %add3A_434 = vector.broadcast %add3A_433 : i32 to vector<16xi32>
      %add3A_435 = arith.addi %xor3A_429, %add3A_434 : vector<16xi32>
      %select_n3A_436 = arith.select %lt3A_432, %add3A_435, %xor3A_429 : vector<16xi1>, vector<16xi32>
      %broadcast_in_dim3A_437 = vector.shape_cast %select_n3A_436 : vector<16xi32> to vector<16x1xi32>
      %gather3A_438 = vector.shape_cast %broadcast_in_dim3A_437 : vector<16x1xi32> to vector<16xi32>
      %gather3A_439 = tpu.dynamic_gather %add3A_426[%gather3A_438] in [0] : vector<16xf32>, vector<16xi32> -> vector<16xf32>
      %add3A_440 = arith.addf %add3A_426, %gather3A_439 : vector<16xf32>
      %xor3A_441 = arith.constant 1 : i32
      %xor3A_442 = vector.broadcast %xor3A_441 : i32 to vector<16xi32>
      %xor3A_443 = arith.xori %iota3A, %xor3A_442 : vector<16xi32>
      %lt3A_444 = arith.constant 0 : i32
      %lt3A_445 = vector.broadcast %lt3A_444 : i32 to vector<16xi32>
      %lt3A_446 = arith.cmpi slt, %xor3A_443, %lt3A_445 : vector<16xi32>
      %add3A_447 = arith.constant 16 : i32
      %add3A_448 = vector.broadcast %add3A_447 : i32 to vector<16xi32>
      %add3A_449 = arith.addi %xor3A_443, %add3A_448 : vector<16xi32>
      %select_n3A_450 = arith.select %lt3A_446, %add3A_449, %xor3A_443 : vector<16xi1>, vector<16xi32>
      %broadcast_in_dim3A_451 = vector.shape_cast %select_n3A_450 : vector<16xi32> to vector<16x1xi32>
      %gather3A_452 = vector.shape_cast %broadcast_in_dim3A_451 : vector<16x1xi32> to vector<16xi32>
      %gather3A_453 = tpu.dynamic_gather %add3A_440[%gather3A_452] in [0] : vector<16xf32>, vector<16xi32> -> vector<16xf32>
      %add3A_454 = arith.addf %add3A_440, %gather3A_453 : vector<16xf32>
      %eq3A_455 = arith.constant 0 : i32
      %eq3A_456 = vector.broadcast %eq3A_455 : i32 to vector<16xi32>
      %eq3A_457 = arith.cmpi eq, %iota3A, %eq3A_456 : vector<16xi32>
      %select_n3A_458 = arith.select %eq3A_457, %add3A_454, %broadcast_in_dim3A_391 : vector<16xi1>, vector<16xf32>
      %scan3A_459 = arith.constant 0 : i32
      %scan3A_460 = arith.constant 64 : i32
      %scan3A_461 = arith.addi %scan3A_459, %scan3A_460 : i32
      %scan3A_462 = arith.constant 1 : i32
      %scan3A_463:2 = scf.for %scan3A_732 = %scan3A_459 to %scan3A_461 step %scan3A_462 iter_args(%scan3A_733 = %broadcast_in_dim3A_5, %scan3A_734 = %broadcast_in_dim3A_5) -> (vector<16xf32>, vector<16xf32>)  : i32 {
        %mul3A_735 = arith.constant 128 : i32
        %mul3A_736 = arith.muli %scan3A_732, %mul3A_735 : i32
        %add3A_737 = arith.constant 0 : i32
        %add3A_738 = arith.addi %mul3A_736, %add3A_737 : i32
        %get3A_739 = arith.constant 1 : i32
        %get3A_740 = arith.index_cast %get3A_739 : i32 to index
        %get3A_741 = arith.index_cast %add3A_738 : i32 to index
        %get3A_742 = tpu.vector_load %arg10[%get3A_740, %get3A_741] {strides = array<i32>} : memref<4x8192xf32, #tpu.memory_space<vmem>>, vector<16xf32>,
        %exp3A_743 = math.exp %get3A_742 : vector<16xf32>
        %add3A_744 = arith.addf %scan3A_733, %exp3A_743 : vector<16xf32>
        %add3A_745 = arith.constant 16 : i32
        %add3A_746 = arith.addi %mul3A_736, %add3A_745 : i32
        %get3A_747 = arith.constant 1 : i32
        %get3A_748 = arith.index_cast %get3A_747 : i32 to index
        %get3A_749 = arith.index_cast %add3A_746 : i32 to index
        %get3A_750 = tpu.vector_load %arg10[%get3A_748, %get3A_749] {strides = array<i32>} : memref<4x8192xf32, #tpu.memory_space<vmem>>, vector<16xf32>,
        %exp3A_751 = math.exp %get3A_750 : vector<16xf32>
        %add3A_752 = arith.addf %scan3A_734, %exp3A_751 : vector<16xf32>
        %add3A_753 = arith.constant 32 : i32
        %add3A_754 = arith.addi %mul3A_736, %add3A_753 : i32
        %get3A_755 = arith.constant 1 : i32
        %get3A_756 = arith.index_cast %get3A_755 : i32 to index
        %get3A_757 = arith.index_cast %add3A_754 : i32 to index
        %get3A_758 = tpu.vector_load %arg10[%get3A_756, %get3A_757] {strides = array<i32>} : memref<4x8192xf32, #tpu.memory_space<vmem>>, vector<16xf32>,
        %exp3A_759 = math.exp %get3A_758 : vector<16xf32>
        %add3A_760 = arith.addf %add3A_744, %exp3A_759 : vector<16xf32>
        %add3A_761 = arith.constant 48 : i32
        %add3A_762 = arith.addi %mul3A_736, %add3A_761 : i32
        %get3A_763 = arith.constant 1 : i32
        %get3A_764 = arith.index_cast %get3A_763 : i32 to index
        %get3A_765 = arith.index_cast %add3A_762 : i32 to index
        %get3A_766 = tpu.vector_load %arg10[%get3A_764, %get3A_765] {strides = array<i32>} : memref<4x8192xf32, #tpu.memory_space<vmem>>, vector<16xf32>,
        %exp3A_767 = math.exp %get3A_766 : vector<16xf32>
        %add3A_768 = arith.addf %add3A_752, %exp3A_767 : vector<16xf32>
        %add3A_769 = arith.constant 64 : i32
        %add3A_770 = arith.addi %mul3A_736, %add3A_769 : i32
        %get3A_771 = arith.constant 1 : i32
        %get3A_772 = arith.index_cast %get3A_771 : i32 to index
        %get3A_773 = arith.index_cast %add3A_770 : i32 to index
        %get3A_774 = tpu.vector_load %arg10[%get3A_772, %get3A_773] {strides = array<i32>} : memref<4x8192xf32, #tpu.memory_space<vmem>>, vector<16xf32>,
        %exp3A_775 = math.exp %get3A_774 : vector<16xf32>
        %add3A_776 = arith.addf %add3A_760, %exp3A_775 : vector<16xf32>
        %add3A_777 = arith.constant 80 : i32
        %add3A_778 = arith.addi %mul3A_736, %add3A_777 : i32
        %get3A_779 = arith.constant 1 : i32
        %get3A_780 = arith.index_cast %get3A_779 : i32 to index
        %get3A_781 = arith.index_cast %add3A_778 : i32 to index
        %get3A_782 = tpu.vector_load %arg10[%get3A_780, %get3A_781] {strides = array<i32>} : memref<4x8192xf32, #tpu.memory_space<vmem>>, vector<16xf32>,
        %exp3A_783 = math.exp %get3A_782 : vector<16xf32>
        %add3A_784 = arith.addf %add3A_768, %exp3A_783 : vector<16xf32>
        %add3A_785 = arith.constant 96 : i32
        %add3A_786 = arith.addi %mul3A_736, %add3A_785 : i32
        %get3A_787 = arith.constant 1 : i32
        %get3A_788 = arith.index_cast %get3A_787 : i32 to index
        %get3A_789 = arith.index_cast %add3A_786 : i32 to index
        %get3A_790 = tpu.vector_load %arg10[%get3A_788, %get3A_789] {strides = array<i32>} : memref<4x8192xf32, #tpu.memory_space<vmem>>, vector<16xf32>,
        %exp3A_791 = math.exp %get3A_790 : vector<16xf32>
        %add3A_792 = arith.addf %add3A_776, %exp3A_791 : vector<16xf32>
        %add3A_793 = arith.constant 112 : i32
        %add3A_794 = arith.addi %mul3A_736, %add3A_793 : i32
        %get3A_795 = arith.constant 1 : i32
        %get3A_796 = arith.index_cast %get3A_795 : i32 to index
        %get3A_797 = arith.index_cast %add3A_794 : i32 to index
        %get3A_798 = tpu.vector_load %arg10[%get3A_796, %get3A_797] {strides = array<i32>} : memref<4x8192xf32, #tpu.memory_space<vmem>>, vector<16xf32>,
        %exp3A_799 = math.exp %get3A_798 : vector<16xf32>
        %add3A_800 = arith.addf %add3A_784, %exp3A_799 : vector<16xf32>
        scf.yield %add3A_792, %add3A_800 : vector<16xf32>, vector<16xf32>
      }
      %scan3A_464 = arith.constant 64 : i32
      %add3A_465 = arith.addf %scan3A_463#0, %scan3A_463#1 : vector<16xf32>
      %xor3A_466 = arith.constant 8 : i32
      %xor3A_467 = vector.broadcast %xor3A_466 : i32 to vector<16xi32>
      %xor3A_468 = arith.xori %iota3A, %xor3A_467 : vector<16xi32>
      %lt3A_469 = arith.constant 0 : i32
      %lt3A_470 = vector.broadcast %lt3A_469 : i32 to vector<16xi32>
      %lt3A_471 = arith.cmpi slt, %xor3A_468, %lt3A_470 : vector<16xi32>
      %add3A_472 = arith.constant 16 : i32
      %add3A_473 = vector.broadcast %add3A_472 : i32 to vector<16xi32>
      %add3A_474 = arith.addi %xor3A_468, %add3A_473 : vector<16xi32>
      %select_n3A_475 = arith.select %lt3A_471, %add3A_474, %xor3A_468 : vector<16xi1>, vector<16xi32>
      %broadcast_in_dim3A_476 = vector.shape_cast %select_n3A_475 : vector<16xi32> to vector<16x1xi32>
      %gather3A_477 = vector.shape_cast %broadcast_in_dim3A_476 : vector<16x1xi32> to vector<16xi32>
      %gather3A_478 = tpu.dynamic_gather %add3A_465[%gather3A_477] in [0] : vector<16xf32>, vector<16xi32> -> vector<16xf32>
      %add3A_479 = arith.addf %add3A_465, %gather3A_478 : vector<16xf32>
      %xor3A_480 = arith.constant 4 : i32
      %xor3A_481 = vector.broadcast %xor3A_480 : i32 to vector<16xi32>
      %xor3A_482 = arith.xori %iota3A, %xor3A_481 : vector<16xi32>
      %lt3A_483 = arith.constant 0 : i32
      %lt3A_484 = vector.broadcast %lt3A_483 : i32 to vector<16xi32>
      %lt3A_485 = arith.cmpi slt, %xor3A_482, %lt3A_484 : vector<16xi32>
      %add3A_486 = arith.constant 16 : i32
      %add3A_487 = vector.broadcast %add3A_486 : i32 to vector<16xi32>
      %add3A_488 = arith.addi %xor3A_482, %add3A_487 : vector<16xi32>
      %select_n3A_489 = arith.select %lt3A_485, %add3A_488, %xor3A_482 : vector<16xi1>, vector<16xi32>
      %broadcast_in_dim3A_490 = vector.shape_cast %select_n3A_489 : vector<16xi32> to vector<16x1xi32>
      %gather3A_491 = vector.shape_cast %broadcast_in_dim3A_490 : vector<16x1xi32> to vector<16xi32>
      %gather3A_492 = tpu.dynamic_gather %add3A_479[%gather3A_491] in [0] : vector<16xf32>, vector<16xi32> -> vector<16xf32>
      %add3A_493 = arith.addf %add3A_479, %gather3A_492 : vector<16xf32>
      %xor3A_494 = arith.constant 2 : i32
      %xor3A_495 = vector.broadcast %xor3A_494 : i32 to vector<16xi32>
      %xor3A_496 = arith.xori %iota3A, %xor3A_495 : vector<16xi32>
      %lt3A_497 = arith.constant 0 : i32
      %lt3A_498 = vector.broadcast %lt3A_497 : i32 to vector<16xi32>
      %lt3A_499 = arith.cmpi slt, %xor3A_496, %lt3A_498 : vector<16xi32>
      %add3A_500 = arith.constant 16 : i32
      %add3A_501 = vector.broadcast %add3A_500 : i32 to vector<16xi32>
      %add3A_502 = arith.addi %xor3A_496, %add3A_501 : vector<16xi32>
      %select_n3A_503 = arith.select %lt3A_499, %add3A_502, %xor3A_496 : vector<16xi1>, vector<16xi32>
      %broadcast_in_dim3A_504 = vector.shape_cast %select_n3A_503 : vector<16xi32> to vector<16x1xi32>
      %gather3A_505 = vector.shape_cast %broadcast_in_dim3A_504 : vector<16x1xi32> to vector<16xi32>
      %gather3A_506 = tpu.dynamic_gather %add3A_493[%gather3A_505] in [0] : vector<16xf32>, vector<16xi32> -> vector<16xf32>
      %add3A_507 = arith.addf %add3A_493, %gather3A_506 : vector<16xf32>
      %xor3A_508 = arith.constant 1 : i32
      %xor3A_509 = vector.broadcast %xor3A_508 : i32 to vector<16xi32>
      %xor3A_510 = arith.xori %iota3A, %xor3A_509 : vector<16xi32>
      %lt3A_511 = arith.constant 0 : i32
      %lt3A_512 = vector.broadcast %lt3A_511 : i32 to vector<16xi32>
      %lt3A_513 = arith.cmpi slt, %xor3A_510, %lt3A_512 : vector<16xi32>
      %add3A_514 = arith.constant 16 : i32
      %add3A_515 = vector.broadcast %add3A_514 : i32 to vector<16xi32>
      %add3A_516 = arith.addi %xor3A_510, %add3A_515 : vector<16xi32>
      %select_n3A_517 = arith.select %lt3A_513, %add3A_516, %xor3A_510 : vector<16xi1>, vector<16xi32>
      %broadcast_in_dim3A_518 = vector.shape_cast %select_n3A_517 : vector<16xi32> to vector<16x1xi32>
      %gather3A_519 = vector.shape_cast %broadcast_in_dim3A_518 : vector<16x1xi32> to vector<16xi32>
      %gather3A_520 = tpu.dynamic_gather %add3A_507[%gather3A_519] in [0] : vector<16xf32>, vector<16xi32> -> vector<16xf32>
      %add3A_521 = arith.addf %add3A_507, %gather3A_520 : vector<16xf32>
      %eq3A_522 = arith.constant 1 : i32
      %eq3A_523 = vector.broadcast %eq3A_522 : i32 to vector<16xi32>
      %eq3A_524 = arith.cmpi eq, %iota3A, %eq3A_523 : vector<16xi32>
      %select_n3A_525 = arith.select %eq3A_524, %add3A_521, %select_n3A_458 : vector<16xi1>, vector<16xf32>
      %scan3A_526 = arith.constant 0 : i32
      %scan3A_527 = arith.constant 64 : i32
      %scan3A_528 = arith.addi %scan3A_526, %scan3A_527 : i32
      %scan3A_529 = arith.constant 1 : i32
      %scan3A_530:2 = scf.for %scan3A_732 = %scan3A_526 to %scan3A_528 step %scan3A_529 iter_args(%scan3A_733 = %broadcast_in_dim3A_5, %scan3A_734 = %broadcast_in_dim3A_5) -> (vector<16xf32>, vector<16xf32>)  : i32 {
        %mul3A_735 = arith.constant 128 : i32
        %mul3A_736 = arith.muli %scan3A_732, %mul3A_735 : i32
        %add3A_737 = arith.constant 0 : i32
        %add3A_738 = arith.addi %mul3A_736, %add3A_737 : i32
        %get3A_739 = arith.constant 2 : i32
        %get3A_740 = arith.index_cast %get3A_739 : i32 to index
        %get3A_741 = arith.index_cast %add3A_738 : i32 to index
        %get3A_742 = tpu.vector_load %arg10[%get3A_740, %get3A_741] {strides = array<i32>} : memref<4x8192xf32, #tpu.memory_space<vmem>>, vector<16xf32>,
        %exp3A_743 = math.exp %get3A_742 : vector<16xf32>
        %add3A_744 = arith.addf %scan3A_733, %exp3A_743 : vector<16xf32>
        %add3A_745 = arith.constant 16 : i32
        %add3A_746 = arith.addi %mul3A_736, %add3A_745 : i32
        %get3A_747 = arith.constant 2 : i32
        %get3A_748 = arith.index_cast %get3A_747 : i32 to index
        %get3A_749 = arith.index_cast %add3A_746 : i32 to index
        %get3A_750 = tpu.vector_load %arg10[%get3A_748, %get3A_749] {strides = array<i32>} : memref<4x8192xf32, #tpu.memory_space<vmem>>, vector<16xf32>,
        %exp3A_751 = math.exp %get3A_750 : vector<16xf32>
        %add3A_752 = arith.addf %scan3A_734, %exp3A_751 : vector<16xf32>
        %add3A_753 = arith.constant 32 : i32
        %add3A_754 = arith.addi %mul3A_736, %add3A_753 : i32
        %get3A_755 = arith.constant 2 : i32
        %get3A_756 = arith.index_cast %get3A_755 : i32 to index
        %get3A_757 = arith.index_cast %add3A_754 : i32 to index
        %get3A_758 = tpu.vector_load %arg10[%get3A_756, %get3A_757] {strides = array<i32>} : memref<4x8192xf32, #tpu.memory_space<vmem>>, vector<16xf32>,
        %exp3A_759 = math.exp %get3A_758 : vector<16xf32>
        %add3A_760 = arith.addf %add3A_744, %exp3A_759 : vector<16xf32>
        %add3A_761 = arith.constant 48 : i32
        %add3A_762 = arith.addi %mul3A_736, %add3A_761 : i32
        %get3A_763 = arith.constant 2 : i32
        %get3A_764 = arith.index_cast %get3A_763 : i32 to index
        %get3A_765 = arith.index_cast %add3A_762 : i32 to index
        %get3A_766 = tpu.vector_load %arg10[%get3A_764, %get3A_765] {strides = array<i32>} : memref<4x8192xf32, #tpu.memory_space<vmem>>, vector<16xf32>,
        %exp3A_767 = math.exp %get3A_766 : vector<16xf32>
        %add3A_768 = arith.addf %add3A_752, %exp3A_767 : vector<16xf32>
        %add3A_769 = arith.constant 64 : i32
        %add3A_770 = arith.addi %mul3A_736, %add3A_769 : i32
        %get3A_771 = arith.constant 2 : i32
        %get3A_772 = arith.index_cast %get3A_771 : i32 to index
        %get3A_773 = arith.index_cast %add3A_770 : i32 to index
        %get3A_774 = tpu.vector_load %arg10[%get3A_772, %get3A_773] {strides = array<i32>} : memref<4x8192xf32, #tpu.memory_space<vmem>>, vector<16xf32>,
        %exp3A_775 = math.exp %get3A_774 : vector<16xf32>
        %add3A_776 = arith.addf %add3A_760, %exp3A_775 : vector<16xf32>
        %add3A_777 = arith.constant 80 : i32
        %add3A_778 = arith.addi %mul3A_736, %add3A_777 : i32
        %get3A_779 = arith.constant 2 : i32
        %get3A_780 = arith.index_cast %get3A_779 : i32 to index
        %get3A_781 = arith.index_cast %add3A_778 : i32 to index
        %get3A_782 = tpu.vector_load %arg10[%get3A_780, %get3A_781] {strides = array<i32>} : memref<4x8192xf32, #tpu.memory_space<vmem>>, vector<16xf32>,
        %exp3A_783 = math.exp %get3A_782 : vector<16xf32>
        %add3A_784 = arith.addf %add3A_768, %exp3A_783 : vector<16xf32>
        %add3A_785 = arith.constant 96 : i32
        %add3A_786 = arith.addi %mul3A_736, %add3A_785 : i32
        %get3A_787 = arith.constant 2 : i32
        %get3A_788 = arith.index_cast %get3A_787 : i32 to index
        %get3A_789 = arith.index_cast %add3A_786 : i32 to index
        %get3A_790 = tpu.vector_load %arg10[%get3A_788, %get3A_789] {strides = array<i32>} : memref<4x8192xf32, #tpu.memory_space<vmem>>, vector<16xf32>,
        %exp3A_791 = math.exp %get3A_790 : vector<16xf32>
        %add3A_792 = arith.addf %add3A_776, %exp3A_791 : vector<16xf32>
        %add3A_793 = arith.constant 112 : i32
        %add3A_794 = arith.addi %mul3A_736, %add3A_793 : i32
        %get3A_795 = arith.constant 2 : i32
        %get3A_796 = arith.index_cast %get3A_795 : i32 to index
        %get3A_797 = arith.index_cast %add3A_794 : i32 to index
        %get3A_798 = tpu.vector_load %arg10[%get3A_796, %get3A_797] {strides = array<i32>} : memref<4x8192xf32, #tpu.memory_space<vmem>>, vector<16xf32>,
        %exp3A_799 = math.exp %get3A_798 : vector<16xf32>
        %add3A_800 = arith.addf %add3A_784, %exp3A_799 : vector<16xf32>
        scf.yield %add3A_792, %add3A_800 : vector<16xf32>, vector<16xf32>
      }
      %scan3A_531 = arith.constant 64 : i32
      %add3A_532 = arith.addf %scan3A_530#0, %scan3A_530#1 : vector<16xf32>
      %xor3A_533 = arith.constant 8 : i32
      %xor3A_534 = vector.broadcast %xor3A_533 : i32 to vector<16xi32>
      %xor3A_535 = arith.xori %iota3A, %xor3A_534 : vector<16xi32>
      %lt3A_536 = arith.constant 0 : i32
      %lt3A_537 = vector.broadcast %lt3A_536 : i32 to vector<16xi32>
      %lt3A_538 = arith.cmpi slt, %xor3A_535, %lt3A_537 : vector<16xi32>
      %add3A_539 = arith.constant 16 : i32
      %add3A_540 = vector.broadcast %add3A_539 : i32 to vector<16xi32>
      %add3A_541 = arith.addi %xor3A_535, %add3A_540 : vector<16xi32>
      %select_n3A_542 = arith.select %lt3A_538, %add3A_541, %xor3A_535 : vector<16xi1>, vector<16xi32>
      %broadcast_in_dim3A_543 = vector.shape_cast %select_n3A_542 : vector<16xi32> to vector<16x1xi32>
      %gather3A_544 = vector.shape_cast %broadcast_in_dim3A_543 : vector<16x1xi32> to vector<16xi32>
      %gather3A_545 = tpu.dynamic_gather %add3A_532[%gather3A_544] in [0] : vector<16xf32>, vector<16xi32> -> vector<16xf32>
      %add3A_546 = arith.addf %add3A_532, %gather3A_545 : vector<16xf32>
      %xor3A_547 = arith.constant 4 : i32
      %xor3A_548 = vector.broadcast %xor3A_547 : i32 to vector<16xi32>
      %xor3A_549 = arith.xori %iota3A, %xor3A_548 : vector<16xi32>
      %lt3A_550 = arith.constant 0 : i32
      %lt3A_551 = vector.broadcast %lt3A_550 : i32 to vector<16xi32>
      %lt3A_552 = arith.cmpi slt, %xor3A_549, %lt3A_551 : vector<16xi32>
      %add3A_553 = arith.constant 16 : i32
      %add3A_554 = vector.broadcast %add3A_553 : i32 to vector<16xi32>
      %add3A_555 = arith.addi %xor3A_549, %add3A_554 : vector<16xi32>
      %select_n3A_556 = arith.select %lt3A_552, %add3A_555, %xor3A_549 : vector<16xi1>, vector<16xi32>
      %broadcast_in_dim3A_557 = vector.shape_cast %select_n3A_556 : vector<16xi32> to vector<16x1xi32>
      %gather3A_558 = vector.shape_cast %broadcast_in_dim3A_557 : vector<16x1xi32> to vector<16xi32>
      %gather3A_559 = tpu.dynamic_gather %add3A_546[%gather3A_558] in [0] : vector<16xf32>, vector<16xi32> -> vector<16xf32>
      %add3A_560 = arith.addf %add3A_546, %gather3A_559 : vector<16xf32>
      %xor3A_561 = arith.constant 2 : i32
      %xor3A_562 = vector.broadcast %xor3A_561 : i32 to vector<16xi32>
      %xor3A_563 = arith.xori %iota3A, %xor3A_562 : vector<16xi32>
      %lt3A_564 = arith.constant 0 : i32
      %lt3A_565 = vector.broadcast %lt3A_564 : i32 to vector<16xi32>
      %lt3A_566 = arith.cmpi slt, %xor3A_563, %lt3A_565 : vector<16xi32>
      %add3A_567 = arith.constant 16 : i32
      %add3A_568 = vector.broadcast %add3A_567 : i32 to vector<16xi32>
      %add3A_569 = arith.addi %xor3A_563, %add3A_568 : vector<16xi32>
      %select_n3A_570 = arith.select %lt3A_566, %add3A_569, %xor3A_563 : vector<16xi1>, vector<16xi32>
      %broadcast_in_dim3A_571 = vector.shape_cast %select_n3A_570 : vector<16xi32> to vector<16x1xi32>
      %gather3A_572 = vector.shape_cast %broadcast_in_dim3A_571 : vector<16x1xi32> to vector<16xi32>
      %gather3A_573 = tpu.dynamic_gather %add3A_560[%gather3A_572] in [0] : vector<16xf32>, vector<16xi32> -> vector<16xf32>
      %add3A_574 = arith.addf %add3A_560, %gather3A_573 : vector<16xf32>
      %xor3A_575 = arith.constant 1 : i32
      %xor3A_576 = vector.broadcast %xor3A_575 : i32 to vector<16xi32>
      %xor3A_577 = arith.xori %iota3A, %xor3A_576 : vector<16xi32>
      %lt3A_578 = arith.constant 0 : i32
      %lt3A_579 = vector.broadcast %lt3A_578 : i32 to vector<16xi32>
      %lt3A_580 = arith.cmpi slt, %xor3A_577, %lt3A_579 : vector<16xi32>
      %add3A_581 = arith.constant 16 : i32
      %add3A_582 = vector.broadcast %add3A_581 : i32 to vector<16xi32>
      %add3A_583 = arith.addi %xor3A_577, %add3A_582 : vector<16xi32>
      %select_n3A_584 = arith.select %lt3A_580, %add3A_583, %xor3A_577 : vector<16xi1>, vector<16xi32>
      %broadcast_in_dim3A_585 = vector.shape_cast %select_n3A_584 : vector<16xi32> to vector<16x1xi32>
      %gather3A_586 = vector.shape_cast %broadcast_in_dim3A_585 : vector<16x1xi32> to vector<16xi32>
      %gather3A_587 = tpu.dynamic_gather %add3A_574[%gather3A_586] in [0] : vector<16xf32>, vector<16xi32> -> vector<16xf32>
      %add3A_588 = arith.addf %add3A_574, %gather3A_587 : vector<16xf32>
      %eq3A_589 = arith.constant 2 : i32
      %eq3A_590 = vector.broadcast %eq3A_589 : i32 to vector<16xi32>
      %eq3A_591 = arith.cmpi eq, %iota3A, %eq3A_590 : vector<16xi32>
      %select_n3A_592 = arith.select %eq3A_591, %add3A_588, %select_n3A_525 : vector<16xi1>, vector<16xf32>
      %scan3A_593 = arith.constant 0 : i32
      %scan3A_594 = arith.constant 64 : i32
      %scan3A_595 = arith.addi %scan3A_593, %scan3A_594 : i32
      %scan3A_596 = arith.constant 1 : i32
      %scan3A_597:2 = scf.for %scan3A_732 = %scan3A_593 to %scan3A_595 step %scan3A_596 iter_args(%scan3A_733 = %broadcast_in_dim3A_5, %scan3A_734 = %broadcast_in_dim3A_5) -> (vector<16xf32>, vector<16xf32>)  : i32 {
        %mul3A_735 = arith.constant 128 : i32
        %mul3A_736 = arith.muli %scan3A_732, %mul3A_735 : i32
        %add3A_737 = arith.constant 0 : i32
        %add3A_738 = arith.addi %mul3A_736, %add3A_737 : i32
        %get3A_739 = arith.constant 3 : i32
        %get3A_740 = arith.index_cast %get3A_739 : i32 to index
        %get3A_741 = arith.index_cast %add3A_738 : i32 to index
        %get3A_742 = tpu.vector_load %arg10[%get3A_740, %get3A_741] {strides = array<i32>} : memref<4x8192xf32, #tpu.memory_space<vmem>>, vector<16xf32>,
        %exp3A_743 = math.exp %get3A_742 : vector<16xf32>
        %add3A_744 = arith.addf %scan3A_733, %exp3A_743 : vector<16xf32>
        %add3A_745 = arith.constant 16 : i32
        %add3A_746 = arith.addi %mul3A_736, %add3A_745 : i32
        %get3A_747 = arith.constant 3 : i32
        %get3A_748 = arith.index_cast %get3A_747 : i32 to index
        %get3A_749 = arith.index_cast %add3A_746 : i32 to index
        %get3A_750 = tpu.vector_load %arg10[%get3A_748, %get3A_749] {strides = array<i32>} : memref<4x8192xf32, #tpu.memory_space<vmem>>, vector<16xf32>,
        %exp3A_751 = math.exp %get3A_750 : vector<16xf32>
        %add3A_752 = arith.addf %scan3A_734, %exp3A_751 : vector<16xf32>
        %add3A_753 = arith.constant 32 : i32
        %add3A_754 = arith.addi %mul3A_736, %add3A_753 : i32
        %get3A_755 = arith.constant 3 : i32
        %get3A_756 = arith.index_cast %get3A_755 : i32 to index
        %get3A_757 = arith.index_cast %add3A_754 : i32 to index
        %get3A_758 = tpu.vector_load %arg10[%get3A_756, %get3A_757] {strides = array<i32>} : memref<4x8192xf32, #tpu.memory_space<vmem>>, vector<16xf32>,
        %exp3A_759 = math.exp %get3A_758 : vector<16xf32>
        %add3A_760 = arith.addf %add3A_744, %exp3A_759 : vector<16xf32>
        %add3A_761 = arith.constant 48 : i32
        %add3A_762 = arith.addi %mul3A_736, %add3A_761 : i32
        %get3A_763 = arith.constant 3 : i32
        %get3A_764 = arith.index_cast %get3A_763 : i32 to index
        %get3A_765 = arith.index_cast %add3A_762 : i32 to index
        %get3A_766 = tpu.vector_load %arg10[%get3A_764, %get3A_765] {strides = array<i32>} : memref<4x8192xf32, #tpu.memory_space<vmem>>, vector<16xf32>,
        %exp3A_767 = math.exp %get3A_766 : vector<16xf32>
        %add3A_768 = arith.addf %add3A_752, %exp3A_767 : vector<16xf32>
        %add3A_769 = arith.constant 64 : i32
        %add3A_770 = arith.addi %mul3A_736, %add3A_769 : i32
        %get3A_771 = arith.constant 3 : i32
        %get3A_772 = arith.index_cast %get3A_771 : i32 to index
        %get3A_773 = arith.index_cast %add3A_770 : i32 to index
        %get3A_774 = tpu.vector_load %arg10[%get3A_772, %get3A_773] {strides = array<i32>} : memref<4x8192xf32, #tpu.memory_space<vmem>>, vector<16xf32>,
        %exp3A_775 = math.exp %get3A_774 : vector<16xf32>
        %add3A_776 = arith.addf %add3A_760, %exp3A_775 : vector<16xf32>
        %add3A_777 = arith.constant 80 : i32
        %add3A_778 = arith.addi %mul3A_736, %add3A_777 : i32
        %get3A_779 = arith.constant 3 : i32
        %get3A_780 = arith.index_cast %get3A_779 : i32 to index
        %get3A_781 = arith.index_cast %add3A_778 : i32 to index
        %get3A_782 = tpu.vector_load %arg10[%get3A_780, %get3A_781] {strides = array<i32>} : memref<4x8192xf32, #tpu.memory_space<vmem>>, vector<16xf32>,
        %exp3A_783 = math.exp %get3A_782 : vector<16xf32>
        %add3A_784 = arith.addf %add3A_768, %exp3A_783 : vector<16xf32>
        %add3A_785 = arith.constant 96 : i32
        %add3A_786 = arith.addi %mul3A_736, %add3A_785 : i32
        %get3A_787 = arith.constant 3 : i32
        %get3A_788 = arith.index_cast %get3A_787 : i32 to index
        %get3A_789 = arith.index_cast %add3A_786 : i32 to index
        %get3A_790 = tpu.vector_load %arg10[%get3A_788, %get3A_789] {strides = array<i32>} : memref<4x8192xf32, #tpu.memory_space<vmem>>, vector<16xf32>,
        %exp3A_791 = math.exp %get3A_790 : vector<16xf32>
        %add3A_792 = arith.addf %add3A_776, %exp3A_791 : vector<16xf32>
        %add3A_793 = arith.constant 112 : i32
        %add3A_794 = arith.addi %mul3A_736, %add3A_793 : i32
        %get3A_795 = arith.constant 3 : i32
        %get3A_796 = arith.index_cast %get3A_795 : i32 to index
        %get3A_797 = arith.index_cast %add3A_794 : i32 to index
        %get3A_798 = tpu.vector_load %arg10[%get3A_796, %get3A_797] {strides = array<i32>} : memref<4x8192xf32, #tpu.memory_space<vmem>>, vector<16xf32>,
        %exp3A_799 = math.exp %get3A_798 : vector<16xf32>
        %add3A_800 = arith.addf %add3A_784, %exp3A_799 : vector<16xf32>
        scf.yield %add3A_792, %add3A_800 : vector<16xf32>, vector<16xf32>
      }
      %scan3A_598 = arith.constant 64 : i32
      %add3A_599 = arith.addf %scan3A_597#0, %scan3A_597#1 : vector<16xf32>
      %xor3A_600 = arith.constant 8 : i32
      %xor3A_601 = vector.broadcast %xor3A_600 : i32 to vector<16xi32>
      %xor3A_602 = arith.xori %iota3A, %xor3A_601 : vector<16xi32>
      %lt3A_603 = arith.constant 0 : i32
      %lt3A_604 = vector.broadcast %lt3A_603 : i32 to vector<16xi32>
      %lt3A_605 = arith.cmpi slt, %xor3A_602, %lt3A_604 : vector<16xi32>
      %add3A_606 = arith.constant 16 : i32
      %add3A_607 = vector.broadcast %add3A_606 : i32 to vector<16xi32>
      %add3A_608 = arith.addi %xor3A_602, %add3A_607 : vector<16xi32>
      %select_n3A_609 = arith.select %lt3A_605, %add3A_608, %xor3A_602 : vector<16xi1>, vector<16xi32>
      %broadcast_in_dim3A_610 = vector.shape_cast %select_n3A_609 : vector<16xi32> to vector<16x1xi32>
      %gather3A_611 = vector.shape_cast %broadcast_in_dim3A_610 : vector<16x1xi32> to vector<16xi32>
      %gather3A_612 = tpu.dynamic_gather %add3A_599[%gather3A_611] in [0] : vector<16xf32>, vector<16xi32> -> vector<16xf32>
      %add3A_613 = arith.addf %add3A_599, %gather3A_612 : vector<16xf32>
      %xor3A_614 = arith.constant 4 : i32
      %xor3A_615 = vector.broadcast %xor3A_614 : i32 to vector<16xi32>
      %xor3A_616 = arith.xori %iota3A, %xor3A_615 : vector<16xi32>
      %lt3A_617 = arith.constant 0 : i32
      %lt3A_618 = vector.broadcast %lt3A_617 : i32 to vector<16xi32>
      %lt3A_619 = arith.cmpi slt, %xor3A_616, %lt3A_618 : vector<16xi32>
      %add3A_620 = arith.constant 16 : i32
      %add3A_621 = vector.broadcast %add3A_620 : i32 to vector<16xi32>
      %add3A_622 = arith.addi %xor3A_616, %add3A_621 : vector<16xi32>
      %select_n3A_623 = arith.select %lt3A_619, %add3A_622, %xor3A_616 : vector<16xi1>, vector<16xi32>
      %broadcast_in_dim3A_624 = vector.shape_cast %select_n3A_623 : vector<16xi32> to vector<16x1xi32>
      %gather3A_625 = vector.shape_cast %broadcast_in_dim3A_624 : vector<16x1xi32> to vector<16xi32>
      %gather3A_626 = tpu.dynamic_gather %add3A_613[%gather3A_625] in [0] : vector<16xf32>, vector<16xi32> -> vector<16xf32>
      %add3A_627 = arith.addf %add3A_613, %gather3A_626 : vector<16xf32>
      %xor3A_628 = arith.constant 2 : i32
      %xor3A_629 = vector.broadcast %xor3A_628 : i32 to vector<16xi32>
      %xor3A_630 = arith.xori %iota3A, %xor3A_629 : vector<16xi32>
      %lt3A_631 = arith.constant 0 : i32
      %lt3A_632 = vector.broadcast %lt3A_631 : i32 to vector<16xi32>
      %lt3A_633 = arith.cmpi slt, %xor3A_630, %lt3A_632 : vector<16xi32>
      %add3A_634 = arith.constant 16 : i32
      %add3A_635 = vector.broadcast %add3A_634 : i32 to vector<16xi32>
      %add3A_636 = arith.addi %xor3A_630, %add3A_635 : vector<16xi32>
      %select_n3A_637 = arith.select %lt3A_633, %add3A_636, %xor3A_630 : vector<16xi1>, vector<16xi32>
      %broadcast_in_dim3A_638 = vector.shape_cast %select_n3A_637 : vector<16xi32> to vector<16x1xi32>
      %gather3A_639 = vector.shape_cast %broadcast_in_dim3A_638 : vector<16x1xi32> to vector<16xi32>
      %gather3A_640 = tpu.dynamic_gather %add3A_627[%gather3A_639] in [0] : vector<16xf32>, vector<16xi32> -> vector<16xf32>
      %add3A_641 = arith.addf %add3A_627, %gather3A_640 : vector<16xf32>
      %xor3A_642 = arith.constant 1 : i32
      %xor3A_643 = vector.broadcast %xor3A_642 : i32 to vector<16xi32>
      %xor3A_644 = arith.xori %iota3A, %xor3A_643 : vector<16xi32>
      %lt3A_645 = arith.constant 0 : i32
      %lt3A_646 = vector.broadcast %lt3A_645 : i32 to vector<16xi32>
      %lt3A_647 = arith.cmpi slt, %xor3A_644, %lt3A_646 : vector<16xi32>
      %add3A_648 = arith.constant 16 : i32
      %add3A_649 = vector.broadcast %add3A_648 : i32 to vector<16xi32>
      %add3A_650 = arith.addi %xor3A_644, %add3A_649 : vector<16xi32>
      %select_n3A_651 = arith.select %lt3A_647, %add3A_650, %xor3A_644 : vector<16xi1>, vector<16xi32>
      %broadcast_in_dim3A_652 = vector.shape_cast %select_n3A_651 : vector<16xi32> to vector<16x1xi32>
      %gather3A_653 = vector.shape_cast %broadcast_in_dim3A_652 : vector<16x1xi32> to vector<16xi32>
      %gather3A_654 = tpu.dynamic_gather %add3A_641[%gather3A_653] in [0] : vector<16xf32>, vector<16xi32> -> vector<16xf32>
      %add3A_655 = arith.addf %add3A_641, %gather3A_654 : vector<16xf32>
      %eq3A_656 = arith.constant 3 : i32
      %eq3A_657 = vector.broadcast %eq3A_656 : i32 to vector<16xi32>
      %eq3A_658 = arith.cmpi eq, %iota3A, %eq3A_657 : vector<16xi32>
      %select_n3A_659 = arith.select %eq3A_658, %add3A_655, %select_n3A_592 : vector<16xi1>, vector<16xf32>
      %get3A_660 = arith.index_cast %add3A_376 : i32 to index
      %get3A_661 = arith.constant 0 : index
      %get3A_662 = tpu.vector_load %arg8[%get3A_660, %get3A_661] {strides = array<i32>} : memref<64x16xi32, #tpu.memory_space<vmem>>, vector<16xi32>,
      %gather3A_663 = tpu.vector_load_idx %arg10[%and3A_9, %get3A_662] masked %lt3A_7 : memref<4x8192xf32, #tpu.memory_space<vmem>>[vector<16xi32>, vector<16xi32>], vector<16xf32>, vector<16xi1>
      %jit3A_664 = arith.constant 0.000000e+00 : f32
      %broadcast_in_dim3A_665 = vector.broadcast %jit3A_664 : f32 to vector<16xf32>
      %select_n3A_666 = arith.select %lt3A_7, %gather3A_663, %broadcast_in_dim3A_665 : vector<16xi1>, vector<16xf32>
      %bitcast3A_667 = vector.bitcast %select_n3A_659 : vector<16xf32> to vector<16xi32>
      %shift_right_arithmetic3A_668 = arith.constant 23 : i32
      %shift_right_arithmetic3A_669 = vector.broadcast %shift_right_arithmetic3A_668 : i32 to vector<16xi32>
      %shift_right_arithmetic3A_670 = arith.shrsi %bitcast3A_667, %shift_right_arithmetic3A_669 : vector<16xi32>
      %sub3A_671 = arith.constant 127 : i32
      %sub3A_672 = vector.broadcast %sub3A_671 : i32 to vector<16xi32>
      %sub3A_673 = arith.subi %shift_right_arithmetic3A_670, %sub3A_672 : vector<16xi32>
      %and3A_674 = arith.constant 8388607 : i32
      %and3A_675 = vector.broadcast %and3A_674 : i32 to vector<16xi32>
      %and3A_676 = arith.andi %bitcast3A_667, %and3A_675 : vector<16xi32>
      %or3A_677 = arith.constant 1065353216 : i32
      %or3A_678 = vector.broadcast %or3A_677 : i32 to vector<16xi32>
      %or3A_679 = arith.ori %and3A_676, %or3A_678 : vector<16xi32>
      %bitcast3A_680 = vector.bitcast %or3A_679 : vector<16xi32> to vector<16xf32>
      %convert_element_type3A_681 = arith.sitofp %sub3A_673 : vector<16xi32> to vector<16xf32>
      %sub3A_682 = arith.constant 1.000000e+00 : f32
      %sub3A_683 = vector.broadcast %sub3A_682 : f32 to vector<16xf32>
      %sub3A_684 = arith.subf %bitcast3A_680, %sub3A_683 : vector<16xf32>
      %add3A_685 = arith.addf %convert_element_type3A_681, %sub3A_684 : vector<16xf32>
      %mul3A_686 = arith.constant 0.693147182 : f32
      %mul3A_687 = vector.broadcast %mul3A_686 : f32 to vector<16xf32>
      %mul3A_688 = arith.mulf %add3A_685, %mul3A_687 : vector<16xf32>
      %neg3A_689 = arith.constant 0.000000e+00 : f32
      %neg3A_690 = vector.broadcast %neg3A_689 : f32 to vector<16xf32>
      %neg3A_691 = arith.subf %neg3A_690, %mul3A_688 : vector<16xf32>
      %exp3A_692 = math.exp %neg3A_691 : vector<16xf32>
      %mul3A_693 = arith.mulf %select_n3A_659, %exp3A_692 : vector<16xf32>
      %add3A_694 = arith.addf %mul3A_688, %mul3A_693 : vector<16xf32>
      %sub3A_695 = arith.constant 1.000000e+00 : f32
      %sub3A_696 = vector.broadcast %sub3A_695 : f32 to vector<16xf32>
      %sub3A_697 = arith.subf %add3A_694, %sub3A_696 : vector<16xf32>
      %neg3A_698 = arith.constant 0.000000e+00 : f32
      %neg3A_699 = vector.broadcast %neg3A_698 : f32 to vector<16xf32>
      %neg3A_700 = arith.subf %neg3A_699, %sub3A_697 : vector<16xf32>
      %exp3A_701 = math.exp %neg3A_700 : vector<16xf32>
      %mul3A_702 = arith.mulf %select_n3A_659, %exp3A_701 : vector<16xf32>
      %add3A_703 = arith.addf %sub3A_697, %mul3A_702 : vector<16xf32>
      %sub3A_704 = arith.constant 1.000000e+00 : f32
      %sub3A_705 = vector.broadcast %sub3A_704 : f32 to vector<16xf32>
      %sub3A_706 = arith.subf %add3A_703, %sub3A_705 : vector<16xf32>
      %neg3A_707 = arith.constant 0.000000e+00 : f32
      %neg3A_708 = vector.broadcast %neg3A_707 : f32 to vector<16xf32>
      %neg3A_709 = arith.subf %neg3A_708, %sub3A_706 : vector<16xf32>
      %exp3A_710 = math.exp %neg3A_709 : vector<16xf32>
      %mul3A_711 = arith.mulf %select_n3A_659, %exp3A_710 : vector<16xf32>
      %add3A_712 = arith.addf %sub3A_706, %mul3A_711 : vector<16xf32>
      %sub3A_713 = arith.constant 1.000000e+00 : f32
      %sub3A_714 = vector.broadcast %sub3A_713 : f32 to vector<16xf32>
      %sub3A_715 = arith.subf %add3A_712, %sub3A_714 : vector<16xf32>
      %sub3A_716 = arith.subf %select_n3A_666, %sub3A_715 : vector<16xf32>
      %add3A_717 = arith.addf %add3A_359, %sub3A_716 : vector<16xf32>
      %mul3A_718 = arith.constant 4 : i32
      %mul3A_719 = arith.muli %add3A_376, %mul3A_718 : i32
      %add3A_720 = arith.addi %mul3A_2, %mul3A_719 : i32
      %dma_wait3A_721 = arith.constant 0 : i32
      %dma_wait3A_722 = tpu.memref_slice %arg5[%add3A_720, %dma_wait3A_721] : memref<8192x8192xf32, #tpu.memory_space<hbm>> -> memref<4x8192xf32, #tpu.memory_space<hbm>>
      %dma_wait3A_723 = arith.constant 0 : i32
      %dma_wait3A_724 = tpu.memref_slice %arg5[%add3A_720, %dma_wait3A_723] : memref<8192x8192xf32, #tpu.memory_space<hbm>> -> memref<4x8192xf32, #tpu.memory_space<hbm>>
      tpu.wait_dma2 semaphore(%arg15 : memref<!tpu.dma_semaphore, #tpu.memory_space<semaphore_mem>>) src(%arg10 : memref<4x8192xf32, #tpu.memory_space<vmem>>) dst(%dma_wait3A_724 : memref<4x8192xf32, #tpu.memory_space<hbm>>)
      %add3A_725 = arith.constant 2 : i32
      %add3A_726 = arith.addi %add3A_376, %add3A_725 : i32
      %lt3A_727 = arith.constant 64 : i32
      %lt3A_728 = arith.cmpi slt, %add3A_726, %lt3A_727 : i32
      %convert_element_type3A_729 = arith.extui %lt3A_728 : i1 to i32
      %cond3A_730 = arith.constant 0 : i32
      %cond3A_731 = arith.cmpi ne, %convert_element_type3A_729, %cond3A_730 : i32
      scf.if %cond3A_731 {
        %add3A_732 = arith.constant 2 : i32
        %add3A_733 = arith.addi %add3A_376, %add3A_732 : i32
        %dma_start3A_734 = arith.constant 0 : i32
        %dma_start3A_735 = tpu.memref_slice %arg7[%add3A_733, %dma_start3A_734] : memref<64x4xi32, #tpu.memory_space<vmem>> -> memref<1x4xi32, #tpu.memory_space<vmem>>
        %dma_start3A_736 = tpu.memref_squeeze %dma_start3A_735 : memref<1x4xi32, #tpu.memory_space<vmem>> -> memref<4xi32, #tpu.memory_space<vmem>>
        %dma_start3A_737 = arith.constant 0 : i32
        %dma_start3A_738 = arith.constant 0 : i32
        %dma_start3A_739 = tpu.memref_slice %arg4[%dma_start3A_737, %dma_start3A_738] : memref<8192x8192xf32, #tpu.memory_space<hbm>> -> memref<8192x8192xf32, #tpu.memory_space<hbm>>
        tpu.enqueue_indirect_dma source(%dma_start3A_739 : memref<8192x8192xf32, #tpu.memory_space<hbm>>) target(%arg10 : memref<4x8192xf32, #tpu.memory_space<vmem>>) offsets(%dma_start3A_736 : memref<4xi32, #tpu.memory_space<vmem>>) semaphore(%arg13 : memref<!tpu.dma_semaphore, #tpu.memory_space<semaphore_mem>>)
      } else {
      }
      scf.yield %add3A_717 : vector<16xf32>
    }
    %scan3A_27 = arith.constant 32 : i32
    %swap3A = arith.constant 0 : index
    %swap3A_28 = tpu.vector_load %arg11[%swap3A] {strides = array<i32>} : memref<16xf32, #tpu.memory_space<vmem>>, vector<16xf32>,
    tpu.vector_store %arg11[%swap3A], %scan3A_26 {strides = array<i32>} : memref<16xf32, #tpu.memory_space<vmem>>, vector<16xf32>,
    "tpu.region"() ({
      %run_scoped3A = tpu.sem_alloc : memref<!tpu.dma_semaphore, #tpu.memory_space<semaphore_mem>>
      %dma_start3A_29 = arith.constant 0 : i32
      %dma_start3A_30 = tpu.memref_slice %arg6[%add3A, %dma_start3A_29] : memref<32x16xf32, #tpu.memory_space<hbm>> -> memref<1x16xf32, #tpu.memory_space<hbm>>
      %dma_start3A_31 = tpu.memref_squeeze %dma_start3A_30 : memref<1x16xf32, #tpu.memory_space<hbm>> -> memref<16xf32, #tpu.memory_space<hbm>>
      %dma_start3A_32 = arith.constant 0 : i32
      %dma_start3A_33 = tpu.memref_slice %arg6[%add3A, %dma_start3A_32] : memref<32x16xf32, #tpu.memory_space<hbm>> -> memref<1x16xf32, #tpu.memory_space<hbm>>
      %dma_start3A_34 = tpu.memref_squeeze %dma_start3A_33 : memref<1x16xf32, #tpu.memory_space<hbm>> -> memref<16xf32, #tpu.memory_space<hbm>>
      tpu.enqueue_dma source(%arg11 : memref<16xf32, #tpu.memory_space<vmem>>) target(%dma_start3A_34 : memref<16xf32, #tpu.memory_space<hbm>>) target_semaphore(%run_scoped3A : memref<!tpu.dma_semaphore, #tpu.memory_space<semaphore_mem>>)
      %dma_wait3A = arith.constant 0 : i32
      %dma_wait3A_35 = tpu.memref_slice %arg6[%add3A, %dma_wait3A] : memref<32x16xf32, #tpu.memory_space<hbm>> -> memref<1x16xf32, #tpu.memory_space<hbm>>
      %dma_wait3A_36 = tpu.memref_squeeze %dma_wait3A_35 : memref<1x16xf32, #tpu.memory_space<hbm>> -> memref<16xf32, #tpu.memory_space<hbm>>
      %dma_wait3A_37 = arith.constant 0 : i32
      %dma_wait3A_38 = tpu.memref_slice %arg6[%add3A, %dma_wait3A_37] : memref<32x16xf32, #tpu.memory_space<hbm>> -> memref<1x16xf32, #tpu.memory_space<hbm>>
      %dma_wait3A_39 = tpu.memref_squeeze %dma_wait3A_38 : memref<1x16xf32, #tpu.memory_space<hbm>> -> memref<16xf32, #tpu.memory_space<hbm>>
      tpu.wait_dma2 semaphore(%run_scoped3A : memref<!tpu.dma_semaphore, #tpu.memory_space<semaphore_mem>>) src(%arg11 : memref<16xf32, #tpu.memory_space<vmem>>) dst(%dma_wait3A_39 : memref<16xf32, #tpu.memory_space<hbm>>)
      tpu.yield
    }) : () -> ()
    return
  }
}

</mosaic_0001>

<sc_bundles>
// kernel: kernel.3.cloned.1.call-start
scs
__scs_entry_jumppad:
0x0: {  	(pc) =	sbr.rel $0x88, $3  }
0x1: {  	(tag) =	ssettag $0x0;
	lr =	simm.s32 $0x1  }
0x2: {  	[smem:$0x3F9E] =	sst lr;
	_ =	strace $0xD0000000  }
0x3: {  	_ = 	snop  }
0x4: {  	_ = 	snop  }
0x5: {  	_ = 	snop  }
0x6: {  	_ = 	snop  }
0x7: {  	_ = 	snop  }
__scs_overlays_trampoline_lowered:
0x8: {  	[smem:$0x3FAD] =	sst s0  }
0x9: {  	[smem:$0x3FAE] =	sst s1  }
0xa: {  	[smem:$0x3FAF] =	sst s2  }
0xb: {  	[smem:$0x3FB0] =	sst s3  }
0xc: {  	[smem:$0x3FB1] =	sst s4  }
0xd: {  	[smem:$0x3FB2] =	sst s5  }
0xe: {  	[smem:$0x3FB3] =	sst s6  }
0xf: {  	[smem:$0x3FB4] =	sst s7  }
0x10: {  	[smem:$0x3FB5] =	sst s8  }
0x11: {  	[smem:$0x3FB6] =	sst s9;
	s0 =	simm.s32 @!p0 $0x0  }
0x12: {  	s1 =	sld [smem:$0x3F9C];
	s0 =	simm.s32 @p0 $0x1  }
0x13: {  	[smem:$0x3FB7] =	sst s0;
	s0 =	simm.s32 @!p1 $0x0  }
0x14: {  	s2 =	sld [smem:$0x3F9B];
	s0 =	simm.s32 @p1 $0x1  }
0x15: {  	[smem:$0x3FB8] =	sst s0;
	s0 =	simm.s32 @!p2 $0x0  }
0x16: {  	s3 =	sld [smem:$0x3FDB];
	s0 =	simm.s32 @p2 $0x1  }
0x17: {  	s4 =	simm.s32 $0x1BF5;
	[smem:$0x3FBA] =	sst s0  }
0x18: {  	s0 =	sld [smem:$0x3F9D];
	_ =	swait.ge [sflag:s4], $0x0  }
0x19: {  	s7 =	sld [smem:$0x3F9E]  }
0x1a: {  	s8 =	sadd.s32 $0xFFFFE003, lr  }
0x1b: {  	s9 =	sadd.s32 $0xFFFFFEF7, lr;
	s5 =	simm.s32 $0xFFFFFFFF;
	p2 =	slt.u32 s8, $0xFFFFF086  }
0x1c: {  	p1 =	slt.u32 s9, $0xF7A;
	s5 =	simm.s32 @!p2 $0x0  }
0x1d: {  	s5 =	simm.s32 @p1 $0x1;
	p0 =	seq.s32 s7, s2  }
0x1e: {  	s7 =	smul.u32 @!p0 $0xF7A, s2;
	p2 =	seq.s32 @!p0 s5, $0x0  }
0x1f: {  	s9 =	smul.u32 $0xF7A, s1;
	s8 =	simm.s32 @!p0 $0x1BF5;
	p2 =	por !p2, p0  }
0x20: {  	[sflag:s8] =	ssyncset.s32 @!p0 $0xFFFFF086;
	s6 =	sadd.s32 @!p0 s3, s7;
	s7 =	simm.s32 @!p0 $0x108  }
0x21: {  	s3 =	sadd.s32 s3, s9;
	s6 =	sadd.s32 @!p0 $0x88, s6;
	s7 =	simm.s32 @p2 $0x1082  }
0x22: {  	[simem:s7], [sflag:s8] =	dma.local @!p0 [hbm:s6], $0xF7A  }
0x23: {  	s9 =	sor.u32 $0xD0000000, s2;
	s6 =	simm.s32 $0x108;
	_ =	swait.ge @!p0 [sflag:s8], $0x0  }
0x24: {  	s3 =	sadd.s32 $0x88, s3;
	s6 =	simm.s32 @!p1 $0x1082;
	[sflag:s4] =	ssyncset.s32 $0xFFFFF086  }
0x25: {  	[simem:s6], [sflag:s4] =	dma.local [hbm:s3], $0xF7A  }
0x26: {  	[smem:$0x3F9E] =	sst s1;
	(tag) =	ssettag s2;
	_ =	strace s9  }
0x27: {  	s1 =	sld [smem:$0x3FAE]  }
0x28: {  	s2 =	sld [smem:$0x3FAF]  }
0x29: {  	s4 =	sld [smem:$0x3FB1]  }
0x2a: {  	p0 =	seq.s32 s5, $0x0;
	s5 =	sld [smem:$0x3FB2]  }
0x2b: {  	s6 =	sld [smem:$0x3FB3]  }
0x2c: {  	s7 =	sld [smem:$0x3FB4]  }
0x2d: {  	s3 =	simm.s32 $0x108;
	s8 =	sld [smem:$0x3FB5]  }
0x2e: {  	s3 =	simm.s32 @!p0 $0x1082;
	s9 =	sld [smem:$0x3FB6]  }
0x2f: {  	lr =	sadd.s32 s0, s3;
	s0 =	sld [smem:$0x3FAD]  }
0x30: {  	s3 =	sld [smem:$0x3FB0]  }
0x31: {  	[smem:$0x3FB9] =	sst s10  }
0x32: {  	s10 =	sld [smem:$0x3FB7];
	_ =	sdelay $0x3  }
0x33: {  	p0 =	seq.s32 s10, $0x1;
	s10 =	sld [smem:$0x3FB9];
	_ =	sdelay $0x3  }
0x34: {  	[smem:$0x3FB9] =	sst s10  }
0x35: {  	s10 =	sld [smem:$0x3FB8];
	_ =	sdelay $0x3  }
0x36: {  	p1 =	seq.s32 s10, $0x1;
	s10 =	sld [smem:$0x3FB9];
	_ =	sdelay $0x3  }
0x37: {  	[smem:$0x3FB9] =	sst s10  }
0x38: {  	s10 =	sld [smem:$0x3FBA]  }
0x39: {  	_ = 	snop;
	(pc) =	sbr.ind lr, $3  }
0x3a: {  	_ = 	snop  }
0x3b: {  	_ = 	snop  }
0x3c: {  	p2 =	seq.s32 s10, $0x1;
	s10 =	sld [smem:$0x3FB9]  }
0x3d: {  	_ =	shalt  }
0x3e: {  	_ =	shalt  }
0x3f: {  	_ =	shalt  }
0x40: {  	_ =	shalt  }
0x41: {  	_ =	shalt  }
0x42: {  	_ =	shalt  }
0x43: {  	_ =	shalt  }
0x44: {  	_ =	shalt  }
0x45: {  	_ =	shalt  }
0x46: {  	_ =	shalt  }
0x47: {  	_ =	shalt  }
0x48: {  	_ =	shalt  }
0x49: {  	_ =	shalt  }
0x4a: {  	_ =	shalt  }
0x4b: {  	_ =	shalt  }
0x4c: {  	_ =	shalt  }
0x4d: {  	_ =	shalt  }
0x4e: {  	_ =	shalt  }
0x4f: {  	_ =	shalt  }
0x50: {  	_ =	shalt  }
0x51: {  	_ =	shalt  }
0x52: {  	_ =	shalt  }
0x53: {  	_ =	shalt  }
0x54: {  	_ =	shalt  }
0x55: {  	_ =	shalt  }
0x56: {  	_ =	shalt  }
0x57: {  	_ =	shalt  }
0x58: {  	_ =	shalt  }
0x59: {  	_ =	shalt  }
0x5a: {  	_ =	shalt  }
0x5b: {  	_ =	shalt  }
0x5c: {  	_ =	shalt  }
0x5d: {  	_ =	shalt  }
0x5e: {  	_ =	shalt  }
0x5f: {  	_ =	shalt  }
0x60: {  	_ =	shalt  }
0x61: {  	_ =	shalt  }
0x62: {  	_ =	shalt  }
0x63: {  	_ =	shalt  }
0x64: {  	_ =	shalt  }
0x65: {  	_ =	shalt  }
0x66: {  	_ =	shalt  }
0x67: {  	_ =	shalt  }
0x68: {  	_ =	shalt  }
0x69: {  	_ =	shalt  }
0x6a: {  	_ =	shalt  }
0x6b: {  	_ =	shalt  }
0x6c: {  	_ =	shalt  }
0x6d: {  	_ =	shalt  }
0x6e: {  	_ =	shalt  }
0x6f: {  	_ =	shalt  }
0x70: {  	_ =	shalt  }
0x71: {  	_ =	shalt  }
0x72: {  	_ =	shalt  }
0x73: {  	_ =	shalt  }
0x74: {  	_ =	shalt  }
0x75: {  	_ =	shalt  }
0x76: {  	_ =	shalt  }
0x77: {  	_ =	shalt  }
0x78: {  	_ =	shalt  }
0x79: {  	_ =	shalt  }
0x7a: {  	_ =	shalt  }
0x7b: {  	_ =	shalt  }
0x7c: {  	_ =	shalt  }
0x7d: {  	_ =	shalt  }
0x7e: {  	_ =	shalt  }
0x7f: {  	_ =	shalt  }
0x80: {  	_ =	shalt  }
0x81: {  	_ =	shalt  }
0x82: {  	_ =	shalt  }
0x83: {  	_ =	shalt  }
0x84: {  	_ =	shalt  }
0x85: {  	_ =	shalt  }
0x86: {  	_ =	shalt  }
0x87: {  	_ =	shalt  }
.Lfunc_end0:
.L_simem_size_0:
called_computation_lowered:
.L_overlay_start_0:
0x88: {  	s2 =	sld [smem:$0x3FD9]  }
0x89: {  	s3 =	sld [smem:$0x3FFE];
	_ =	sdelay $0x1  }
0x8a: {  	s1 =	srdreg.scid  }
0x8b: {  	s0 =	sand.u32 $0x1, s1  }
0x8c: {  	s14 =	sshll.u32 s0, $0xA;
	s2 =	sadd.s32 s3, s2  }
0x8d: {  	s2 =	sadd.s32 s2, s14  }
0x8e: {  	[smem:$0x3FC5] =	sst s2  }
0x8f: {  	_ = 	snop  }
0x90: {  	s2 =	sld [smem:$0x3FD0];
	_ =	sdelay $0x2  }
0x91: {  	s4 =	simm.s32 $0xA;
	s5 =	simm.s32 $0x10;
	s15 =	sld [smem:$0x3FC7]  }
0x92: {  	[smem:s5], [sflag:s4] =	dma.local [hbm:s2], $0x1  }
0x93: {  	_ =	swait.eq [sflag:s4], $0x1  }
0x94: {  	[sflag:s4] =	ssyncset.done $0x0  }
0x95: {  	[sflag:s4] =	ssyncadd.s32 $0xFFFFFFFF  }
0x96: {  	s16 =	sld [smem:$0x10];
	(tm) =	ssettm $0x1  }
0x97: {  	s17 =	sld [smem:$0x3FFB];
	_ =	sdelay $0x3  }
0x98: {  	_ =	strace s17  }
0x99: {  	s4 =	sld [smem:$0x3FFC];
	_ =	sdelay $0x3  }
0x9a: {  	_ =	strace s4  }
0x9b: {  	s4 =	sld [smem:$0x3FFD];
	_ =	sdelay $0x3  }
0x9c: {  	_ =	strace s4  }
0x9d: {  	_ =	strace $0x8FFFFFFF  }
0x9e: {  	s18 =	sld [smem:$0x3FDB];
	_ =	sdelay $0x1  }
0x9f: {  	s19 =	simm.s32 $_scs_section_size  }
0xa0: {  	s6 =	simm.s32 $_size__tile_overlayer_lowered;
	s7 =	simm.s32 $_tile_overlayer_lowered  }
0xa1: {  	s22 =	simm.s32 $0x1BFF;
	s21 =	sshll.u32 s7, $0x1;
	s4 =	sadd.s32 s19, s18  }
0xa2: {  	s8 =	simm.s32 $0x0;
	s20 =	sshll.u32 s6, $0x1;
	s6 =	sadd.s32 s21, s4  }
0xa3: {  	[timem:s8], [sflag:s22] =	dma.local [hbm:s6], s20  }
0xa4: {  	_ =	swait.ge [sflag:s22], s20  }
0xa5: {  	s5 =	ssub.s32 $0x0, s20;
	[sflag:s22] =	ssyncset.done $0x0  }
0xa6: {  	[sflag:s22] =	ssyncadd.s32 s5;
	_ =	sdelay $0x1  }
0xa7: {  	s23 =	simm.s32 $0x1B8B  }
0xa8: {  	_ =	swait.ge [sflag:s23], $0x1  }
0xa9: {  	[sflag:s23] =	ssyncset.done $0x0  }
0xaa: {  	s25 =	simm.s32 $0x1B8E;
	s24 =	sld [smem:$0x3FFE];
	[sflag:s23] =	ssyncadd.s32 $0xFFFFFFFF  }
0xab: {  	s26 =	simm.s32 $execute0_lowered;
	[smem:$0x3FD2] =	sst s25  }
0xac: {  	s6 =	sshll.u32 s26, $0x1;
	_ =	strace $0x80000046;
	[dreg:$0x1] =	wrdreg $0xFFFFFFFF  }
0xad: {  	s28 =	simm.s32 $_size_execute0_lowered;
	s4 =	sadd.s32 s4, s6;
	[dreg:$0x0] =	wrdreg $0x0  }
0xae: {  	s6 =	sshll.u32 s28, $0x1;
	[dreg:$0x2] =	wrdreg s4  }
0xaf: {  	[dreg:$0x3] =	wrdreg s6  }
0xb0: {  	[dreg:$0x4] =	wrdreg $0xC0  }
0xb1: {  	_ =	task [dreg:s8], $0x5FFFF  }
0xb2: {  	[dreg:$0x1] =	wrdreg $0xFFFFFFFF  }
0xb3: {  	[dreg:$0x0] =	wrdreg $0x60  }
0xb4: {  	[dreg:$0x2] =	wrdreg s24  }
0xb5: {  	[dreg:$0x3] =	wrdreg s15  }
0xb6: {  	[dreg:$0x4] =	wrdreg s16  }
0xb7: {  	[dreg:$0x5] =	wrdreg $0x9  }
0xb8: {  	_ =	task.clear_ibuf [dreg:s8], $0x6FFFF;
	_ =	strace $0x90000046  }
0xb9: {  	s29 =	simm.s32 $0x9;
	_ =	strace $0x80000048  }
0xba: {  	_ =	swait.ge [sflag:s29], $0x1  }
0xbb: {  	[sflag:s29] =	ssyncadd.s32 $0xFFFFFFFF  }
0xbc: {  	_ =	strace $0x90000048  }
0xbd: {  	_ =	sfence  }
0xbe: {  	s30 =	sld [smem:$0x0];
	_ =	sdelay $0x2  }
0xbf: {  	s31 =	sshll.u32 s1, $0xD;
	s1 =	sshrl.u32 s1, $0x2  }
0xc0: {  	s3 =	sand.u32 $0x4000, s31;
	s1 =	sadd.s32 s1, s30  }
0xc1: {  	s0 =	sor.u32 s3, s0;
	s1 =	sshll.u32 s1, $0x11  }
0xc2: {  	s0 =	sor.u32 s1, s0  }
0xc3: {  	s0 =	sadd.s32 $0x8F2B, s0  }
0xc4: {  	[sflag:s0] =	ssyncadd.remote.s32 $0x1  }
0xc5: {  	_ =	sfence.sel $0xFFFF  }
0xc6: {  	[dreg:$0x0] =	wrdreg $0xFFFFFFFF;
	(pc) =	sbr.abs _section_cstart, $3  }
0xc7: {  	[dreg:$0x1] =	wrdreg $0xFFFFFFFF  }
0xc8: {  	_ =	task.clear_ibuf [dreg:s8], $0x2FFFF;
	_ =	strace $0x9FFFFFFF  }
0xc9: {  	(tm) =	ssettm $0x7FFFFFFF  }
tec
execute0_lowered:
.L_overlay_start_1:
0x0: {  	(tag) =	ssettag $0x1  }
0x1: {  	s0 =	rddreg [dreg:$0x0]  }
0x2: {  	s1 =	rddreg [dreg:$0x1]  }
0x3: {  	s22 =	rddreg [dreg:$0x2];
	s4 =	simm.s32 $0x0  }
0x4: {  	s2 =	srdreg.scid;
	s3 =	stileid.u32;
	s29 =	simm.s32 $0x4000  }
0x5: {  	v0 =	vimm.s32 $0xFEDCBA98;
	s30 =	simm.s32 $0xC000;
	s24 =	simm.s32 $0x200;
	s25 =	simm.s32 $0x400  }
0x6: {  	v1 =	vimm.s32 $0x76543210;
	v2 =	vimm.s32 $0xBA98FEDC;
	s31 =	simm.s32 $0x4;
	[smem:$0x7FF] =	sst s4;
	s2 =	sand.u32 $0x1, s2  }
0x7: {  	v3 =	vimm.s32 $0x32107654;
	v4 =	vimm.s32 $0xDCFE98BA;
	s3 =	sshll.u32 s3, $0x1;
	s8 =	sadd.s32 $0x400, s1;
	s9 =	sadd.s32 $0x600, s1  }
0x8: {  	v5 =	vimm.s32 $0x54761032;
	s10 =	sadd.s32 $0x800, s1;
	s11 =	sadd.s32 $0xA00, s1;
	s12 =	sadd.s32 $0xC00, s1  }
0x9: {  	v6 =	vimm.s32 $0xEFCDAB89;
	s13 =	sadd.s32 $0xE00, s1;
	s14 =	sadd.s32 $0x1000, s1;
	s15 =	sadd.s32 $0x1200, s1  }
0xa: {  	v7 =	vimm.s32 $0x67452301;
	vm0 =	vmmov $0xffff;
	vm1 =	vmmov $0x1;
	s16 =	sadd.s32 $0x1400, s1;
	s17 =	sadd.s32 $0x1600, s1;
	s18 =	sadd.s32 $0x1800, s1  }
0xb: {  	vm2 =	vcmask $0x310;
	vm3 =	vcmask $0x710;
	s19 =	sadd.s32 $0x1A00, s1;
	s20 =	sadd.s32 $0x1C00, s1;
	s21 =	sadd.s32 $0x1E00, s1;
	v0 =	vunpack.c.l.s4.s8 v0  }
0xc: {  	vm4 =	vcmask $0xB10;
	vm5 =	vmmov $0xf;
	s23 =	sadd.s32 $0x40, s22;
	v1 =	vunpack.c.l.s4.s8 v1;
	_ =	strace $0x80000047;
	s3 =	sor.u32 s2, s3  }
0xd: {  	v2 =	vunpack.c.l.s4.s8 v2;
	v3 =	vunpack.c.l.s4.s8 v3;
	s2 =	ssub.s32 $0x2, s2;
	s5 =	sshll.u32 s3, $0xA;
	s6 =	sshll.u32 s3, $0x4;
	v0 =	vunpack.c.0.s8.s32 v0  }
0xe: {  	v4 =	vunpack.c.l.s4.s8 v4;
	v5 =	vunpack.c.l.s4.s8 v5;
	s7 =	sshrl.u32 s2, $0x1;
	s3 =	sshll.u32 s3, $0x12;
	v1 =	vunpack.c.0.s8.s32 v1;
	s5 =	sadd.s32 s5, s0  }
0xf: {  	v2 =	vunpack.c.0.s8.s32 v2;
	v3 =	vunpack.c.0.s8.s32 v3;
	s0 =	sadd.s32 s6, s0;
	s2 =	ssub.s32 s2, s7;
	s7 =	sadd.s32 $0x200, s1;
	v0 =	vand.u32 $0xF, v0  }
.Ltmp0:
0x10: {  	v6 =	vunpack.c.l.s4.s8 v6;
	v7 =	vunpack.c.l.s4.s8 v7;
	[dreg:$0x6] =	wrdreg s3;
	s26 =	sadd.s32 $0x400, s5;
	v0 =	vcombine.low v0, v1;
	(pc) =	sbr.rel .LBB2_1-.Ltmp0, $4  }
0x11: {  	s6 =	simm.s32 $0x1;
	s5 =	sadd.s32 $0x8400, s5;
	[dreg:$0x4] =	wrdreg s26;
	v1 =	vcombine.low v3, v2;
	v2 =	vunpack.c.0.s8.s32 v4;
	v3 =	vunpack.c.0.s8.s32 v5  }
0x12: {  	s3 =	simm.s32 $0x2;
	s0 =	sadd.s32 $0x10400, s0;
	[dreg:$0x5] =	wrdreg s5;
	v4 =	vlaneseq.u32;
	v5 =	vunpack.c.0.s8.s32 v6;
	v6 =	vunpack.c.0.s8.s32 v7  }
0x13: {  	s28 =	smax.u32 s2, $0x1;
	s2 =	simm.s32 $0x5;
	[dreg:$0x7] =	wrdreg s0;
	v2 =	vcombine.low v3, v2;
	v3 =	vand.u32 $0x3, v4;
	v4 =	vshrl.u32 v4, $0x2  }
0x14: {  	[dreg:$0x8] =	wrdreg s28;
	s26 =	simm.s32 $0x3;
	s5 =	simm.s32 $0x0;
	v5 =	vcombine.low v6, v5;
	v4 =	vmul.u32 $0x8, v4;
	v6 =	vmul.u32 $0x80, v3  }
.LBB2_20:
0x15: {  	[tilespmem:$0x14000] =	vst v8;
	s0 =	rddreg [dreg:$0x7];
	s2 =	simm.s32 $0x14000  }
0x16: {  	[hbm4b:s0+s4] =	stream.linear.scatter [tilespmem:s2], [sflag:$0x5], $0x80, $0x38;
	[tilespmem:$0x14080] =	vst v63  }
0x17: {  	s2 =	simm.s32 $0x5  }
0x18: {  	_ =	swait.ge [sflag:s2], $0x80  }
0x19: {  	s5 =	rddreg [dreg:$0x9]  }
0x1a: {  	s28 =	rddreg [dreg:$0x8];
	s5 =	sadd.s32 $0x1, s5  }
0x1b: {  	p0 =	sne.s32 s5, s28  }
.Ltmp1:
0x1c: {  	_ = 	snop;
	(pc) =	sbr.rel @!p0 .LBB2_21-.Ltmp1, $3  }
0x1d: {  	_ =	sdelay $0x1  }
0x1e: {  	[sflag:s2] =	ssyncset.done $0x0  }
0x1f: {  	[sflag:s2] =	ssyncadd.s32 $0xFFFFFF80  }
.LBB2_1:
0x20: {  	[dreg:$0x9] =	wrdreg s5  }
0x21: {  	s0 =	rddreg [dreg:$0x4]  }
0x22: {  	[tilespmem:s4], [sflag:$0x5] =	stream.linear.gather [hbm4b:s0+s4], $0x2000, $0x38;
	[tilespmem:$0x14080] =	vst v63  }
0x23: {  	_ =	swait.ge [sflag:s2], $0x2000  }
0x24: {  	[sflag:s2] =	ssyncset.done $0x0  }
0x25: {  	s28 =	simm.s32 $0x2000;
	s22 =	rddreg [dreg:$0x5];
	[sflag:s2] =	ssyncadd.s32 $0xFFFFE000  }
0x26: {  	[tilespmem:s28], [sflag:$0x5] =	stream.linear.gather [hbm4b:s22+s4], $0x2000, $0x38;
	[tilespmem:$0x14080] =	vst v63  }
0x27: {  	_ =	swait.ge [sflag:s2], $0x2000  }
0x28: {  	[sflag:s2] =	ssyncset.done $0x0  }
0x29: {  	[sflag:s2] =	ssyncadd.s32 $0xFFFFE000  }
0x2a: {  	v7 =	vld.msk [tilespmem:$0x0], $0xf;
	_ =	sdelay $0x4  }
0x2b: {  	v8 =	vshll.u32 v7, $0x6  }
0x2c: {  	v7 =	vand.u32 $0x7, v7;
	v8 =	vand.u32 $0xFFFFFE00, v8  }
0x2d: {  	v7 =	vor.u32 v7, v8  }
0x2e: {  	v7 =	vperm.xlane v7, v3;
	_ =	sdelay $0x1  }
0x2f: {  	v7 =	vadd.s32 v4, v7;
	_ =	sdelay $0x4  }
0x30: {  	[tilespmem:s29], [sflag:$0x1] =	stream.indirect_vreg.gather [hbm4b:s1+s4], $0x80, v7, vm0, $0xb8;
	[tilespmem:$0x14080] =	vst v63  }
0x31: {  	s22 =	simm.s32 $0x4800  }
0x32: {  	[tilespmem:s22], [sflag:$0x1] =	stream.indirect_vreg.gather [hbm4b:s7+s4], $0x80, v7, vm0, $0xb8;
	[tilespmem:$0x14080] =	vst v63  }
0x33: {  	s28 =	simm.s32 $0x5000  }
0x34: {  	[tilespmem:s28], [sflag:$0x1] =	stream.indirect_vreg.gather [hbm4b:s8+s4], $0x80, v7, vm0, $0xb8;
	[tilespmem:$0x14080] =	vst v63  }
0x35: {  	s2 =	simm.s32 $0x5800  }
0x36: {  	[tilespmem:s2], [sflag:$0x1] =	stream.indirect_vreg.gather [hbm4b:s9+s4], $0x80, v7, vm0, $0xb8;
	[tilespmem:$0x14080] =	vst v63  }
0x37: {  	s5 =	simm.s32 $0x6000  }
0x38: {  	[tilespmem:s5], [sflag:$0x1] =	stream.indirect_vreg.gather [hbm4b:s10+s4], $0x80, v7, vm0, $0xb8;
	[tilespmem:$0x14080] =	vst v63  }
0x39: {  	s22 =	simm.s32 $0x6800  }
0x3a: {  	[tilespmem:s22], [sflag:$0x1] =	stream.indirect_vreg.gather [hbm4b:s11+s4], $0x80, v7, vm0, $0xb8;
	[tilespmem:$0x14080] =	vst v63  }
0x3b: {  	s28 =	simm.s32 $0x7000  }
0x3c: {  	[tilespmem:s28], [sflag:$0x1] =	stream.indirect_vreg.gather [hbm4b:s12+s4], $0x80, v7, vm0, $0xb8;
	[tilespmem:$0x14080] =	vst v63  }
0x3d: {  	s2 =	simm.s32 $0x7800  }
0x3e: {  	[tilespmem:s2], [sflag:$0x1] =	stream.indirect_vreg.gather [hbm4b:s13+s4], $0x80, v7, vm0, $0xb8;
	[tilespmem:$0x14080] =	vst v63  }
0x3f: {  	s5 =	simm.s32 $0x8000  }
0x40: {  	[tilespmem:s5], [sflag:$0x1] =	stream.indirect_vreg.gather [hbm4b:s14+s4], $0x80, v7, vm0, $0xb8;
	[tilespmem:$0x14080] =	vst v63  }
0x41: {  	s22 =	simm.s32 $0x8800  }
0x42: {  	[tilespmem:s22], [sflag:$0x1] =	stream.indirect_vreg.gather [hbm4b:s15+s4], $0x80, v7, vm0, $0xb8;
	[tilespmem:$0x14080] =	vst v63  }
0x43: {  	s28 =	simm.s32 $0x9000  }
0x44: {  	[tilespmem:s28], [sflag:$0x1] =	stream.indirect_vreg.gather [hbm4b:s16+s4], $0x80, v7, vm0, $0xb8;
	[tilespmem:$0x14080] =	vst v63  }
0x45: {  	s2 =	simm.s32 $0x9800  }
0x46: {  	[tilespmem:s2], [sflag:$0x1] =	stream.indirect_vreg.gather [hbm4b:s17+s4], $0x80, v7, vm0, $0xb8;
	[tilespmem:$0x14080] =	vst v63  }
0x47: {  	s5 =	simm.s32 $0xA000  }
0x48: {  	[tilespmem:s5], [sflag:$0x1] =	stream.indirect_vreg.gather [hbm4b:s18+s4], $0x80, v7, vm0, $0xb8;
	[tilespmem:$0x14080] =	vst v63  }
0x49: {  	s22 =	simm.s32 $0xA800  }
0x4a: {  	[tilespmem:s22], [sflag:$0x1] =	stream.indirect_vreg.gather [hbm4b:s19+s4], $0x80, v7, vm0, $0xb8;
	[tilespmem:$0x14080] =	vst v63  }
0x4b: {  	s28 =	simm.s32 $0xB000  }
0x4c: {  	[tilespmem:s28], [sflag:$0x1] =	stream.indirect_vreg.gather [hbm4b:s20+s4], $0x80, v7, vm0, $0xb8;
	[tilespmem:$0x14080] =	vst v63  }
0x4d: {  	s2 =	simm.s32 $0xB800  }
0x4e: {  	[tilespmem:s2], [sflag:$0x1] =	stream.indirect_vreg.gather [hbm4b:s21+s4], $0x80, v7, vm0, $0xb8;
	[tilespmem:$0x14080] =	vst v63  }
0x4f: {  	v7 =	vld.msk [tilespmem:$0x80], $0xf;
	_ =	sdelay $0x4  }
0x50: {  	v8 =	vshll.u32 v7, $0x6  }
0x51: {  	v7 =	vand.u32 $0x7, v7;
	v8 =	vand.u32 $0xFFFFFE00, v8  }
0x52: {  	v7 =	vor.u32 v7, v8  }
0x53: {  	v7 =	vperm.xlane v7, v3;
	_ =	sdelay $0x1  }
0x54: {  	v7 =	vadd.s32 v4, v7;
	_ =	sdelay $0x4  }
0x55: {  	[tilespmem:s30], [sflag:$0x2] =	stream.indirect_vreg.gather [hbm4b:s1+s4], $0x80, v7, vm0, $0xb8;
	[tilespmem:$0x14080] =	vst v63  }
0x56: {  	s5 =	simm.s32 $0xC800  }
0x57: {  	[tilespmem:s5], [sflag:$0x2] =	stream.indirect_vreg.gather [hbm4b:s7+s4], $0x80, v7, vm0, $0xb8;
	[tilespmem:$0x14080] =	vst v63  }
0x58: {  	s22 =	simm.s32 $0xD000  }
0x59: {  	[tilespmem:s22], [sflag:$0x2] =	stream.indirect_vreg.gather [hbm4b:s8+s4], $0x80, v7, vm0, $0xb8;
	[tilespmem:$0x14080] =	vst v63  }
0x5a: {  	s28 =	simm.s32 $0xD800  }
0x5b: {  	[tilespmem:s28], [sflag:$0x2] =	stream.indirect_vreg.gather [hbm4b:s9+s4], $0x80, v7, vm0, $0xb8;
	[tilespmem:$0x14080] =	vst v63  }
0x5c: {  	s2 =	simm.s32 $0xE000  }
0x5d: {  	[tilespmem:s2], [sflag:$0x2] =	stream.indirect_vreg.gather [hbm4b:s10+s4], $0x80, v7, vm0, $0xb8;
	[tilespmem:$0x14080] =	vst v63  }
0x5e: {  	s5 =	simm.s32 $0xE800  }
0x5f: {  	[tilespmem:s5], [sflag:$0x2] =	stream.indirect_vreg.gather [hbm4b:s11+s4], $0x80, v7, vm0, $0xb8;
	[tilespmem:$0x14080] =	vst v63  }
0x60: {  	s22 =	simm.s32 $0xF000  }
0x61: {  	[tilespmem:s22], [sflag:$0x2] =	stream.indirect_vreg.gather [hbm4b:s12+s4], $0x80, v7, vm0, $0xb8;
	[tilespmem:$0x14080] =	vst v63  }
0x62: {  	s28 =	simm.s32 $0xF800  }
0x63: {  	[tilespmem:s28], [sflag:$0x2] =	stream.indirect_vreg.gather [hbm4b:s13+s4], $0x80, v7, vm0, $0xb8;
	[tilespmem:$0x14080] =	vst v63  }
0x64: {  	s2 =	simm.s32 $0x10000  }
0x65: {  	[tilespmem:s2], [sflag:$0x2] =	stream.indirect_vreg.gather [hbm4b:s14+s4], $0x80, v7, vm0, $0xb8;
	[tilespmem:$0x14080] =	vst v63  }
0x66: {  	s5 =	simm.s32 $0x10800  }
0x67: {  	[tilespmem:s5], [sflag:$0x2] =	stream.indirect_vreg.gather [hbm4b:s15+s4], $0x80, v7, vm0, $0xb8;
	[tilespmem:$0x14080] =	vst v63  }
0x68: {  	s22 =	simm.s32 $0x11000  }
0x69: {  	[tilespmem:s22], [sflag:$0x2] =	stream.indirect_vreg.gather [hbm4b:s16+s4], $0x80, v7, vm0, $0xb8;
	[tilespmem:$0x14080] =	vst v63  }
0x6a: {  	s28 =	simm.s32 $0x11800  }
0x6b: {  	[tilespmem:s28], [sflag:$0x2] =	stream.indirect_vreg.gather [hbm4b:s17+s4], $0x80, v7, vm0, $0xb8;
	[tilespmem:$0x14080] =	vst v63  }
0x6c: {  	s2 =	simm.s32 $0x12000  }
0x6d: {  	[tilespmem:s2], [sflag:$0x2] =	stream.indirect_vreg.gather [hbm4b:s18+s4], $0x80, v7, vm0, $0xb8;
	[tilespmem:$0x14080] =	vst v63  }
0x6e: {  	s5 =	simm.s32 $0x12800  }
0x6f: {  	[tilespmem:s5], [sflag:$0x2] =	stream.indirect_vreg.gather [hbm4b:s19+s4], $0x80, v7, vm0, $0xb8;
	[tilespmem:$0x14080] =	vst v63  }
0x70: {  	s22 =	simm.s32 $0x13000  }
0x71: {  	[tilespmem:s22], [sflag:$0x2] =	stream.indirect_vreg.gather [hbm4b:s20+s4], $0x80, v7, vm0, $0xb8;
	[tilespmem:$0x14080] =	vst v63  }
0x72: {  	s0 =	simm.s32 $0x0;
	s28 =	simm.s32 $0x13800  }
0x73: {  	v8 =	vimm.f32 $0.0e+00;
	[tilespmem:s28], [sflag:$0x2] =	stream.indirect_vreg.gather [hbm4b:s21+s4], $0x80, v7, vm0, $0xb8;
	v7 =	vimm.f32 $0.0e+00;
	[tilespmem:$0x14080] =	vst v63  }
.LBB2_2:
0x74: {  	_ =	swait.ge [sflag:s6], $0x8000  }
0x75: {  	[sflag:s6] =	ssyncset.done $0x0  }
0x76: {  	s2 =	sshll.u32 s0, $0xD;
	s5 =	rddreg [dreg:$0x6];
	[sflag:s6] =	ssyncadd.s32 $0xFFFF8000  }
0x77: {  	s28 =	sadd.s32 s5, s2;
	s5 =	rddreg [dreg:$0x2]  }
0x78: {  	s22 =	simm.s32 $0x0;
	s2 =	sadd.s32 s5, s28  }
0x79: {  	[hbm4b:s2+s24] =	stream.strided.scatter [tilespmem:s29], [sflag:$0x3], $0x8000, s25, s24, $0x38;
	[tilespmem:$0x14080] =	vst v63  }
0x7a: {  	v9 =	vld [tilespmem:s22+$0x4000]  }
0x7b: {  	v10 =	vld [tilespmem:s22+$0x4010]  }
0x7c: {  	v11 =	vld [tilespmem:s22+$0x4030]  }
0x7d: {  	v12 =	vld [tilespmem:s22+$0x4050]  }
0x7e: {  	v14 =	vld [tilespmem:s22+$0x4020]  }
0x7f: {  	v15 =	vld [tilespmem:s22+$0x4040];
	v9 =	vmul.f32 $1.442695020e+00, v9  }
0x80: {  	s5 =	simm.s32 $0x200;
	v13 =	vld [tilespmem:s22+$0x4070];
	v10 =	vmul.f32 $1.442695020e+00, v10  }
0x81: {  	(erf) = vpow2.f32 v9;
	v9 =	vld [tilespmem:s5+$0x4000]  }
0x82: {  	v11 =	vmul.f32 $1.442695020e+00, v11;
	(erf) = vpow2.f32 v10;
	v10 =	vld [tilespmem:s5+$0x4010]  }
0x83: {  	v12 =	vmul.f32 $1.442695020e+00, v12;
	v14 =	vmul.f32 $1.442695020e+00, v14  }
0x84: {  	v16 =	vld [tilespmem:s22+$0x4060];
	v15 =	vmul.f32 $1.442695020e+00, v15;
	(erf) = vpow2.f32 v11  }
0x85: {  	v13 =	vmul.f32 $1.442695020e+00, v13;
	v11 =	vld [tilespmem:s5+$0x4050];
	(erf) = vpow2.f32 v12  }
0x86: {  	v17 =	vld [tilespmem:s5+$0x4030];
	(erf) = vpow2.f32 v14;
	v9 =	vmul.f32 $1.442695020e+00, v9  }
0x87: {  	v14 =	vld [tilespmem:s5+$0x4020];
	(erf) = vpow2.f32 v15;
	v10 =	vmul.f32 $1.442695020e+00, v10  }
0x88: {  	v15 =	vld [tilespmem:s5+$0x4040];
	(erf) = vpow2.f32 v13  }
0x89: {  	s22 =	simm.s32 $0x400;
	v12 =	vld [tilespmem:s5+$0x4070];
	(erf) = vpow2.f32 v9  }
0x8a: {  	v9 =	vmul.f32 $1.442695020e+00, v16;
	v16 =	vld [tilespmem:s22+$0x4000];
	v11 =	vmul.f32 $1.442695020e+00, v11  }
0x8b: {  	v17 =	vmul.f32 $1.442695020e+00, v17;
	(erf) = vpow2.f32 v10;
	v10 =	vpop (erf)  }
0x8c: {  	v18 =	vld [tilespmem:s22+$0x4010];
	(erf) = vpow2.f32 v9;
	v9 =	vmul.f32 $1.442695020e+00, v14;
	v19 =	vpop (erf)  }
0x8d: {  	v13 =	vld [tilespmem:s5+$0x4060];
	(erf) = vpow2.f32 v17;
	v15 =	vmul.f32 $1.442695020e+00, v15;
	v14 =	vadd.f32 v19, v7  }
0x8e: {  	v12 =	vmul.f32 $1.442695020e+00, v12;
	v17 =	vld [tilespmem:s22+$0x4050];
	(erf) = vpow2.f32 v11;
	v11 =	vpop (erf)  }
0x8f: {  	v20 =	vld [tilespmem:s22+$0x4030];
	(erf) = vpow2.f32 v9;
	v9 =	vadd.f32 v11, v14;
	v14 =	vmul.f32 $1.442695020e+00, v16  }
0x90: {  	(erf) = vpow2.f32 v15;
	v11 =	vpop (erf)  }
0x91: {  	v18 =	vmul.f32 $1.442695020e+00, v18;
	v16 =	vld [tilespmem:s22+$0x4020];
	(erf) = vpow2.f32 v12;
	v15 =	vpop (erf)  }
0x92: {  	s2 =	simm.s32 $0x600;
	v13 =	vmul.f32 $1.442695020e+00, v13;
	v12 =	vadd.f32 v11, v9;
	v22 =	vpop (erf);
	(erf) = vpow2.f32 v14  }
0x93: {  	v23 =	vld [tilespmem:s2+$0x4000];
	(erf) = vpow2.f32 v18;
	v18 =	vmul.f32 $1.442695020e+00, v17;
	v14 =	vpop (erf)  }
0x94: {  	v21 =	vld [tilespmem:s22+$0x4040];
	v20 =	vmul.f32 $1.442695020e+00, v20;
	v11 =	vpop (erf);
	v12 =	vadd.f32 v14, v12  }
0x95: {  	v10 =	vadd.f32 v10, v7;
	v19 =	vld [tilespmem:s22+$0x4070];
	(erf) = vpow2.f32 v13;
	v17 =	vpop (erf)  }
0x96: {  	v9 =	vld [tilespmem:s22+$0x4060];
	v16 =	vmul.f32 $1.442695020e+00, v16;
	(erf) = vpow2.f32 v20;
	v20 =	vadd.f32 v17, v12;
	v17 =	vpop (erf)  }
0x97: {  	v14 =	vld [tilespmem:s2+$0x4010];
	(erf) = vpow2.f32 v18;
	v18 =	vpop (erf)  }
0x98: {  	v25 =	vadd.f32 v15, v10;
	v10 =	vld [tilespmem:s2+$0x4070];
	(erf) = vpow2.f32 v16;
	v16 =	vadd.f32 v18, v20  }
0x99: {  	v24 =	vmul.f32 $1.442695020e+00, v21;
	v15 =	vld [tilespmem:s2+$0x4020]  }
0x9a: {  	v19 =	vmul.f32 $1.442695020e+00, v19;
	v13 =	vld [tilespmem:s2+$0x4030];
	v26 =	vpop (erf)  }
0x9b: {  	v21 =	vmul.f32 $1.442695020e+00, v23;
	v22 =	vadd.f32 v22, v25;
	v12 =	vld [tilespmem:s2+$0x4050];
	(erf) = vpow2.f32 v24;
	v18 =	vpop (erf)  }
0x9c: {  	s5 =	simm.s32 $0x2000;
	(erf) = vpow2.f32 v19;
	v20 =	vmul.f32 $1.442695020e+00, v14;
	v14 =	vld [tilespmem:s2+$0x4040];
	v19 =	vadd.f32 v26, v16;
	v16 =	vpop (erf)  }
.LBB2_3:
0x9d: {  	(erf) = vpow2.f32 v21  }
0x9e: {  	p0 =	sne.s32 s5, $0x1F800;
	v21 =	vmul.f32 $1.442695020e+00, v9;
	v9 =	vld [tilespmem:s2+$0x4060];
	s2 =	sshra.s32 s5, $0x2;
	s5 =	sadd.s32 $0x800, s5;
	v23 =	vpop (erf);
	v26 =	vadd.f32 v17, v22;
	v22 =	vmov v11  }
0x9f: {  	v25 =	vmul.f32 $1.442695020e+00, v13;
	v24 =	vld [tilespmem:s2+$0x4000];
	(erf) = vpow2.f32 v20;
	v11 =	vpop (erf);
	v19 =	vadd.f32 v23, v19  }
0xa0: {  	v23 =	vmul.f32 $1.442695020e+00, v12;
	v20 =	vld [tilespmem:s2+$0x4010];
	v12 =	vpop (erf);
	(erf) = vpow2.f32 v21;
	v21 =	vadd.f32 v22, v26  }
.Ltmp2:
0xa1: {  	v15 =	vmul.f32 $1.442695020e+00, v15;
	v19 =	vadd.f32 v12, v19;
	v13 =	vld [tilespmem:s2+$0x4030];
	(erf) = vpow2.f32 v25;
	v17 =	vpop (erf);
	(pc) =	sbr.rel @p0 .LBB2_3-.Ltmp2, $4  }
0xa2: {  	v14 =	vmul.f32 $1.442695020e+00, v14;
	v12 =	vld [tilespmem:s2+$0x4050];
	(erf) = vpow2.f32 v23;
	v22 =	vpop (erf);
	v23 =	vadd.f32 v18, v21  }
0xa3: {  	v25 =	vmul.f32 $1.442695020e+00, v10;
	v10 =	vld [tilespmem:s2+$0x4070];
	(erf) = vpow2.f32 v15;
	v19 =	vadd.f32 v22, v19;
	v26 =	vpop (erf)  }
0xa4: {  	v21 =	vmul.f32 $1.442695020e+00, v24;
	v15 =	vld [tilespmem:s2+$0x4020];
	(erf) = vpow2.f32 v14;
	v18 =	vpop (erf);
	v22 =	vadd.f32 v16, v23  }
0xa5: {  	v20 =	vmul.f32 $1.442695020e+00, v20;
	v14 =	vld [tilespmem:s2+$0x4040];
	(erf) = vpow2.f32 v25;
	v19 =	vadd.f32 v26, v19;
	v16 =	vpop (erf)  }
0xa6: {  	v17 =	vadd.f32 v17, v22;
	_ =	sdelay $0x1  }
0xa7: {  	v11 =	vadd.f32 v11, v17  }
0xa8: {  	(erf) = vpow2.f32 v21  }
0xa9: {  	v9 =	vmul.f32 $1.442695020e+00, v9;
	v13 =	vmul.f32 $1.442695020e+00, v13;
	v17 =	vpop (erf);
	v11 =	vadd.f32 v18, v11  }
0xaa: {  	(erf) = vpow2.f32 v20;
	v12 =	vmul.f32 $1.442695020e+00, v12;
	v18 =	vpop (erf)  }
0xab: {  	v20 =	vpop (erf);
	(erf) = vpow2.f32 v9;
	v9 =	vadd.f32 v16, v11;
	v16 =	vadd.f32 v17, v19  }
0xac: {  	v15 =	vmul.f32 $1.442695020e+00, v15;
	v11 =	vld [tilespmem:s2+$0x4060]  }
0xad: {  	v17 =	vpop (erf);
	v16 =	vadd.f32 v20, v16  }
0xae: {  	v14 =	vmul.f32 $1.442695020e+00, v14;
	(erf) = vpow2.f32 v13;
	v13 =	vpop (erf);
	v9 =	vadd.f32 v17, v9  }
0xaf: {  	v10 =	vmul.f32 $1.442695020e+00, v10;
	(erf) = vpow2.f32 v12;
	v12 =	vpop (erf)  }
0xb0: {  	(erf) = vpow2.f32 v15;
	v15 =	vpop (erf);
	v9 =	vadd.f32 v18, v9;
	v13 =	vadd.f32 v13, v16  }
0xb1: {  	v11 =	vmul.f32 $1.442695020e+00, v11;
	v16 =	vpop (erf)  }
0xb2: {  	(erf) = vpow2.f32 v14;
	v9 =	vadd.f32 v15, v9;
	v14 =	vpop (erf)  }
0xb3: {  	(erf) = vpow2.f32 v10;
	v10 =	vpop (erf)  }
0xb4: {  	v12 =	vadd.f32 v12, v13;
	(erf) = vpow2.f32 v11;
	v9 =	vadd.f32 v16, v9;
	v13 =	vpop (erf)  }
0xb5: {  	v11 =	vpop (erf)  }
0xb6: {  	v12 =	vadd.f32 v14, v12;
	v9 =	vadd.f32 v11, v9  }
0xb7: {  	v11 =	vpop (erf)  }
0xb8: {  	v12 =	vadd.f32 v13, v12;
	v13 =	vpop (erf);
	v9 =	vadd.f32 v10, v9  }
0xb9: {  	v10 =	vpop (erf)  }
0xba: {  	v11 =	vadd.f32 v11, v12;
	v9 =	vadd.f32 v10, v9  }
0xbb: {  	v10 =	vpop (erf)  }
0xbc: {  	v11 =	vadd.f32 v13, v11;
	v12 =	vpop (erf);
	v9 =	vadd.f32 v10, v9  }
0xbd: {  	v10 =	vpop (erf)  }
0xbe: {  	v11 =	vadd.f32 v12, v11;
	v9 =	vadd.f32 v10, v9;
	_ =	sdelay $0x1  }
0xbf: {  	v9 =	vadd.f32 v11, v9;
	_ =	sdelay $0x1  }
0xc0: {  	v10 =	vperm.xlane v9, v0  }
0xc1: {  	s22 =	simm.s32 $0x0  }
0xc2: {  	v9 =	vadd.f32 v10, v9;
	v10 =	vld [tilespmem:s22+$0x4080]  }
0xc3: {  	v12 =	vld [tilespmem:s22+$0x4090]  }
0xc4: {  	v13 =	vld [tilespmem:s22+$0x40B0];
	v11 =	vperm.xlane v9, v1  }
0xc5: {  	v17 =	vld [tilespmem:s22+$0x40C0]  }
0xc6: {  	v9 =	vadd.f32 v11, v9;
	v11 =	vld [tilespmem:s22+$0x40D0]  }
0xc7: {  	v16 =	vld [tilespmem:s22+$0x40A0];
	v10 =	vmul.f32 $1.442695020e+00, v10  }
0xc8: {  	s5 =	simm.s32 $0x200;
	v14 =	vld [tilespmem:s22+$0x40F0];
	v12 =	vmul.f32 $1.442695020e+00, v12  }
0xc9: {  	v18 =	vld [tilespmem:s5+$0x4080];
	v13 =	vmul.f32 $1.442695020e+00, v13;
	(erf) = vpow2.f32 v10  }
0xca: {  	v15 =	vperm.xlane v9, v2;
	(erf) = vpow2.f32 v12;
	v12 =	vld [tilespmem:s5+$0x4090]  }
0xcb: {  	v19 =	vld [tilespmem:s5+$0x40B0];
	v17 =	vmul.f32 $1.442695020e+00, v17;
	v11 =	vmul.f32 $1.442695020e+00, v11  }
0xcc: {  	v16 =	vmul.f32 $1.442695020e+00, v16;
	v9 =	vadd.f32 v15, v9;
	v15 =	vld [tilespmem:s22+$0x40E0];
	(erf) = vpow2.f32 v13  }
0xcd: {  	v14 =	vmul.f32 $1.442695020e+00, v14;
	v13 =	vld [tilespmem:s5+$0x40D0];
	(erf) = vpow2.f32 v11  }
0xce: {  	(erf) = vpow2.f32 v16;
	v16 =	vmul.f32 $1.442695020e+00, v18;
	v18 =	vld [tilespmem:s5+$0x40A0]  }
0xcf: {  	(erf) = vpow2.f32 v17;
	v12 =	vmul.f32 $1.442695020e+00, v12;
	v17 =	vld [tilespmem:s5+$0x40C0]  }
0xd0: {  	v19 =	vmul.f32 $1.442695020e+00, v19;
	s22 =	simm.s32 $0x400;
	v11 =	vld [tilespmem:s5+$0x40F0];
	(erf) = vpow2.f32 v14  }
0xd1: {  	v15 =	vmul.f32 $1.442695020e+00, v15;
	(erf) = vpow2.f32 v16;
	v16 =	vld [tilespmem:s22+$0x4080]  }
0xd2: {  	v13 =	vmul.f32 $1.442695020e+00, v13;
	(erf) = vpow2.f32 v12  }
0xd3: {  	v21 =	vld [tilespmem:s22+$0x4090];
	v12 =	vpop (erf);
	(erf) = vpow2.f32 v15;
	v18 =	vmul.f32 $1.442695020e+00, v18  }
0xd4: {  	v20 =	vimm.f32 $0.0e+00;
	v14 =	vld [tilespmem:s5+$0x40E0];
	v22 =	vpop (erf);
	(erf) = vpow2.f32 v19;
	v17 =	vmul.f32 $1.442695020e+00, v17  }
0xd5: {  	v11 =	vmul.f32 $1.442695020e+00, v11;
	v19 =	vadd.f32 v22, v20;
	v22 =	vld [tilespmem:s22+$0x40D0];
	(erf) = vpow2.f32 v13  }
0xd6: {  	v15 =	vld [tilespmem:s22+$0x40B0];
	v13 =	vpop (erf);
	(erf) = vpow2.f32 v18;
	v16 =	vmul.f32 $1.442695020e+00, v16  }
0xd7: {  	s2 =	simm.s32 $0x600;
	v13 =	vadd.f32 v13, v19;
	v18 =	vpop (erf);
	v19 =	vld [tilespmem:s22+$0x40A0];
	(erf) = vpow2.f32 v17  }
0xd8: {  	v26 =	vld [tilespmem:s2+$0x4080];
	v21 =	vmul.f32 $1.442695020e+00, v21;
	v17 =	vpop (erf);
	(erf) = vpow2.f32 v11  }
0xd9: {  	v24 =	vld [tilespmem:s22+$0x40C0];
	v14 =	vmul.f32 $1.442695020e+00, v14;
	v18 =	vadd.f32 v18, v13;
	v25 =	vpop (erf);
	(erf) = vpow2.f32 v16  }
0xda: {  	v23 =	vld [tilespmem:s22+$0x40F0];
	v16 =	vpop (erf);
	(erf) = vpow2.f32 v21;
	v21 =	vmul.f32 $1.442695020e+00, v22  }
0xdb: {  	v11 =	vld [tilespmem:s22+$0x40E0];
	v27 =	vmul.f32 $1.442695020e+00, v15;
	v13 =	vpop (erf);
	v16 =	vadd.f32 v16, v18  }
0xdc: {  	v12 =	vadd.f32 v12, v20;
	v18 =	vld [tilespmem:s2+$0x4090];
	(erf) = vpow2.f32 v14;
	v22 =	vpop (erf);
	v20 =	vmul.f32 $1.442695020e+00, v19  }
0xdd: {  	v10 =	vperm.xlane v9, v5;
	v15 =	vld [tilespmem:s2+$0x40B0];
	(erf) = vpow2.f32 v27;
	v16 =	vadd.f32 v22, v16;
	v19 =	vpop (erf)  }
0xde: {  	v14 =	vld [tilespmem:s2+$0x40D0];
	v22 =	vmul.f32 $1.442695020e+00, v24;
	(erf) = vpow2.f32 v21;
	v24 =	vadd.f32 v17, v12;
	v21 =	vpop (erf)  }
0xdf: {  	v27 =	vmul.f32 $1.442695020e+00, v23;
	v12 =	vld [tilespmem:s2+$0x40F0];
	(erf) = vpow2.f32 v20;
	v21 =	vadd.f32 v21, v16;
	v28 =	vpop (erf)  }
0xe0: {  	v23 =	vmul.f32 $1.442695020e+00, v26;
	v17 =	vld [tilespmem:s2+$0x40A0];
	(erf) = vpow2.f32 v22;
	v24 =	vadd.f32 v25, v24;
	v20 =	vpop (erf)  }
0xe1: {  	s5 =	simm.s32 $0x2000;
	v16 =	vld [tilespmem:s2+$0x40C0];
	v22 =	vmul.f32 $1.442695020e+00, v18;
	(erf) = vpow2.f32 v27;
	v21 =	vadd.f32 v28, v21;
	v18 =	vpop (erf)  }
.LBB2_5:
0xe2: {  	(erf) = vpow2.f32 v23  }
0xe3: {  	p0 =	sne.s32 s5, $0x1F800;
	v23 =	vmul.f32 $1.442695020e+00, v11;
	v11 =	vld [tilespmem:s2+$0x40E0];
	s2 =	sshra.s32 s5, $0x2;
	s5 =	sadd.s32 $0x800, s5;
	v25 =	vpop (erf);
	v28 =	vadd.f32 v19, v24;
	v24 =	vmov v13  }
0xe4: {  	v27 =	vmul.f32 $1.442695020e+00, v15;
	v26 =	vld [tilespmem:s2+$0x4080];
	(erf) = vpow2.f32 v22;
	v13 =	vpop (erf);
	v21 =	vadd.f32 v25, v21  }
0xe5: {  	v25 =	vmul.f32 $1.442695020e+00, v14;
	v22 =	vld [tilespmem:s2+$0x4090];
	v14 =	vpop (erf);
	(erf) = vpow2.f32 v23;
	v23 =	vadd.f32 v24, v28  }
.Ltmp3:
0xe6: {  	v17 =	vmul.f32 $1.442695020e+00, v17;
	v21 =	vadd.f32 v14, v21;
	v15 =	vld [tilespmem:s2+$0x40B0];
	(erf) = vpow2.f32 v27;
	v19 =	vpop (erf);
	(pc) =	sbr.rel @p0 .LBB2_5-.Ltmp3, $4  }
0xe7: {  	v16 =	vmul.f32 $1.442695020e+00, v16;
	v14 =	vld [tilespmem:s2+$0x40D0];
	(erf) = vpow2.f32 v25;
	v24 =	vpop (erf);
	v25 =	vadd.f32 v20, v23  }
0xe8: {  	v27 =	vmul.f32 $1.442695020e+00, v12;
	v12 =	vld [tilespmem:s2+$0x40F0];
	(erf) = vpow2.f32 v17;
	v21 =	vadd.f32 v24, v21;
	v28 =	vpop (erf)  }
0xe9: {  	v23 =	vmul.f32 $1.442695020e+00, v26;
	v17 =	vld [tilespmem:s2+$0x40A0];
	(erf) = vpow2.f32 v16;
	v20 =	vpop (erf);
	v24 =	vadd.f32 v18, v25  }
0xea: {  	v22 =	vmul.f32 $1.442695020e+00, v22;
	v16 =	vld [tilespmem:s2+$0x40C0];
	(erf) = vpow2.f32 v27;
	v21 =	vadd.f32 v28, v21;
	v18 =	vpop (erf)  }
0xeb: {  	v19 =	vadd.f32 v19, v24;
	_ =	sdelay $0x1  }
0xec: {  	v13 =	vadd.f32 v13, v19  }
0xed: {  	(erf) = vpow2.f32 v23  }
0xee: {  	v11 =	vmul.f32 $1.442695020e+00, v11;
	v15 =	vmul.f32 $1.442695020e+00, v15;
	v19 =	vpop (erf);
	v13 =	vadd.f32 v20, v13  }
0xef: {  	(erf) = vpow2.f32 v22;
	v14 =	vmul.f32 $1.442695020e+00, v14;
	v20 =	vpop (erf)  }
0xf0: {  	v22 =	vpop (erf);
	(erf) = vpow2.f32 v11;
	v11 =	vadd.f32 v18, v13;
	v18 =	vadd.f32 v19, v21  }
0xf1: {  	v17 =	vmul.f32 $1.442695020e+00, v17;
	v13 =	vld [tilespmem:s2+$0x40E0]  }
0xf2: {  	v19 =	vpop (erf);
	v18 =	vadd.f32 v22, v18  }
0xf3: {  	v16 =	vmul.f32 $1.442695020e+00, v16;
	(erf) = vpow2.f32 v15;
	v15 =	vpop (erf);
	v11 =	vadd.f32 v19, v11  }
0xf4: {  	v12 =	vmul.f32 $1.442695020e+00, v12;
	(erf) = vpow2.f32 v14;
	v14 =	vpop (erf)  }
0xf5: {  	(erf) = vpow2.f32 v17;
	v17 =	vpop (erf);
	v11 =	vadd.f32 v20, v11;
	v15 =	vadd.f32 v15, v18  }
0xf6: {  	v13 =	vmul.f32 $1.442695020e+00, v13;
	v18 =	vpop (erf)  }
0xf7: {  	(erf) = vpow2.f32 v16;
	v11 =	vadd.f32 v17, v11;
	v16 =	vpop (erf)  }
0xf8: {  	(erf) = vpow2.f32 v12;
	v12 =	vpop (erf)  }
0xf9: {  	v14 =	vadd.f32 v14, v15;
	(erf) = vpow2.f32 v13;
	v11 =	vadd.f32 v18, v11;
	v15 =	vpop (erf)  }
0xfa: {  	v13 =	vpop (erf)  }
0xfb: {  	v14 =	vadd.f32 v16, v14;
	v11 =	vadd.f32 v13, v11  }
0xfc: {  	v13 =	vpop (erf)  }
0xfd: {  	v14 =	vadd.f32 v15, v14;
	v15 =	vpop (erf);
	v11 =	vadd.f32 v12, v11  }
0xfe: {  	v12 =	vpop (erf)  }
0xff: {  	v13 =	vadd.f32 v13, v14;
	v11 =	vadd.f32 v12, v11  }
0x100: {  	v12 =	vpop (erf)  }
0x101: {  	v13 =	vadd.f32 v15, v13;
	v14 =	vpop (erf);
	v11 =	vadd.f32 v12, v11  }
0x102: {  	v12 =	vpop (erf)  }
0x103: {  	v13 =	vadd.f32 v14, v13;
	v11 =	vadd.f32 v12, v11;
	_ =	sdelay $0x1  }
0x104: {  	v11 =	vadd.f32 v13, v11;
	_ =	sdelay $0x1  }
0x105: {  	v12 =	vperm.xlane v11, v0  }
0x106: {  	s22 =	simm.s32 $0x0  }
0x107: {  	v11 =	vadd.f32 v12, v11;
	v12 =	vld [tilespmem:s22+$0x4100]  }
0x108: {  	v14 =	vld [tilespmem:s22+$0x4110]  }
0x109: {  	v15 =	vld [tilespmem:s22+$0x4130];
	v13 =	vperm.xlane v11, v1  }
0x10a: {  	v19 =	vld [tilespmem:s22+$0x4140]  }
0x10b: {  	v11 =	vadd.f32 v13, v11;
	v13 =	vld [tilespmem:s22+$0x4150]  }
0x10c: {  	v18 =	vld [tilespmem:s22+$0x4120];
	v12 =	vmul.f32 $1.442695020e+00, v12  }
0x10d: {  	s5 =	simm.s32 $0x200;
	v16 =	vld [tilespmem:s22+$0x4170];
	v14 =	vmul.f32 $1.442695020e+00, v14  }
0x10e: {  	v20 =	vld [tilespmem:s5+$0x4100];
	v15 =	vmul.f32 $1.442695020e+00, v15;
	(erf) = vpow2.f32 v12  }
0x10f: {  	v17 =	vperm.xlane v11, v2;
	(erf) = vpow2.f32 v14;
	v14 =	vld [tilespmem:s5+$0x4110]  }
0x110: {  	v21 =	vld [tilespmem:s5+$0x4130];
	v19 =	vmul.f32 $1.442695020e+00, v19;
	v13 =	vmul.f32 $1.442695020e+00, v13  }
0x111: {  	v18 =	vmul.f32 $1.442695020e+00, v18;
	v11 =	vadd.f32 v17, v11;
	v17 =	vld [tilespmem:s22+$0x4160];
	(erf) = vpow2.f32 v15  }
0x112: {  	v16 =	vmul.f32 $1.442695020e+00, v16;
	v15 =	vld [tilespmem:s5+$0x4150];
	(erf) = vpow2.f32 v13  }
0x113: {  	(erf) = vpow2.f32 v18;
	v18 =	vmul.f32 $1.442695020e+00, v20;
	v20 =	vld [tilespmem:s5+$0x4120]  }
0x114: {  	(erf) = vpow2.f32 v19;
	v14 =	vmul.f32 $1.442695020e+00, v14;
	v19 =	vld [tilespmem:s5+$0x4140]  }
0x115: {  	v21 =	vmul.f32 $1.442695020e+00, v21;
	s22 =	simm.s32 $0x400;
	v13 =	vld [tilespmem:s5+$0x4170];
	(erf) = vpow2.f32 v16  }
0x116: {  	v17 =	vmul.f32 $1.442695020e+00, v17;
	(erf) = vpow2.f32 v18;
	v18 =	vld [tilespmem:s22+$0x4100]  }
0x117: {  	v15 =	vmul.f32 $1.442695020e+00, v15;
	(erf) = vpow2.f32 v14  }
0x118: {  	v23 =	vld [tilespmem:s22+$0x4110];
	v14 =	vpop (erf);
	(erf) = vpow2.f32 v17;
	v20 =	vmul.f32 $1.442695020e+00, v20  }
0x119: {  	v22 =	vimm.f32 $0.0e+00;
	v16 =	vld [tilespmem:s5+$0x4160];
	v24 =	vpop (erf);
	(erf) = vpow2.f32 v21;
	v19 =	vmul.f32 $1.442695020e+00, v19  }
0x11a: {  	v13 =	vmul.f32 $1.442695020e+00, v13;
	v21 =	vadd.f32 v24, v22;
	v24 =	vld [tilespmem:s22+$0x4150];
	(erf) = vpow2.f32 v15  }
0x11b: {  	v17 =	vld [tilespmem:s22+$0x4130];
	v15 =	vpop (erf);
	(erf) = vpow2.f32 v20;
	v18 =	vmul.f32 $1.442695020e+00, v18  }
0x11c: {  	s2 =	simm.s32 $0x600;
	v15 =	vadd.f32 v15, v21;
	v20 =	vpop (erf);
	v21 =	vld [tilespmem:s22+$0x4120];
	(erf) = vpow2.f32 v19  }
0x11d: {  	v28 =	vld [tilespmem:s2+$0x4100];
	v23 =	vmul.f32 $1.442695020e+00, v23;
	v19 =	vpop (erf);
	(erf) = vpow2.f32 v13  }
0x11e: {  	v26 =	vld [tilespmem:s22+$0x4140];
	v16 =	vmul.f32 $1.442695020e+00, v16;
	v20 =	vadd.f32 v20, v15;
	v27 =	vpop (erf);
	(erf) = vpow2.f32 v18  }
0x11f: {  	v25 =	vld [tilespmem:s22+$0x4170];
	v18 =	vpop (erf);
	(erf) = vpow2.f32 v23;
	v23 =	vmul.f32 $1.442695020e+00, v24  }
0x120: {  	v13 =	vld [tilespmem:s22+$0x4160];
	v29 =	vmul.f32 $1.442695020e+00, v17;
	v15 =	vpop (erf);
	v18 =	vadd.f32 v18, v20  }
0x121: {  	v14 =	vadd.f32 v14, v22;
	v20 =	vld [tilespmem:s2+$0x4110];
	(erf) = vpow2.f32 v16;
	v24 =	vpop (erf);
	v22 =	vmul.f32 $1.442695020e+00, v21  }
0x122: {  	v12 =	vperm.xlane v11, v5;
	v17 =	vld [tilespmem:s2+$0x4130];
	(erf) = vpow2.f32 v29;
	v18 =	vadd.f32 v24, v18;
	v21 =	vpop (erf)  }
0x123: {  	v16 =	vld [tilespmem:s2+$0x4150];
	v24 =	vmul.f32 $1.442695020e+00, v26;
	(erf) = vpow2.f32 v23;
	v26 =	vadd.f32 v19, v14;
	v23 =	vpop (erf)  }
0x124: {  	v63 =	vmul.f32 $1.442695020e+00, v25;
	v14 =	vld [tilespmem:s2+$0x4170];
	(erf) = vpow2.f32 v22;
	v23 =	vadd.f32 v23, v18;
	v30 =	vpop (erf)  }
0x125: {  	v25 =	vmul.f32 $1.442695020e+00, v28;
	v19 =	vld [tilespmem:s2+$0x4120];
	(erf) = vpow2.f32 v24;
	v26 =	vadd.f32 v27, v26;
	v22 =	vpop (erf)  }
0x126: {  	s5 =	simm.s32 $0x2000;
	v18 =	vld [tilespmem:s2+$0x4140];
	v24 =	vmul.f32 $1.442695020e+00, v20;
	(erf) = vpow2.f32 v63;
	v23 =	vadd.f32 v30, v23;
	v20 =	vpop (erf)  }
.LBB2_7:
0x127: {  	(erf) = vpow2.f32 v25  }
0x128: {  	p0 =	sne.s32 s5, $0x1F800;
	v25 =	vmul.f32 $1.442695020e+00, v13;
	v13 =	vld [tilespmem:s2+$0x4160];
	s2 =	sshra.s32 s5, $0x2;
	s5 =	sadd.s32 $0x800, s5;
	v27 =	vpop (erf);
	v30 =	vadd.f32 v21, v26;
	v26 =	vmov v15  }
0x129: {  	v29 =	vmul.f32 $1.442695020e+00, v17;
	v28 =	vld [tilespmem:s2+$0x4100];
	(erf) = vpow2.f32 v24;
	v15 =	vpop (erf);
	v23 =	vadd.f32 v27, v23  }
0x12a: {  	v27 =	vmul.f32 $1.442695020e+00, v16;
	v24 =	vld [tilespmem:s2+$0x4110];
	v16 =	vpop (erf);
	(erf) = vpow2.f32 v25;
	v25 =	vadd.f32 v26, v30  }
.Ltmp4:
0x12b: {  	v19 =	vmul.f32 $1.442695020e+00, v19;
	v23 =	vadd.f32 v16, v23;
	v17 =	vld [tilespmem:s2+$0x4130];
	(erf) = vpow2.f32 v29;
	v21 =	vpop (erf);
	(pc) =	sbr.rel @p0 .LBB2_7-.Ltmp4, $4  }
0x12c: {  	v18 =	vmul.f32 $1.442695020e+00, v18;
	v16 =	vld [tilespmem:s2+$0x4150];
	(erf) = vpow2.f32 v27;
	v26 =	vpop (erf);
	v27 =	vadd.f32 v22, v25  }
0x12d: {  	v29 =	vmul.f32 $1.442695020e+00, v14;
	v14 =	vld [tilespmem:s2+$0x4170];
	(erf) = vpow2.f32 v19;
	v23 =	vadd.f32 v26, v23;
	v30 =	vpop (erf)  }
0x12e: {  	v25 =	vmul.f32 $1.442695020e+00, v28;
	v19 =	vld [tilespmem:s2+$0x4120];
	(erf) = vpow2.f32 v18;
	v22 =	vpop (erf);
	v26 =	vadd.f32 v20, v27  }
0x12f: {  	v24 =	vmul.f32 $1.442695020e+00, v24;
	v18 =	vld [tilespmem:s2+$0x4140];
	(erf) = vpow2.f32 v29;
	v23 =	vadd.f32 v30, v23;
	v20 =	vpop (erf)  }
0x130: {  	v21 =	vadd.f32 v21, v26;
	_ =	sdelay $0x1  }
0x131: {  	v15 =	vadd.f32 v15, v21  }
0x132: {  	(erf) = vpow2.f32 v25  }
0x133: {  	v13 =	vmul.f32 $1.442695020e+00, v13;
	v17 =	vmul.f32 $1.442695020e+00, v17;
	v21 =	vpop (erf);
	v15 =	vadd.f32 v22, v15  }
0x134: {  	(erf) = vpow2.f32 v24;
	v16 =	vmul.f32 $1.442695020e+00, v16;
	v22 =	vpop (erf)  }
0x135: {  	v24 =	vpop (erf);
	(erf) = vpow2.f32 v13;
	v13 =	vadd.f32 v20, v15;
	v20 =	vadd.f32 v21, v23  }
0x136: {  	v19 =	vmul.f32 $1.442695020e+00, v19;
	v15 =	vld [tilespmem:s2+$0x4160]  }
0x137: {  	v21 =	vpop (erf);
	v20 =	vadd.f32 v24, v20  }
0x138: {  	v18 =	vmul.f32 $1.442695020e+00, v18;
	(erf) = vpow2.f32 v17;
	v17 =	vpop (erf);
	v13 =	vadd.f32 v21, v13  }
0x139: {  	v14 =	vmul.f32 $1.442695020e+00, v14;
	(erf) = vpow2.f32 v16;
	v16 =	vpop (erf)  }
0x13a: {  	(erf) = vpow2.f32 v19;
	v19 =	vpop (erf);
	v13 =	vadd.f32 v22, v13;
	v17 =	vadd.f32 v17, v20  }
0x13b: {  	v15 =	vmul.f32 $1.442695020e+00, v15;
	v20 =	vpop (erf)  }
0x13c: {  	(erf) = vpow2.f32 v18;
	v13 =	vadd.f32 v19, v13;
	v18 =	vpop (erf)  }
0x13d: {  	(erf) = vpow2.f32 v14;
	v14 =	vpop (erf)  }
0x13e: {  	v16 =	vadd.f32 v16, v17;
	(erf) = vpow2.f32 v15;
	v13 =	vadd.f32 v20, v13;
	v17 =	vpop (erf)  }
0x13f: {  	v15 =	vpop (erf)  }
0x140: {  	v16 =	vadd.f32 v18, v16;
	v13 =	vadd.f32 v15, v13  }
0x141: {  	v15 =	vpop (erf)  }
0x142: {  	v16 =	vadd.f32 v17, v16;
	v17 =	vpop (erf);
	v13 =	vadd.f32 v14, v13  }
0x143: {  	v14 =	vpop (erf)  }
0x144: {  	v15 =	vadd.f32 v15, v16;
	v13 =	vadd.f32 v14, v13  }
0x145: {  	v14 =	vpop (erf)  }
0x146: {  	v15 =	vadd.f32 v17, v15;
	v16 =	vpop (erf);
	v13 =	vadd.f32 v14, v13  }
0x147: {  	v14 =	vpop (erf)  }
0x148: {  	v15 =	vadd.f32 v16, v15;
	v13 =	vadd.f32 v14, v13;
	_ =	sdelay $0x1  }
0x149: {  	v13 =	vadd.f32 v15, v13;
	_ =	sdelay $0x1  }
0x14a: {  	v14 =	vperm.xlane v13, v0  }
0x14b: {  	s22 =	simm.s32 $0x0  }
0x14c: {  	v13 =	vadd.f32 v14, v13;
	v14 =	vld [tilespmem:s22+$0x4180]  }
0x14d: {  	v16 =	vld [tilespmem:s22+$0x4190]  }
0x14e: {  	v17 =	vld [tilespmem:s22+$0x41B0];
	v15 =	vperm.xlane v13, v1  }
0x14f: {  	v21 =	vld [tilespmem:s22+$0x41C0]  }
0x150: {  	v13 =	vadd.f32 v15, v13;
	v15 =	vld [tilespmem:s22+$0x41D0]  }
0x151: {  	v20 =	vld [tilespmem:s22+$0x41A0];
	v14 =	vmul.f32 $1.442695020e+00, v14  }
0x152: {  	s5 =	simm.s32 $0x200;
	v18 =	vld [tilespmem:s22+$0x41F0];
	v16 =	vmul.f32 $1.442695020e+00, v16  }
0x153: {  	v22 =	vld [tilespmem:s5+$0x4180];
	v17 =	vmul.f32 $1.442695020e+00, v17;
	(erf) = vpow2.f32 v14  }
0x154: {  	v19 =	vperm.xlane v13, v2;
	(erf) = vpow2.f32 v16;
	v16 =	vld [tilespmem:s5+$0x4190]  }
0x155: {  	v23 =	vld [tilespmem:s5+$0x41B0];
	v21 =	vmul.f32 $1.442695020e+00, v21;
	v15 =	vmul.f32 $1.442695020e+00, v15  }
0x156: {  	v20 =	vmul.f32 $1.442695020e+00, v20;
	v13 =	vadd.f32 v19, v13;
	v19 =	vld [tilespmem:s22+$0x41E0];
	(erf) = vpow2.f32 v17  }
0x157: {  	v18 =	vmul.f32 $1.442695020e+00, v18;
	v17 =	vld [tilespmem:s5+$0x41D0];
	(erf) = vpow2.f32 v15  }
0x158: {  	(erf) = vpow2.f32 v20;
	v20 =	vmul.f32 $1.442695020e+00, v22;
	v22 =	vld [tilespmem:s5+$0x41A0]  }
0x159: {  	(erf) = vpow2.f32 v21;
	v16 =	vmul.f32 $1.442695020e+00, v16;
	v21 =	vld [tilespmem:s5+$0x41C0]  }
0x15a: {  	v23 =	vmul.f32 $1.442695020e+00, v23;
	s22 =	simm.s32 $0x400;
	v15 =	vld [tilespmem:s5+$0x41F0];
	(erf) = vpow2.f32 v18  }
0x15b: {  	v19 =	vmul.f32 $1.442695020e+00, v19;
	(erf) = vpow2.f32 v20;
	v20 =	vld [tilespmem:s22+$0x4180]  }
0x15c: {  	v17 =	vmul.f32 $1.442695020e+00, v17;
	(erf) = vpow2.f32 v16  }
0x15d: {  	v25 =	vld [tilespmem:s22+$0x4190];
	v16 =	vpop (erf);
	(erf) = vpow2.f32 v19;
	v22 =	vmul.f32 $1.442695020e+00, v22  }
0x15e: {  	v24 =	vimm.f32 $0.0e+00;
	v18 =	vld [tilespmem:s5+$0x41E0];
	v26 =	vpop (erf);
	(erf) = vpow2.f32 v23;
	v21 =	vmul.f32 $1.442695020e+00, v21  }
0x15f: {  	v15 =	vmul.f32 $1.442695020e+00, v15;
	v23 =	vadd.f32 v26, v24;
	v26 =	vld [tilespmem:s22+$0x41D0];
	(erf) = vpow2.f32 v17  }
0x160: {  	v19 =	vld [tilespmem:s22+$0x41B0];
	v17 =	vpop (erf);
	(erf) = vpow2.f32 v22;
	v20 =	vmul.f32 $1.442695020e+00, v20  }
0x161: {  	s2 =	simm.s32 $0x600;
	v17 =	vadd.f32 v17, v23;
	v22 =	vpop (erf);
	v23 =	vld [tilespmem:s22+$0x41A0];
	(erf) = vpow2.f32 v21  }
0x162: {  	v30 =	vld [tilespmem:s2+$0x4180];
	v25 =	vmul.f32 $1.442695020e+00, v25;
	v21 =	vpop (erf);
	(erf) = vpow2.f32 v15  }
0x163: {  	v28 =	vld [tilespmem:s22+$0x41C0];
	v18 =	vmul.f32 $1.442695020e+00, v18;
	v22 =	vadd.f32 v22, v17;
	v29 =	vpop (erf);
	(erf) = vpow2.f32 v20  }
0x164: {  	v27 =	vld [tilespmem:s22+$0x41F0];
	v20 =	vpop (erf);
	(erf) = vpow2.f32 v25;
	v25 =	vmul.f32 $1.442695020e+00, v26  }
0x165: {  	v15 =	vld [tilespmem:s22+$0x41E0];
	v31 =	vmul.f32 $1.442695020e+00, v19;
	v17 =	vpop (erf);
	v20 =	vadd.f32 v20, v22  }
0x166: {  	v16 =	vadd.f32 v16, v24;
	v22 =	vld [tilespmem:s2+$0x4190];
	(erf) = vpow2.f32 v18;
	v26 =	vpop (erf);
	v24 =	vmul.f32 $1.442695020e+00, v23  }
0x167: {  	v14 =	vperm.xlane v13, v5;
	v19 =	vld [tilespmem:s2+$0x41B0];
	(erf) = vpow2.f32 v31;
	v20 =	vadd.f32 v26, v20;
	v23 =	vpop (erf)  }
0x168: {  	v18 =	vld [tilespmem:s2+$0x41D0];
	v26 =	vmul.f32 $1.442695020e+00, v28;
	(erf) = vpow2.f32 v25;
	v28 =	vadd.f32 v21, v16;
	v25 =	vpop (erf)  }
0x169: {  	v31 =	vmul.f32 $1.442695020e+00, v27;
	v16 =	vld [tilespmem:s2+$0x41F0];
	(erf) = vpow2.f32 v24;
	v25 =	vadd.f32 v25, v20;
	v32 =	vpop (erf)  }
0x16a: {  	v27 =	vmul.f32 $1.442695020e+00, v30;
	v21 =	vld [tilespmem:s2+$0x41A0];
	(erf) = vpow2.f32 v26;
	v28 =	vadd.f32 v29, v28;
	v24 =	vpop (erf)  }
0x16b: {  	s5 =	simm.s32 $0x2000;
	v20 =	vld [tilespmem:s2+$0x41C0];
	v26 =	vmul.f32 $1.442695020e+00, v22;
	(erf) = vpow2.f32 v31;
	v25 =	vadd.f32 v32, v25;
	v22 =	vpop (erf)  }
.LBB2_9:
0x16c: {  	(erf) = vpow2.f32 v27  }
0x16d: {  	p0 =	sne.s32 s5, $0x1F800;
	v27 =	vmul.f32 $1.442695020e+00, v15;
	v15 =	vld [tilespmem:s2+$0x41E0];
	s2 =	sshra.s32 s5, $0x2;
	s5 =	sadd.s32 $0x800, s5;
	v29 =	vpop (erf);
	v32 =	vadd.f32 v23, v28;
	v28 =	vmov v17  }
0x16e: {  	v31 =	vmul.f32 $1.442695020e+00, v19;
	v30 =	vld [tilespmem:s2+$0x4180];
	(erf) = vpow2.f32 v26;
	v17 =	vpop (erf);
	v25 =	vadd.f32 v29, v25  }
0x16f: {  	v29 =	vmul.f32 $1.442695020e+00, v18;
	v26 =	vld [tilespmem:s2+$0x4190];
	v18 =	vpop (erf);
	(erf) = vpow2.f32 v27;
	v27 =	vadd.f32 v28, v32  }
.Ltmp5:
0x170: {  	v21 =	vmul.f32 $1.442695020e+00, v21;
	v25 =	vadd.f32 v18, v25;
	v19 =	vld [tilespmem:s2+$0x41B0];
	(erf) = vpow2.f32 v31;
	v23 =	vpop (erf);
	(pc) =	sbr.rel @p0 .LBB2_9-.Ltmp5, $4  }
0x171: {  	v20 =	vmul.f32 $1.442695020e+00, v20;
	v18 =	vld [tilespmem:s2+$0x41D0];
	(erf) = vpow2.f32 v29;
	v28 =	vpop (erf);
	v29 =	vadd.f32 v24, v27  }
0x172: {  	v31 =	vmul.f32 $1.442695020e+00, v16;
	v16 =	vld [tilespmem:s2+$0x41F0];
	(erf) = vpow2.f32 v21;
	v25 =	vadd.f32 v28, v25;
	v32 =	vpop (erf)  }
0x173: {  	v27 =	vmul.f32 $1.442695020e+00, v30;
	v21 =	vld [tilespmem:s2+$0x41A0];
	(erf) = vpow2.f32 v20;
	v24 =	vpop (erf);
	v28 =	vadd.f32 v22, v29  }
0x174: {  	v26 =	vmul.f32 $1.442695020e+00, v26;
	v20 =	vld [tilespmem:s2+$0x41C0];
	(erf) = vpow2.f32 v31;
	v25 =	vadd.f32 v32, v25;
	v22 =	vpop (erf)  }
0x175: {  	v23 =	vadd.f32 v23, v28;
	_ =	sdelay $0x1  }
0x176: {  	v17 =	vadd.f32 v17, v23  }
0x177: {  	(erf) = vpow2.f32 v27  }
0x178: {  	v15 =	vmul.f32 $1.442695020e+00, v15;
	v19 =	vmul.f32 $1.442695020e+00, v19;
	v23 =	vpop (erf);
	v17 =	vadd.f32 v24, v17  }
0x179: {  	v18 =	vmul.f32 $1.442695020e+00, v18;
	(erf) = vpow2.f32 v26;
	v58 =	vpop (erf)  }
0x17a: {  	v59 =	vpop (erf);
	(erf) = vpow2.f32 v15;
	v15 =	vadd.f32 v22, v17;
	v22 =	vadd.f32 v23, v25  }
0x17b: {  	v21 =	vmul.f32 $1.442695020e+00, v21;
	v17 =	vld [tilespmem:s2+$0x41E0]  }
0x17c: {  	v23 =	vpop (erf);
	v22 =	vadd.f32 v59, v22  }
0x17d: {  	v20 =	vmul.f32 $1.442695020e+00, v20;
	(erf) = vpow2.f32 v19;
	v19 =	vpop (erf);
	v15 =	vadd.f32 v23, v15  }
0x17e: {  	v16 =	vmul.f32 $1.442695020e+00, v16;
	(erf) = vpow2.f32 v18;
	v18 =	vpop (erf)  }
0x17f: {  	(erf) = vpow2.f32 v21;
	v21 =	vpop (erf);
	v15 =	vadd.f32 v58, v15;
	v19 =	vadd.f32 v19, v22  }
0x180: {  	v17 =	vmul.f32 $1.442695020e+00, v17;
	v22 =	vpop (erf)  }
0x181: {  	(erf) = vpow2.f32 v20;
	v15 =	vadd.f32 v21, v15;
	v20 =	vpop (erf)  }
0x182: {  	(erf) = vpow2.f32 v16;
	v16 =	vpop (erf)  }
0x183: {  	v18 =	vadd.f32 v18, v19;
	(erf) = vpow2.f32 v17;
	v15 =	vadd.f32 v22, v15;
	v19 =	vpop (erf)  }
0x184: {  	v17 =	vpop (erf)  }
0x185: {  	v18 =	vadd.f32 v20, v18;
	v15 =	vadd.f32 v17, v15  }
0x186: {  	v17 =	vpop (erf)  }
0x187: {  	v18 =	vadd.f32 v19, v18;
	v19 =	vpop (erf);
	v15 =	vadd.f32 v16, v15  }
0x188: {  	v16 =	vpop (erf)  }
0x189: {  	v17 =	vadd.f32 v17, v18;
	v15 =	vadd.f32 v16, v15  }
0x18a: {  	v16 =	vpop (erf)  }
0x18b: {  	v17 =	vadd.f32 v19, v17;
	v18 =	vpop (erf);
	v15 =	vadd.f32 v16, v15  }
0x18c: {  	v16 =	vpop (erf)  }
0x18d: {  	v17 =	vadd.f32 v18, v17;
	v15 =	vadd.f32 v16, v15;
	_ =	sdelay $0x1  }
0x18e: {  	v15 =	vadd.f32 v17, v15;
	_ =	sdelay $0x1  }
0x18f: {  	v16 =	vperm.xlane v15, v0;
	_ =	sdelay $0x1  }
0x190: {  	v15 =	vadd.f32 v16, v15;
	_ =	sdelay $0x1  }
0x191: {  	v16 =	vperm.xlane v15, v1;
	_ =	sdelay $0x1  }
0x192: {  	v15 =	vadd.f32 v16, v15;
	_ =	sdelay $0x1  }
0x193: {  	v16 =	vperm.xlane v15, v2;
	_ =	sdelay $0x1  }
0x194: {  	v15 =	vadd.f32 v16, v15  }
0x195: {  	v9 =	vadd.f32 v10, v9  }
0x196: {  	v10 =	vadd.f32 v12, v11;
	v11 =	vperm.xlane v15, v5  }
0x197: {  	v12 =	vadd.f32 v14, v13;
	v9 =	vnsel vm1, $0x3F800000, v9  }
0x198: {  	v9 =	vsel vm2, v9, v10;
	v10 =	vadd.f32 v11, v15  }
0x199: {  	v9 =	vsel vm3, v9, v12  }
0x19a: {  	v9 =	vsel vm4, v9, v10  }
0x19b: {  	v10 =	vshra.s32 v9, $0x17;
	v11 =	vand.u32 $0x7FFFFF, v9  }
0x19c: {  	v10 =	vadd.s32 $0xFFFFFF81, v10;
	v11 =	vor.u32 $0x3F800000, v11  }
0x19d: {  	v10 =	vcvt.s32.f32 v10;
	v11 =	vadd.f32 $-1.000000000e+00, v11;
	_ =	sdelay $0x1  }
0x19e: {  	v10 =	vadd.f32 v10, v11;
	_ =	sdelay $0x1  }
0x19f: {  	v10 =	vmul.f32 $6.931471820e-01, v10;
	_ =	sdelay $0x1  }
0x1a0: {  	v11 =	vsub.f32 $0.0e+00, v10;
	_ =	sdelay $0x1  }
0x1a1: {  	v11 =	vmul.f32 $1.442695020e+00, v11;
	_ =	sdelay $0x1  }
0x1a2: {  	(erf) = vpow2.f32 v11;
	_ =	sdelay $0x8  }
0x1a3: {  	v11 =	vpop (erf)  }
0x1a4: {  	v11 =	vmul.f32 v11, v9;
	_ =	sdelay $0x1  }
0x1a5: {  	v10 =	vadd.f32 v11, v10;
	_ =	sdelay $0x1  }
0x1a6: {  	v10 =	vadd.f32 $-1.000000000e+00, v10;
	_ =	sdelay $0x1  }
0x1a7: {  	v11 =	vsub.f32 $0.0e+00, v10;
	_ =	sdelay $0x1  }
0x1a8: {  	v11 =	vmul.f32 $1.442695020e+00, v11;
	_ =	sdelay $0x1  }
0x1a9: {  	(erf) = vpow2.f32 v11;
	_ =	sdelay $0x8  }
0x1aa: {  	v11 =	vpop (erf)  }
0x1ab: {  	v11 =	vmul.f32 v11, v9;
	_ =	sdelay $0x1  }
0x1ac: {  	v10 =	vadd.f32 v11, v10;
	_ =	sdelay $0x1  }
0x1ad: {  	v10 =	vadd.f32 $-1.000000000e+00, v10  }
0x1ae: {  	s5 =	sshll.u32 s0, $0xA  }
0x1af: {  	s2 =	sshrl.u32 s5, $0x2;
	v12 =	vsub.f32 $0.0e+00, v10  }
0x1b0: {  	v11 =	vld [tilespmem:s2+$0x2000]  }
0x1b1: {  	v12 =	vmul.f32 $1.442695020e+00, v12;
	_ =	sdelay $0x1  }
0x1b2: {  	(erf) = vpow2.f32 v12;
	_ =	sdelay $0x1  }
0x1b3: {  	v12 =	vshll.u32 v11, $0x2  }
0x1b4: {  	v11 =	vand.u32 $0x7F, v11;
	v12 =	vand.u32 $0xFFFFFE00, v12  }
0x1b5: {  	v11 =	vor.u32 v12, v11  }
0x1b6: {  	v11 =	vor.u32 v6, v11;
	_ =	sdelay $0x3  }
0x1b7: {  	v12 =	vpop (erf)  }
0x1b8: {  	v11 =	vld.idx.msk [tilespmem:v11+s29+$0x0], $0xf;
	_ =	swait.ge [sflag:s26], $0x8000  }
0x1b9: {  	p0 =	seq.s32 s0, $0x1F;
	[sflag:s26] =	ssyncset.done $0x0  }
0x1ba: {  	s5 =	sshrl.u32 @!p0 s5, $0x2;
	[sflag:s26] =	ssyncadd.s32 $0xFFFF8000  }
0x1bb: {  	v13 =	vld.msk @!p0 [tilespmem:s5+$0x100], $0xf;
	_ =	sdelay $0x4  }
0x1bc: {  	v14 =	vshll.u32 @!p0 v13, $0x6  }
0x1bd: {  	v15 =	vlaneseq.u32 @!p0;
	v13 =	vand.u32 @!p0 $0x7, v13;
	v14 =	vand.u32 @!p0 $0xFFFFFE00, v14  }
0x1be: {  	v13 =	vor.u32 @!p0 v13, v14;
	v14 =	vand.u32 @!p0 $0x3, v15;
	v15 =	vshrl.u32 @!p0 v15, $0x2  }
0x1bf: {  	v13 =	vperm.xlane @!p0 v13, v14;
	v14 =	vmul.u32 @!p0 $0x8, v15;
	_ =	sdelay $0x1  }
0x1c0: {  	v13 =	vadd.s32 @!p0 v14, v13;
	_ =	sdelay $0x3  }
0x1c1: {  	vm6 =	vmmov @!p0 $0xffff;
	s22 =	simm.s32 @!p0 $0x4000;
	s5 =	simm.s32 @!p0 $0x0  }
0x1c2: {  	[tilespmem:s22], [sflag:$0x1] =	stream.indirect_vreg.gather @!p0 [hbm4b:s1+s5], $0x80, v13, vm6, $0xb8;
	[tilespmem:$0x14080] =	vst v63  }
0x1c3: {  	s22 =	simm.s32 @!p0 $0x4800  }
0x1c4: {  	[tilespmem:s22], [sflag:$0x1] =	stream.indirect_vreg.gather @!p0 [hbm4b:s7+s5], $0x80, v13, vm6, $0xb8;
	[tilespmem:$0x14080] =	vst v63  }
0x1c5: {  	s22 =	simm.s32 @!p0 $0x5000  }
0x1c6: {  	[tilespmem:s22], [sflag:$0x1] =	stream.indirect_vreg.gather @!p0 [hbm4b:s8+s5], $0x80, v13, vm6, $0xb8;
	[tilespmem:$0x14080] =	vst v63  }
0x1c7: {  	s22 =	simm.s32 @!p0 $0x5800  }
0x1c8: {  	[tilespmem:s22], [sflag:$0x1] =	stream.indirect_vreg.gather @!p0 [hbm4b:s9+s5], $0x80, v13, vm6, $0xb8;
	[tilespmem:$0x14080] =	vst v63  }
0x1c9: {  	s22 =	simm.s32 @!p0 $0x6000  }
0x1ca: {  	[tilespmem:s22], [sflag:$0x1] =	stream.indirect_vreg.gather @!p0 [hbm4b:s10+s5], $0x80, v13, vm6, $0xb8;
	[tilespmem:$0x14080] =	vst v63  }
0x1cb: {  	s22 =	simm.s32 @!p0 $0x6800  }
0x1cc: {  	[tilespmem:s22], [sflag:$0x1] =	stream.indirect_vreg.gather @!p0 [hbm4b:s11+s5], $0x80, v13, vm6, $0xb8;
	[tilespmem:$0x14080] =	vst v63  }
0x1cd: {  	s22 =	simm.s32 @!p0 $0x7000  }
0x1ce: {  	[tilespmem:s22], [sflag:$0x1] =	stream.indirect_vreg.gather @!p0 [hbm4b:s12+s5], $0x80, v13, vm6, $0xb8;
	[tilespmem:$0x14080] =	vst v63  }
0x1cf: {  	s22 =	simm.s32 @!p0 $0x7800  }
0x1d0: {  	[tilespmem:s22], [sflag:$0x1] =	stream.indirect_vreg.gather @!p0 [hbm4b:s13+s5], $0x80, v13, vm6, $0xb8;
	[tilespmem:$0x14080] =	vst v63  }
0x1d1: {  	s22 =	simm.s32 @!p0 $0x8000  }
0x1d2: {  	[tilespmem:s22], [sflag:$0x1] =	stream.indirect_vreg.gather @!p0 [hbm4b:s14+s5], $0x80, v13, vm6, $0xb8;
	[tilespmem:$0x14080] =	vst v63  }
0x1d3: {  	s22 =	simm.s32 @!p0 $0x8800  }
0x1d4: {  	[tilespmem:s22], [sflag:$0x1] =	stream.indirect_vreg.gather @!p0 [hbm4b:s15+s5], $0x80, v13, vm6, $0xb8;
	[tilespmem:$0x14080] =	vst v63  }
0x1d5: {  	s22 =	simm.s32 @!p0 $0x9000  }
0x1d6: {  	[tilespmem:s22], [sflag:$0x1] =	stream.indirect_vreg.gather @!p0 [hbm4b:s16+s5], $0x80, v13, vm6, $0xb8;
	[tilespmem:$0x14080] =	vst v63  }
0x1d7: {  	s22 =	simm.s32 @!p0 $0x9800  }
0x1d8: {  	[tilespmem:s22], [sflag:$0x1] =	stream.indirect_vreg.gather @!p0 [hbm4b:s17+s5], $0x80, v13, vm6, $0xb8;
	[tilespmem:$0x14080] =	vst v63  }
0x1d9: {  	s22 =	simm.s32 @!p0 $0xA000  }
0x1da: {  	[tilespmem:s22], [sflag:$0x1] =	stream.indirect_vreg.gather @!p0 [hbm4b:s18+s5], $0x80, v13, vm6, $0xb8;
	[tilespmem:$0x14080] =	vst v63  }
0x1db: {  	s22 =	simm.s32 @!p0 $0xA800  }
0x1dc: {  	[tilespmem:s22], [sflag:$0x1] =	stream.indirect_vreg.gather @!p0 [hbm4b:s19+s5], $0x80, v13, vm6, $0xb8;
	[tilespmem:$0x14080] =	vst v63  }
0x1dd: {  	s22 =	simm.s32 @!p0 $0xB000  }
0x1de: {  	[tilespmem:s22], [sflag:$0x1] =	stream.indirect_vreg.gather @!p0 [hbm4b:s20+s5], $0x80, v13, vm6, $0xb8;
	[tilespmem:$0x14080] =	vst v63  }
0x1df: {  	s22 =	simm.s32 @!p0 $0xB800  }
0x1e0: {  	[tilespmem:s22], [sflag:$0x1] =	stream.indirect_vreg.gather @!p0 [hbm4b:s21+s5], $0x80, v13, vm6, $0xb8;
	[tilespmem:$0x14080] =	vst v63  }
0x1e1: {  	_ =	swait.ge [sflag:s3], $0x8000  }
0x1e2: {  	[sflag:s3] =	ssyncset.done $0x0  }
0x1e3: {  	s22 =	sadd.s32 s28, s23;
	s5 =	simm.s32 $0x0;
	[sflag:s3] =	ssyncadd.s32 $0xFFFF8000  }
0x1e4: {  	[hbm4b:s22+s24] =	stream.strided.scatter [tilespmem:s30], [sflag:$0x4], $0x8000, s25, s24, $0x38;
	[tilespmem:$0x14080] =	vst v63  }
0x1e5: {  	v13 =	vld [tilespmem:s5+$0xC000]  }
0x1e6: {  	v14 =	vld [tilespmem:s5+$0xC010]  }
0x1e7: {  	v15 =	vld [tilespmem:s5+$0xC030]  }
0x1e8: {  	v16 =	vld [tilespmem:s5+$0xC050]  }
0x1e9: {  	v18 =	vld [tilespmem:s5+$0xC020]  }
0x1ea: {  	v19 =	vld [tilespmem:s5+$0xC040];
	v13 =	vmul.f32 $1.442695020e+00, v13  }
0x1eb: {  	s22 =	simm.s32 $0x200;
	v17 =	vld [tilespmem:s5+$0xC070];
	v14 =	vmul.f32 $1.442695020e+00, v14  }
0x1ec: {  	v9 =	vmul.f32 v12, v9;
	v12 =	vld [tilespmem:s22+$0xC010];
	(erf) = vpow2.f32 v13  }
0x1ed: {  	v15 =	vmul.f32 $1.442695020e+00, v15;
	v13 =	vld [tilespmem:s22+$0xC000];
	(erf) = vpow2.f32 v14  }
0x1ee: {  	v18 =	vmul.f32 $1.442695020e+00, v18;
	v14 =	vmul.f32 $1.442695020e+00, v16;
	v16 =	vld [tilespmem:s22+$0xC030]  }
0x1ef: {  	v20 =	vld [tilespmem:s5+$0xC060];
	v19 =	vmul.f32 $1.442695020e+00, v19;
	(erf) = vpow2.f32 v15  }
0x1f0: {  	v17 =	vmul.f32 $1.442695020e+00, v17;
	v15 =	vld [tilespmem:s22+$0xC050];
	(erf) = vpow2.f32 v14  }
0x1f1: {  	v12 =	vmul.f32 $1.442695020e+00, v12;
	(erf) = vpow2.f32 v18  }
0x1f2: {  	v18 =	vld [tilespmem:s22+$0xC020];
	v13 =	vmul.f32 $1.442695020e+00, v13;
	(erf) = vpow2.f32 v19  }
0x1f3: {  	v19 =	vld [tilespmem:s22+$0xC040];
	(erf) = vpow2.f32 v17;
	v16 =	vmul.f32 $1.442695020e+00, v16  }
0x1f4: {  	(erf) = vpow2.f32 v13;
	v13 =	vmul.f32 $1.442695020e+00, v20  }
0x1f5: {  	s5 =	simm.s32 $0x400;
	v14 =	vld [tilespmem:s22+$0xC070];
	v15 =	vmul.f32 $1.442695020e+00, v15;
	(erf) = vpow2.f32 v12;
	v12 =	vpop (erf)  }
0x1f6: {  	v9 =	vadd.f32 v9, v10;
	v10 =	vld [tilespmem:s5+$0xC000];
	v20 =	vimm.f32 $0.0e+00;
	(erf) = vpow2.f32 v13;
	v22 =	vpop (erf)  }
0x1f7: {  	v21 =	vld [tilespmem:s5+$0xC010];
	(erf) = vpow2.f32 v16;
	v16 =	vadd.f32 v22, v20  }
0x1f8: {  	v17 =	vld [tilespmem:s22+$0xC060];
	v18 =	vmul.f32 $1.442695020e+00, v18;
	v19 =	vmul.f32 $1.442695020e+00, v19  }
0x1f9: {  	v9 =	vadd.f32 $-1.000000000e+00, v9;
	v13 =	vld [tilespmem:s5+$0xC030];
	(erf) = vpow2.f32 v15;
	v15 =	vpop (erf)  }
0x1fa: {  	v14 =	vmul.f32 $1.442695020e+00, v14;
	v22 =	vld [tilespmem:s5+$0xC050];
	(erf) = vpow2.f32 v18;
	v15 =	vadd.f32 v15, v16  }
0x1fb: {  	v11 =	vnsel vm5, $0x0, v11;
	v10 =	vmul.f32 $1.442695020e+00, v10;
	v16 =	vpop (erf);
	(erf) = vpow2.f32 v19  }
0x1fc: {  	v9 =	vsub.f32 v11, v9;
	s28 =	simm.s32 $0x600;
	v11 =	vmul.f32 $1.442695020e+00, v21;
	v18 =	vld [tilespmem:s5+$0xC020];
	v19 =	vpop (erf);
	(erf) = vpow2.f32 v14  }
0x1fd: {  	v60 =	vld [tilespmem:s28+$0xC000];
	v14 =	vadd.f32 v16, v15;
	v16 =	vpop (erf);
	(erf) = vpow2.f32 v10  }
0x1fe: {  	v21 =	vld [tilespmem:s5+$0xC040];
	v10 =	vmul.f32 $1.442695020e+00, v17;
	v17 =	vmul.f32 $1.442695020e+00, v13;
	v15 =	vpop (erf)  }
0x1ff: {  	v23 =	vld [tilespmem:s5+$0xC070];
	v14 =	vadd.f32 v15, v14;
	v15 =	vmul.f32 $1.442695020e+00, v22  }
0x200: {  	v8 =	vadd.f32 v9, v8;
	v61 =	vld [tilespmem:s28+$0xC010];
	(erf) = vpow2.f32 v11;
	v11 =	vpop (erf)  }
0x201: {  	v9 =	vld [tilespmem:s5+$0xC060];
	v18 =	vmul.f32 $1.442695020e+00, v18;
	(erf) = vpow2.f32 v10;
	v10 =	vadd.f32 v12, v20;
	v22 =	vpop (erf)  }
0x202: {  	v13 =	vld [tilespmem:s28+$0xC030];
	(erf) = vpow2.f32 v17;
	v14 =	vadd.f32 v22, v14;
	v17 =	vpop (erf)  }
0x203: {  	v12 =	vld [tilespmem:s28+$0xC050];
	v20 =	vmul.f32 $1.442695020e+00, v21;
	(erf) = vpow2.f32 v15;
	v19 =	vadd.f32 v19, v10;
	v15 =	vpop (erf)  }
0x204: {  	v23 =	vmul.f32 $1.442695020e+00, v23;
	v10 =	vld [tilespmem:s28+$0xC070];
	(erf) = vpow2.f32 v18;
	v62 =	vadd.f32 v15, v14;
	v63 =	vpop (erf)  }
0x205: {  	v21 =	vmul.f32 $1.442695020e+00, v60;
	(erf) = vpow2.f32 v20;
	v22 =	vadd.f32 v16, v19;
	v15 =	vld [tilespmem:s28+$0xC020];
	v18 =	vpop (erf)  }
0x206: {  	s5 =	simm.s32 $0x2000;
	v20 =	vmul.f32 $1.442695020e+00, v61;
	v14 =	vld [tilespmem:s28+$0xC040];
	(erf) = vpow2.f32 v23;
	v19 =	vadd.f32 v63, v62;
	v16 =	vpop (erf)  }
.LBB2_11:
0x207: {  	(erf) = vpow2.f32 v21  }
0x208: {  	p1 =	sne.s32 s5, $0x1F800;
	v21 =	vmul.f32 $1.442695020e+00, v9;
	v9 =	vld [tilespmem:s28+$0xC060];
	s28 =	sshra.s32 s5, $0x2;
	s5 =	sadd.s32 $0x800, s5;
	v23 =	vpop (erf);
	v26 =	vadd.f32 v17, v22;
	v22 =	vmov v11  }
0x209: {  	v25 =	vmul.f32 $1.442695020e+00, v13;
	v24 =	vld [tilespmem:s28+$0xC000];
	(erf) = vpow2.f32 v20;
	v11 =	vpop (erf);
	v19 =	vadd.f32 v23, v19  }
0x20a: {  	v23 =	vmul.f32 $1.442695020e+00, v12;
	v20 =	vld [tilespmem:s28+$0xC010];
	v12 =	vpop (erf);
	(erf) = vpow2.f32 v21;
	v21 =	vadd.f32 v22, v26  }
.Ltmp6:
0x20b: {  	v15 =	vmul.f32 $1.442695020e+00, v15;
	v19 =	vadd.f32 v12, v19;
	v13 =	vld [tilespmem:s28+$0xC030];
	(erf) = vpow2.f32 v25;
	v17 =	vpop (erf);
	(pc) =	sbr.rel @p1 .LBB2_11-.Ltmp6, $4  }
0x20c: {  	v14 =	vmul.f32 $1.442695020e+00, v14;
	v12 =	vld [tilespmem:s28+$0xC050];
	(erf) = vpow2.f32 v23;
	v22 =	vpop (erf);
	v23 =	vadd.f32 v18, v21  }
0x20d: {  	v25 =	vmul.f32 $1.442695020e+00, v10;
	v10 =	vld [tilespmem:s28+$0xC070];
	(erf) = vpow2.f32 v15;
	v19 =	vadd.f32 v22, v19;
	v26 =	vpop (erf)  }
0x20e: {  	v21 =	vmul.f32 $1.442695020e+00, v24;
	v15 =	vld [tilespmem:s28+$0xC020];
	(erf) = vpow2.f32 v14;
	v18 =	vpop (erf);
	v22 =	vadd.f32 v16, v23  }
0x20f: {  	v20 =	vmul.f32 $1.442695020e+00, v20;
	v14 =	vld [tilespmem:s28+$0xC040];
	(erf) = vpow2.f32 v25;
	v19 =	vadd.f32 v26, v19;
	v16 =	vpop (erf)  }
0x210: {  	v17 =	vadd.f32 v17, v22;
	_ =	sdelay $0x1  }
0x211: {  	v11 =	vadd.f32 v11, v17  }
0x212: {  	(erf) = vpow2.f32 v21  }
0x213: {  	v9 =	vmul.f32 $1.442695020e+00, v9;
	v13 =	vmul.f32 $1.442695020e+00, v13;
	v17 =	vpop (erf);
	v11 =	vadd.f32 v18, v11  }
0x214: {  	(erf) = vpow2.f32 v20;
	v12 =	vmul.f32 $1.442695020e+00, v12;
	v18 =	vpop (erf)  }
0x215: {  	v20 =	vpop (erf);
	(erf) = vpow2.f32 v9;
	v9 =	vadd.f32 v16, v11;
	v16 =	vadd.f32 v17, v19  }
0x216: {  	v15 =	vmul.f32 $1.442695020e+00, v15;
	v11 =	vld [tilespmem:s28+$0xC060]  }
0x217: {  	v17 =	vpop (erf);
	v16 =	vadd.f32 v20, v16  }
0x218: {  	v14 =	vmul.f32 $1.442695020e+00, v14;
	(erf) = vpow2.f32 v13;
	v13 =	vpop (erf);
	v9 =	vadd.f32 v17, v9  }
0x219: {  	v10 =	vmul.f32 $1.442695020e+00, v10;
	(erf) = vpow2.f32 v12;
	v12 =	vpop (erf)  }
0x21a: {  	(erf) = vpow2.f32 v15;
	v15 =	vpop (erf);
	v9 =	vadd.f32 v18, v9;
	v13 =	vadd.f32 v13, v16  }
0x21b: {  	v11 =	vmul.f32 $1.442695020e+00, v11;
	v16 =	vpop (erf)  }
0x21c: {  	(erf) = vpow2.f32 v14;
	v9 =	vadd.f32 v15, v9;
	v14 =	vpop (erf)  }
0x21d: {  	(erf) = vpow2.f32 v10;
	v10 =	vpop (erf)  }
0x21e: {  	v12 =	vadd.f32 v12, v13;
	(erf) = vpow2.f32 v11;
	v9 =	vadd.f32 v16, v9;
	v13 =	vpop (erf)  }
0x21f: {  	v11 =	vpop (erf)  }
0x220: {  	v12 =	vadd.f32 v14, v12;
	v9 =	vadd.f32 v11, v9  }
0x221: {  	v11 =	vpop (erf)  }
0x222: {  	v12 =	vadd.f32 v13, v12;
	v13 =	vpop (erf);
	v9 =	vadd.f32 v10, v9  }
0x223: {  	v10 =	vpop (erf)  }
0x224: {  	v11 =	vadd.f32 v11, v12;
	v9 =	vadd.f32 v10, v9  }
0x225: {  	v10 =	vpop (erf)  }
0x226: {  	v11 =	vadd.f32 v13, v11;
	v12 =	vpop (erf);
	v9 =	vadd.f32 v10, v9  }
0x227: {  	v10 =	vpop (erf)  }
0x228: {  	v11 =	vadd.f32 v12, v11;
	v9 =	vadd.f32 v10, v9;
	_ =	sdelay $0x1  }
0x229: {  	v9 =	vadd.f32 v11, v9;
	_ =	sdelay $0x1  }
0x22a: {  	v10 =	vperm.xlane v9, v0  }
0x22b: {  	s5 =	simm.s32 $0x0  }
0x22c: {  	v9 =	vadd.f32 v10, v9;
	v10 =	vld [tilespmem:s5+$0xC080]  }
0x22d: {  	v12 =	vld [tilespmem:s5+$0xC090]  }
0x22e: {  	v13 =	vld [tilespmem:s5+$0xC0B0];
	v11 =	vperm.xlane v9, v1  }
0x22f: {  	v17 =	vld [tilespmem:s5+$0xC0C0]  }
0x230: {  	v9 =	vadd.f32 v11, v9;
	v11 =	vld [tilespmem:s5+$0xC0D0]  }
0x231: {  	v16 =	vld [tilespmem:s5+$0xC0A0];
	v10 =	vmul.f32 $1.442695020e+00, v10  }
0x232: {  	s22 =	simm.s32 $0x200;
	v14 =	vld [tilespmem:s5+$0xC0F0];
	v12 =	vmul.f32 $1.442695020e+00, v12  }
0x233: {  	v18 =	vld [tilespmem:s22+$0xC080];
	v13 =	vmul.f32 $1.442695020e+00, v13;
	(erf) = vpow2.f32 v10  }
0x234: {  	v15 =	vperm.xlane v9, v2;
	(erf) = vpow2.f32 v12;
	v12 =	vld [tilespmem:s22+$0xC090]  }
0x235: {  	v19 =	vld [tilespmem:s22+$0xC0B0];
	v17 =	vmul.f32 $1.442695020e+00, v17;
	v11 =	vmul.f32 $1.442695020e+00, v11  }
0x236: {  	v16 =	vmul.f32 $1.442695020e+00, v16;
	v9 =	vadd.f32 v15, v9;
	v15 =	vld [tilespmem:s5+$0xC0E0];
	(erf) = vpow2.f32 v13  }
0x237: {  	v14 =	vmul.f32 $1.442695020e+00, v14;
	v13 =	vld [tilespmem:s22+$0xC0D0];
	(erf) = vpow2.f32 v11  }
0x238: {  	(erf) = vpow2.f32 v16;
	v16 =	vmul.f32 $1.442695020e+00, v18;
	v18 =	vld [tilespmem:s22+$0xC0A0]  }
0x239: {  	(erf) = vpow2.f32 v17;
	v12 =	vmul.f32 $1.442695020e+00, v12;
	v17 =	vld [tilespmem:s22+$0xC0C0]  }
0x23a: {  	v19 =	vmul.f32 $1.442695020e+00, v19;
	s5 =	simm.s32 $0x400;
	v11 =	vld [tilespmem:s22+$0xC0F0];
	(erf) = vpow2.f32 v14  }
0x23b: {  	v15 =	vmul.f32 $1.442695020e+00, v15;
	(erf) = vpow2.f32 v16;
	v16 =	vld [tilespmem:s5+$0xC080]  }
0x23c: {  	v13 =	vmul.f32 $1.442695020e+00, v13;
	(erf) = vpow2.f32 v12  }
0x23d: {  	v21 =	vld [tilespmem:s5+$0xC090];
	v12 =	vpop (erf);
	(erf) = vpow2.f32 v15;
	v18 =	vmul.f32 $1.442695020e+00, v18  }
0x23e: {  	v20 =	vimm.f32 $0.0e+00;
	v14 =	vld [tilespmem:s22+$0xC0E0];
	v22 =	vpop (erf);
	(erf) = vpow2.f32 v19;
	v17 =	vmul.f32 $1.442695020e+00, v17  }
0x23f: {  	v11 =	vmul.f32 $1.442695020e+00, v11;
	v19 =	vadd.f32 v22, v20;
	v22 =	vld [tilespmem:s5+$0xC0D0];
	(erf) = vpow2.f32 v13  }
0x240: {  	v15 =	vld [tilespmem:s5+$0xC0B0];
	v13 =	vpop (erf);
	(erf) = vpow2.f32 v18;
	v16 =	vmul.f32 $1.442695020e+00, v16  }
0x241: {  	s28 =	simm.s32 $0x600;
	v13 =	vadd.f32 v13, v19;
	v18 =	vpop (erf);
	v19 =	vld [tilespmem:s5+$0xC0A0];
	(erf) = vpow2.f32 v17  }
0x242: {  	v26 =	vld [tilespmem:s28+$0xC080];
	v21 =	vmul.f32 $1.442695020e+00, v21;
	v17 =	vpop (erf);
	(erf) = vpow2.f32 v11  }
0x243: {  	v24 =	vld [tilespmem:s5+$0xC0C0];
	v14 =	vmul.f32 $1.442695020e+00, v14;
	v18 =	vadd.f32 v18, v13;
	v25 =	vpop (erf);
	(erf) = vpow2.f32 v16  }
0x244: {  	v23 =	vld [tilespmem:s5+$0xC0F0];
	v16 =	vpop (erf);
	(erf) = vpow2.f32 v21;
	v21 =	vmul.f32 $1.442695020e+00, v22  }
0x245: {  	v11 =	vld [tilespmem:s5+$0xC0E0];
	v27 =	vmul.f32 $1.442695020e+00, v15;
	v13 =	vpop (erf);
	v16 =	vadd.f32 v16, v18  }
0x246: {  	v12 =	vadd.f32 v12, v20;
	v18 =	vld [tilespmem:s28+$0xC090];
	(erf) = vpow2.f32 v14;
	v22 =	vpop (erf);
	v20 =	vmul.f32 $1.442695020e+00, v19  }
0x247: {  	v10 =	vperm.xlane v9, v5;
	v15 =	vld [tilespmem:s28+$0xC0B0];
	(erf) = vpow2.f32 v27;
	v16 =	vadd.f32 v22, v16;
	v19 =	vpop (erf)  }
0x248: {  	v14 =	vld [tilespmem:s28+$0xC0D0];
	v22 =	vmul.f32 $1.442695020e+00, v24;
	(erf) = vpow2.f32 v21;
	v24 =	vadd.f32 v17, v12;
	v21 =	vpop (erf)  }
0x249: {  	v27 =	vmul.f32 $1.442695020e+00, v23;
	v12 =	vld [tilespmem:s28+$0xC0F0];
	(erf) = vpow2.f32 v20;
	v21 =	vadd.f32 v21, v16;
	v28 =	vpop (erf)  }
0x24a: {  	v23 =	vmul.f32 $1.442695020e+00, v26;
	v17 =	vld [tilespmem:s28+$0xC0A0];
	(erf) = vpow2.f32 v22;
	v24 =	vadd.f32 v25, v24;
	v20 =	vpop (erf)  }
0x24b: {  	s5 =	simm.s32 $0x2000;
	v16 =	vld [tilespmem:s28+$0xC0C0];
	v22 =	vmul.f32 $1.442695020e+00, v18;
	(erf) = vpow2.f32 v27;
	v21 =	vadd.f32 v28, v21;
	v18 =	vpop (erf)  }
.LBB2_13:
0x24c: {  	(erf) = vpow2.f32 v23  }
0x24d: {  	p1 =	sne.s32 s5, $0x1F800;
	v23 =	vmul.f32 $1.442695020e+00, v11;
	v11 =	vld [tilespmem:s28+$0xC0E0];
	s28 =	sshra.s32 s5, $0x2;
	s5 =	sadd.s32 $0x800, s5;
	v25 =	vpop (erf);
	v28 =	vadd.f32 v19, v24;
	v24 =	vmov v13  }
0x24e: {  	v27 =	vmul.f32 $1.442695020e+00, v15;
	v26 =	vld [tilespmem:s28+$0xC080];
	(erf) = vpow2.f32 v22;
	v13 =	vpop (erf);
	v21 =	vadd.f32 v25, v21  }
0x24f: {  	v25 =	vmul.f32 $1.442695020e+00, v14;
	v22 =	vld [tilespmem:s28+$0xC090];
	v14 =	vpop (erf);
	(erf) = vpow2.f32 v23;
	v23 =	vadd.f32 v24, v28  }
.Ltmp7:
0x250: {  	v17 =	vmul.f32 $1.442695020e+00, v17;
	v21 =	vadd.f32 v14, v21;
	v15 =	vld [tilespmem:s28+$0xC0B0];
	(erf) = vpow2.f32 v27;
	v19 =	vpop (erf);
	(pc) =	sbr.rel @p1 .LBB2_13-.Ltmp7, $4  }
0x251: {  	v16 =	vmul.f32 $1.442695020e+00, v16;
	v14 =	vld [tilespmem:s28+$0xC0D0];
	(erf) = vpow2.f32 v25;
	v24 =	vpop (erf);
	v25 =	vadd.f32 v20, v23  }
0x252: {  	v27 =	vmul.f32 $1.442695020e+00, v12;
	v12 =	vld [tilespmem:s28+$0xC0F0];
	(erf) = vpow2.f32 v17;
	v21 =	vadd.f32 v24, v21;
	v28 =	vpop (erf)  }
0x253: {  	v23 =	vmul.f32 $1.442695020e+00, v26;
	v17 =	vld [tilespmem:s28+$0xC0A0];
	(erf) = vpow2.f32 v16;
	v20 =	vpop (erf);
	v24 =	vadd.f32 v18, v25  }
0x254: {  	v22 =	vmul.f32 $1.442695020e+00, v22;
	v16 =	vld [tilespmem:s28+$0xC0C0];
	(erf) = vpow2.f32 v27;
	v21 =	vadd.f32 v28, v21;
	v18 =	vpop (erf)  }
0x255: {  	v19 =	vadd.f32 v19, v24;
	_ =	sdelay $0x1  }
0x256: {  	v13 =	vadd.f32 v13, v19  }
0x257: {  	(erf) = vpow2.f32 v23  }
0x258: {  	v11 =	vmul.f32 $1.442695020e+00, v11;
	v15 =	vmul.f32 $1.442695020e+00, v15;
	v19 =	vpop (erf);
	v13 =	vadd.f32 v20, v13  }
0x259: {  	(erf) = vpow2.f32 v22;
	v14 =	vmul.f32 $1.442695020e+00, v14;
	v20 =	vpop (erf)  }
0x25a: {  	v22 =	vpop (erf);
	(erf) = vpow2.f32 v11;
	v11 =	vadd.f32 v18, v13;
	v18 =	vadd.f32 v19, v21  }
0x25b: {  	v17 =	vmul.f32 $1.442695020e+00, v17;
	v13 =	vld [tilespmem:s28+$0xC0E0]  }
0x25c: {  	v19 =	vpop (erf);
	v18 =	vadd.f32 v22, v18  }
0x25d: {  	v16 =	vmul.f32 $1.442695020e+00, v16;
	(erf) = vpow2.f32 v15;
	v15 =	vpop (erf);
	v11 =	vadd.f32 v19, v11  }
0x25e: {  	v12 =	vmul.f32 $1.442695020e+00, v12;
	(erf) = vpow2.f32 v14;
	v14 =	vpop (erf)  }
0x25f: {  	(erf) = vpow2.f32 v17;
	v17 =	vpop (erf);
	v11 =	vadd.f32 v20, v11;
	v15 =	vadd.f32 v15, v18  }
0x260: {  	v13 =	vmul.f32 $1.442695020e+00, v13;
	v18 =	vpop (erf)  }
0x261: {  	(erf) = vpow2.f32 v16;
	v11 =	vadd.f32 v17, v11;
	v16 =	vpop (erf)  }
0x262: {  	(erf) = vpow2.f32 v12;
	v12 =	vpop (erf)  }
0x263: {  	v14 =	vadd.f32 v14, v15;
	(erf) = vpow2.f32 v13;
	v11 =	vadd.f32 v18, v11;
	v15 =	vpop (erf)  }
0x264: {  	v13 =	vpop (erf)  }
0x265: {  	v14 =	vadd.f32 v16, v14;
	v11 =	vadd.f32 v13, v11  }
0x266: {  	v13 =	vpop (erf)  }
0x267: {  	v14 =	vadd.f32 v15, v14;
	v15 =	vpop (erf);
	v11 =	vadd.f32 v12, v11  }
0x268: {  	v12 =	vpop (erf)  }
0x269: {  	v13 =	vadd.f32 v13, v14;
	v11 =	vadd.f32 v12, v11  }
0x26a: {  	v12 =	vpop (erf)  }
0x26b: {  	v13 =	vadd.f32 v15, v13;
	v14 =	vpop (erf);
	v11 =	vadd.f32 v12, v11  }
0x26c: {  	v12 =	vpop (erf)  }
0x26d: {  	v13 =	vadd.f32 v14, v13;
	v11 =	vadd.f32 v12, v11;
	_ =	sdelay $0x1  }
0x26e: {  	v11 =	vadd.f32 v13, v11;
	_ =	sdelay $0x1  }
0x26f: {  	v12 =	vperm.xlane v11, v0  }
0x270: {  	s5 =	simm.s32 $0x0  }
0x271: {  	v11 =	vadd.f32 v12, v11;
	v12 =	vld [tilespmem:s5+$0xC100]  }
0x272: {  	v14 =	vld [tilespmem:s5+$0xC110]  }
0x273: {  	v15 =	vld [tilespmem:s5+$0xC130];
	v13 =	vperm.xlane v11, v1  }
0x274: {  	v19 =	vld [tilespmem:s5+$0xC140]  }
0x275: {  	v11 =	vadd.f32 v13, v11;
	v13 =	vld [tilespmem:s5+$0xC150]  }
0x276: {  	v18 =	vld [tilespmem:s5+$0xC120];
	v12 =	vmul.f32 $1.442695020e+00, v12  }
0x277: {  	s22 =	simm.s32 $0x200;
	v16 =	vld [tilespmem:s5+$0xC170];
	v14 =	vmul.f32 $1.442695020e+00, v14  }
0x278: {  	v20 =	vld [tilespmem:s22+$0xC100];
	v15 =	vmul.f32 $1.442695020e+00, v15;
	(erf) = vpow2.f32 v12  }
0x279: {  	v17 =	vperm.xlane v11, v2;
	(erf) = vpow2.f32 v14;
	v14 =	vld [tilespmem:s22+$0xC110]  }
0x27a: {  	v21 =	vld [tilespmem:s22+$0xC130];
	v19 =	vmul.f32 $1.442695020e+00, v19;
	v13 =	vmul.f32 $1.442695020e+00, v13  }
0x27b: {  	v18 =	vmul.f32 $1.442695020e+00, v18;
	v11 =	vadd.f32 v17, v11;
	v17 =	vld [tilespmem:s5+$0xC160];
	(erf) = vpow2.f32 v15  }
0x27c: {  	v16 =	vmul.f32 $1.442695020e+00, v16;
	v15 =	vld [tilespmem:s22+$0xC150];
	(erf) = vpow2.f32 v13  }
0x27d: {  	(erf) = vpow2.f32 v18;
	v18 =	vmul.f32 $1.442695020e+00, v20;
	v20 =	vld [tilespmem:s22+$0xC120]  }
0x27e: {  	(erf) = vpow2.f32 v19;
	v14 =	vmul.f32 $1.442695020e+00, v14;
	v19 =	vld [tilespmem:s22+$0xC140]  }
0x27f: {  	v21 =	vmul.f32 $1.442695020e+00, v21;
	s5 =	simm.s32 $0x400;
	v13 =	vld [tilespmem:s22+$0xC170];
	(erf) = vpow2.f32 v16  }
0x280: {  	v17 =	vmul.f32 $1.442695020e+00, v17;
	(erf) = vpow2.f32 v18;
	v18 =	vld [tilespmem:s5+$0xC100]  }
0x281: {  	v15 =	vmul.f32 $1.442695020e+00, v15;
	(erf) = vpow2.f32 v14  }
0x282: {  	v23 =	vld [tilespmem:s5+$0xC110];
	v14 =	vpop (erf);
	(erf) = vpow2.f32 v17;
	v20 =	vmul.f32 $1.442695020e+00, v20  }
0x283: {  	v22 =	vimm.f32 $0.0e+00;
	v16 =	vld [tilespmem:s22+$0xC160];
	v24 =	vpop (erf);
	(erf) = vpow2.f32 v21;
	v19 =	vmul.f32 $1.442695020e+00, v19  }
0x284: {  	v13 =	vmul.f32 $1.442695020e+00, v13;
	v21 =	vadd.f32 v24, v22;
	v24 =	vld [tilespmem:s5+$0xC150];
	(erf) = vpow2.f32 v15  }
0x285: {  	v17 =	vld [tilespmem:s5+$0xC130];
	v15 =	vpop (erf);
	(erf) = vpow2.f32 v20;
	v18 =	vmul.f32 $1.442695020e+00, v18  }
0x286: {  	s28 =	simm.s32 $0x600;
	v15 =	vadd.f32 v15, v21;
	v20 =	vpop (erf);
	v21 =	vld [tilespmem:s5+$0xC120];
	(erf) = vpow2.f32 v19  }
0x287: {  	v28 =	vld [tilespmem:s28+$0xC100];
	v23 =	vmul.f32 $1.442695020e+00, v23;
	v19 =	vpop (erf);
	(erf) = vpow2.f32 v13  }
0x288: {  	v26 =	vld [tilespmem:s5+$0xC140];
	v16 =	vmul.f32 $1.442695020e+00, v16;
	v20 =	vadd.f32 v20, v15;
	v27 =	vpop (erf);
	(erf) = vpow2.f32 v18  }
0x289: {  	v25 =	vld [tilespmem:s5+$0xC170];
	v18 =	vpop (erf);
	(erf) = vpow2.f32 v23;
	v23 =	vmul.f32 $1.442695020e+00, v24  }
0x28a: {  	v13 =	vld [tilespmem:s5+$0xC160];
	v29 =	vmul.f32 $1.442695020e+00, v17;
	v15 =	vpop (erf);
	v18 =	vadd.f32 v18, v20  }
0x28b: {  	v14 =	vadd.f32 v14, v22;
	v20 =	vld [tilespmem:s28+$0xC110];
	(erf) = vpow2.f32 v16;
	v24 =	vpop (erf);
	v22 =	vmul.f32 $1.442695020e+00, v21  }
0x28c: {  	v12 =	vperm.xlane v11, v5;
	v17 =	vld [tilespmem:s28+$0xC130];
	(erf) = vpow2.f32 v29;
	v18 =	vadd.f32 v24, v18;
	v21 =	vpop (erf)  }
0x28d: {  	v16 =	vld [tilespmem:s28+$0xC150];
	v24 =	vmul.f32 $1.442695020e+00, v26;
	(erf) = vpow2.f32 v23;
	v26 =	vadd.f32 v19, v14;
	v23 =	vpop (erf)  }
0x28e: {  	v63 =	vmul.f32 $1.442695020e+00, v25;
	v14 =	vld [tilespmem:s28+$0xC170];
	(erf) = vpow2.f32 v22;
	v23 =	vadd.f32 v23, v18;
	v30 =	vpop (erf)  }
0x28f: {  	v25 =	vmul.f32 $1.442695020e+00, v28;
	v19 =	vld [tilespmem:s28+$0xC120];
	(erf) = vpow2.f32 v24;
	v26 =	vadd.f32 v27, v26;
	v22 =	vpop (erf)  }
0x290: {  	s5 =	simm.s32 $0x2000;
	v18 =	vld [tilespmem:s28+$0xC140];
	v24 =	vmul.f32 $1.442695020e+00, v20;
	(erf) = vpow2.f32 v63;
	v23 =	vadd.f32 v30, v23;
	v20 =	vpop (erf)  }
.LBB2_15:
0x291: {  	(erf) = vpow2.f32 v25  }
0x292: {  	p1 =	sne.s32 s5, $0x1F800;
	v25 =	vmul.f32 $1.442695020e+00, v13;
	v13 =	vld [tilespmem:s28+$0xC160];
	s28 =	sshra.s32 s5, $0x2;
	s5 =	sadd.s32 $0x800, s5;
	v27 =	vpop (erf);
	v30 =	vadd.f32 v21, v26;
	v26 =	vmov v15  }
0x293: {  	v29 =	vmul.f32 $1.442695020e+00, v17;
	v28 =	vld [tilespmem:s28+$0xC100];
	(erf) = vpow2.f32 v24;
	v15 =	vpop (erf);
	v23 =	vadd.f32 v27, v23  }
0x294: {  	v27 =	vmul.f32 $1.442695020e+00, v16;
	v24 =	vld [tilespmem:s28+$0xC110];
	v16 =	vpop (erf);
	(erf) = vpow2.f32 v25;
	v25 =	vadd.f32 v26, v30  }
.Ltmp8:
0x295: {  	v19 =	vmul.f32 $1.442695020e+00, v19;
	v23 =	vadd.f32 v16, v23;
	v17 =	vld [tilespmem:s28+$0xC130];
	(erf) = vpow2.f32 v29;
	v21 =	vpop (erf);
	(pc) =	sbr.rel @p1 .LBB2_15-.Ltmp8, $4  }
0x296: {  	v18 =	vmul.f32 $1.442695020e+00, v18;
	v16 =	vld [tilespmem:s28+$0xC150];
	(erf) = vpow2.f32 v27;
	v26 =	vpop (erf);
	v27 =	vadd.f32 v22, v25  }
0x297: {  	v29 =	vmul.f32 $1.442695020e+00, v14;
	v14 =	vld [tilespmem:s28+$0xC170];
	(erf) = vpow2.f32 v19;
	v23 =	vadd.f32 v26, v23;
	v30 =	vpop (erf)  }
0x298: {  	v25 =	vmul.f32 $1.442695020e+00, v28;
	v19 =	vld [tilespmem:s28+$0xC120];
	(erf) = vpow2.f32 v18;
	v22 =	vpop (erf);
	v26 =	vadd.f32 v20, v27  }
0x299: {  	v24 =	vmul.f32 $1.442695020e+00, v24;
	v18 =	vld [tilespmem:s28+$0xC140];
	(erf) = vpow2.f32 v29;
	v23 =	vadd.f32 v30, v23;
	v20 =	vpop (erf)  }
0x29a: {  	v21 =	vadd.f32 v21, v26;
	_ =	sdelay $0x1  }
0x29b: {  	v15 =	vadd.f32 v15, v21  }
0x29c: {  	(erf) = vpow2.f32 v25  }
0x29d: {  	v13 =	vmul.f32 $1.442695020e+00, v13;
	v17 =	vmul.f32 $1.442695020e+00, v17;
	v21 =	vpop (erf);
	v15 =	vadd.f32 v22, v15  }
0x29e: {  	(erf) = vpow2.f32 v24;
	v16 =	vmul.f32 $1.442695020e+00, v16;
	v22 =	vpop (erf)  }
0x29f: {  	v24 =	vpop (erf);
	(erf) = vpow2.f32 v13;
	v13 =	vadd.f32 v20, v15;
	v20 =	vadd.f32 v21, v23  }
0x2a0: {  	v19 =	vmul.f32 $1.442695020e+00, v19;
	v15 =	vld [tilespmem:s28+$0xC160]  }
0x2a1: {  	v21 =	vpop (erf);
	v20 =	vadd.f32 v24, v20  }
0x2a2: {  	v18 =	vmul.f32 $1.442695020e+00, v18;
	(erf) = vpow2.f32 v17;
	v17 =	vpop (erf);
	v13 =	vadd.f32 v21, v13  }
0x2a3: {  	v14 =	vmul.f32 $1.442695020e+00, v14;
	(erf) = vpow2.f32 v16;
	v16 =	vpop (erf)  }
0x2a4: {  	(erf) = vpow2.f32 v19;
	v19 =	vpop (erf);
	v13 =	vadd.f32 v22, v13;
	v17 =	vadd.f32 v17, v20  }
0x2a5: {  	v15 =	vmul.f32 $1.442695020e+00, v15;
	v20 =	vpop (erf)  }
0x2a6: {  	(erf) = vpow2.f32 v18;
	v13 =	vadd.f32 v19, v13;
	v18 =	vpop (erf)  }
0x2a7: {  	(erf) = vpow2.f32 v14;
	v14 =	vpop (erf)  }
0x2a8: {  	v16 =	vadd.f32 v16, v17;
	(erf) = vpow2.f32 v15;
	v13 =	vadd.f32 v20, v13;
	v17 =	vpop (erf)  }
0x2a9: {  	v15 =	vpop (erf)  }
0x2aa: {  	v16 =	vadd.f32 v18, v16;
	v13 =	vadd.f32 v15, v13  }
0x2ab: {  	v15 =	vpop (erf)  }
0x2ac: {  	v16 =	vadd.f32 v17, v16;
	v17 =	vpop (erf);
	v13 =	vadd.f32 v14, v13  }
0x2ad: {  	v14 =	vpop (erf)  }
0x2ae: {  	v15 =	vadd.f32 v15, v16;
	v13 =	vadd.f32 v14, v13  }
0x2af: {  	v14 =	vpop (erf)  }
0x2b0: {  	v15 =	vadd.f32 v17, v15;
	v16 =	vpop (erf);
	v13 =	vadd.f32 v14, v13  }
0x2b1: {  	v14 =	vpop (erf)  }
0x2b2: {  	v15 =	vadd.f32 v16, v15;
	v13 =	vadd.f32 v14, v13;
	_ =	sdelay $0x1  }
0x2b3: {  	v13 =	vadd.f32 v15, v13;
	_ =	sdelay $0x1  }
0x2b4: {  	v14 =	vperm.xlane v13, v0  }
0x2b5: {  	s5 =	simm.s32 $0x0  }
0x2b6: {  	v13 =	vadd.f32 v14, v13;
	v14 =	vld [tilespmem:s5+$0xC180]  }
0x2b7: {  	v16 =	vld [tilespmem:s5+$0xC190]  }
0x2b8: {  	v17 =	vld [tilespmem:s5+$0xC1B0];
	v15 =	vperm.xlane v13, v1  }
0x2b9: {  	v21 =	vld [tilespmem:s5+$0xC1C0]  }
0x2ba: {  	v13 =	vadd.f32 v15, v13;
	v15 =	vld [tilespmem:s5+$0xC1D0]  }
0x2bb: {  	v20 =	vld [tilespmem:s5+$0xC1A0];
	v14 =	vmul.f32 $1.442695020e+00, v14  }
0x2bc: {  	s22 =	simm.s32 $0x200;
	v18 =	vld [tilespmem:s5+$0xC1F0];
	v16 =	vmul.f32 $1.442695020e+00, v16  }
0x2bd: {  	v22 =	vld [tilespmem:s22+$0xC180];
	v17 =	vmul.f32 $1.442695020e+00, v17;
	(erf) = vpow2.f32 v14  }
0x2be: {  	v19 =	vperm.xlane v13, v2;
	(erf) = vpow2.f32 v16;
	v16 =	vld [tilespmem:s22+$0xC190]  }
0x2bf: {  	v23 =	vld [tilespmem:s22+$0xC1B0];
	v21 =	vmul.f32 $1.442695020e+00, v21;
	v15 =	vmul.f32 $1.442695020e+00, v15  }
0x2c0: {  	v20 =	vmul.f32 $1.442695020e+00, v20;
	v13 =	vadd.f32 v19, v13;
	v19 =	vld [tilespmem:s5+$0xC1E0];
	(erf) = vpow2.f32 v17  }
0x2c1: {  	v18 =	vmul.f32 $1.442695020e+00, v18;
	v17 =	vld [tilespmem:s22+$0xC1D0];
	(erf) = vpow2.f32 v15  }
0x2c2: {  	(erf) = vpow2.f32 v20;
	v20 =	vmul.f32 $1.442695020e+00, v22;
	v22 =	vld [tilespmem:s22+$0xC1A0]  }
0x2c3: {  	(erf) = vpow2.f32 v21;
	v16 =	vmul.f32 $1.442695020e+00, v16;
	v21 =	vld [tilespmem:s22+$0xC1C0]  }
0x2c4: {  	v23 =	vmul.f32 $1.442695020e+00, v23;
	s5 =	simm.s32 $0x400;
	v15 =	vld [tilespmem:s22+$0xC1F0];
	(erf) = vpow2.f32 v18  }
0x2c5: {  	v19 =	vmul.f32 $1.442695020e+00, v19;
	(erf) = vpow2.f32 v20;
	v20 =	vld [tilespmem:s5+$0xC180]  }
0x2c6: {  	v17 =	vmul.f32 $1.442695020e+00, v17;
	(erf) = vpow2.f32 v16  }
0x2c7: {  	v25 =	vld [tilespmem:s5+$0xC190];
	v16 =	vpop (erf);
	(erf) = vpow2.f32 v19;
	v22 =	vmul.f32 $1.442695020e+00, v22  }
0x2c8: {  	v24 =	vimm.f32 $0.0e+00;
	v18 =	vld [tilespmem:s22+$0xC1E0];
	v26 =	vpop (erf);
	(erf) = vpow2.f32 v23;
	v21 =	vmul.f32 $1.442695020e+00, v21  }
0x2c9: {  	v15 =	vmul.f32 $1.442695020e+00, v15;
	v23 =	vadd.f32 v26, v24;
	v26 =	vld [tilespmem:s5+$0xC1D0];
	(erf) = vpow2.f32 v17  }
0x2ca: {  	v19 =	vld [tilespmem:s5+$0xC1B0];
	v17 =	vpop (erf);
	(erf) = vpow2.f32 v22;
	v20 =	vmul.f32 $1.442695020e+00, v20  }
0x2cb: {  	s28 =	simm.s32 $0x600;
	v17 =	vadd.f32 v17, v23;
	v22 =	vpop (erf);
	v23 =	vld [tilespmem:s5+$0xC1A0];
	(erf) = vpow2.f32 v21  }
0x2cc: {  	v30 =	vld [tilespmem:s28+$0xC180];
	v25 =	vmul.f32 $1.442695020e+00, v25;
	v21 =	vpop (erf);
	(erf) = vpow2.f32 v15  }
0x2cd: {  	v28 =	vld [tilespmem:s5+$0xC1C0];
	v18 =	vmul.f32 $1.442695020e+00, v18;
	v22 =	vadd.f32 v22, v17;
	v29 =	vpop (erf);
	(erf) = vpow2.f32 v20  }
0x2ce: {  	v27 =	vld [tilespmem:s5+$0xC1F0];
	v20 =	vpop (erf);
	(erf) = vpow2.f32 v25;
	v25 =	vmul.f32 $1.442695020e+00, v26  }
0x2cf: {  	v15 =	vld [tilespmem:s5+$0xC1E0];
	v31 =	vmul.f32 $1.442695020e+00, v19;
	v17 =	vpop (erf);
	v20 =	vadd.f32 v20, v22  }
0x2d0: {  	v16 =	vadd.f32 v16, v24;
	v22 =	vld [tilespmem:s28+$0xC190];
	(erf) = vpow2.f32 v18;
	v26 =	vpop (erf);
	v24 =	vmul.f32 $1.442695020e+00, v23  }
0x2d1: {  	v14 =	vperm.xlane v13, v5;
	v19 =	vld [tilespmem:s28+$0xC1B0];
	(erf) = vpow2.f32 v31;
	v20 =	vadd.f32 v26, v20;
	v23 =	vpop (erf)  }
0x2d2: {  	v18 =	vld [tilespmem:s28+$0xC1D0];
	v26 =	vmul.f32 $1.442695020e+00, v28;
	(erf) = vpow2.f32 v25;
	v28 =	vadd.f32 v21, v16;
	v25 =	vpop (erf)  }
0x2d3: {  	v31 =	vmul.f32 $1.442695020e+00, v27;
	v16 =	vld [tilespmem:s28+$0xC1F0];
	(erf) = vpow2.f32 v24;
	v25 =	vadd.f32 v25, v20;
	v32 =	vpop (erf)  }
0x2d4: {  	v27 =	vmul.f32 $1.442695020e+00, v30;
	v21 =	vld [tilespmem:s28+$0xC1A0];
	(erf) = vpow2.f32 v26;
	v28 =	vadd.f32 v29, v28;
	v24 =	vpop (erf)  }
0x2d5: {  	s5 =	simm.s32 $0x2000;
	v20 =	vld [tilespmem:s28+$0xC1C0];
	v26 =	vmul.f32 $1.442695020e+00, v22;
	(erf) = vpow2.f32 v31;
	v25 =	vadd.f32 v32, v25;
	v22 =	vpop (erf)  }
.LBB2_17:
0x2d6: {  	(erf) = vpow2.f32 v27  }
0x2d7: {  	p1 =	sne.s32 s5, $0x1F800;
	v27 =	vmul.f32 $1.442695020e+00, v15;
	v15 =	vld [tilespmem:s28+$0xC1E0];
	s28 =	sshra.s32 s5, $0x2;
	s5 =	sadd.s32 $0x800, s5;
	v29 =	vpop (erf);
	v32 =	vadd.f32 v23, v28;
	v28 =	vmov v17  }
0x2d8: {  	v31 =	vmul.f32 $1.442695020e+00, v19;
	v30 =	vld [tilespmem:s28+$0xC180];
	(erf) = vpow2.f32 v26;
	v17 =	vpop (erf);
	v25 =	vadd.f32 v29, v25  }
0x2d9: {  	v29 =	vmul.f32 $1.442695020e+00, v18;
	v26 =	vld [tilespmem:s28+$0xC190];
	v18 =	vpop (erf);
	(erf) = vpow2.f32 v27;
	v27 =	vadd.f32 v28, v32  }
.Ltmp9:
0x2da: {  	v21 =	vmul.f32 $1.442695020e+00, v21;
	v25 =	vadd.f32 v18, v25;
	v19 =	vld [tilespmem:s28+$0xC1B0];
	(erf) = vpow2.f32 v31;
	v23 =	vpop (erf);
	(pc) =	sbr.rel @p1 .LBB2_17-.Ltmp9, $4  }
0x2db: {  	v20 =	vmul.f32 $1.442695020e+00, v20;
	v18 =	vld [tilespmem:s28+$0xC1D0];
	(erf) = vpow2.f32 v29;
	v28 =	vpop (erf);
	v29 =	vadd.f32 v24, v27  }
0x2dc: {  	v31 =	vmul.f32 $1.442695020e+00, v16;
	v16 =	vld [tilespmem:s28+$0xC1F0];
	(erf) = vpow2.f32 v21;
	v25 =	vadd.f32 v28, v25;
	v32 =	vpop (erf)  }
0x2dd: {  	v27 =	vmul.f32 $1.442695020e+00, v30;
	v21 =	vld [tilespmem:s28+$0xC1A0];
	(erf) = vpow2.f32 v20;
	v24 =	vpop (erf);
	v28 =	vadd.f32 v22, v29  }
0x2de: {  	v26 =	vmul.f32 $1.442695020e+00, v26;
	v20 =	vld [tilespmem:s28+$0xC1C0];
	(erf) = vpow2.f32 v31;
	v25 =	vadd.f32 v32, v25;
	v22 =	vpop (erf)  }
0x2df: {  	v23 =	vadd.f32 v23, v28;
	_ =	sdelay $0x1  }
0x2e0: {  	v17 =	vadd.f32 v17, v23;
	_ =	sdelay $0x1  }
0x2e1: {  	(erf) = vpow2.f32 v27;
	v15 =	vmul.f32 $1.442695020e+00, v15;
	v39 =	vpop (erf);
	v17 =	vadd.f32 v24, v17  }
0x2e2: {  	(erf) = vpow2.f32 v26;
	v40 =	vpop (erf)  }
0x2e3: {  	v19 =	vmul.f32 $1.442695020e+00, v19;
	v41 =	vpop (erf);
	(erf) = vpow2.f32 v15;
	v42 =	vadd.f32 v22, v17  }
0x2e4: {  	v43 =	vld [tilespmem:s28+$0xC1E0];
	v44 =	vadd.f32 v39, v25;
	v18 =	vmul.f32 $1.442695020e+00, v18;
	v45 =	vpop (erf)  }
0x2e5: {  	v21 =	vmul.f32 $1.442695020e+00, v21;
	(erf) = vpow2.f32 v19;
	v46 =	vpop (erf);
	v15 =	vadd.f32 v45, v42  }
0x2e6: {  	(erf) = vpow2.f32 v18;
	v20 =	vmul.f32 $1.442695020e+00, v20;
	v47 =	vpop (erf)  }
0x2e7: {  	(erf) = vpow2.f32 v21;
	v22 =	vadd.f32 v41, v44;
	v48 =	vpop (erf);
	v15 =	vadd.f32 v40, v15  }
0x2e8: {  	v16 =	vmul.f32 $1.442695020e+00, v16;
	(erf) = vpow2.f32 v20;
	v49 =	vpop (erf)  }
0x2e9: {  	v17 =	vmul.f32 $1.442695020e+00, v43;
	v19 =	vadd.f32 v46, v22;
	v50 =	vpop (erf);
	v15 =	vadd.f32 v48, v15  }
0x2ea: {  	(erf) = vpow2.f32 v16;
	v51 =	vpop (erf)  }
0x2eb: {  	v18 =	vadd.f32 v47, v19;
	v52 =	vpop (erf);
	(erf) = vpow2.f32 v17;
	v15 =	vadd.f32 v49, v15  }
0x2ec: {  	v53 =	vpop (erf)  }
0x2ed: {  	v18 =	vadd.f32 v50, v18;
	v15 =	vadd.f32 v53, v15  }
0x2ee: {  	v54 =	vpop (erf)  }
0x2ef: {  	v55 =	vpop (erf);
	v18 =	vadd.f32 v52, v18;
	v15 =	vadd.f32 v51, v15  }
0x2f0: {  	v56 =	vpop (erf)  }
0x2f1: {  	v17 =	vadd.f32 v54, v18;
	v15 =	vadd.f32 v56, v15  }
0x2f2: {  	v57 =	vpop (erf)  }
0x2f3: {  	v58 =	vpop (erf);
	v17 =	vadd.f32 v55, v17;
	v15 =	vadd.f32 v57, v15  }
0x2f4: {  	v59 =	vpop (erf)  }
0x2f5: {  	v17 =	vadd.f32 v58, v17;
	v15 =	vadd.f32 v59, v15;
	_ =	sdelay $0x1  }
0x2f6: {  	v15 =	vadd.f32 v17, v15;
	_ =	sdelay $0x1  }
0x2f7: {  	v60 =	vperm.xlane v15, v0;
	_ =	sdelay $0x1  }
0x2f8: {  	v15 =	vadd.f32 v60, v15;
	_ =	sdelay $0x1  }
0x2f9: {  	v16 =	vperm.xlane v15, v1;
	_ =	sdelay $0x1  }
0x2fa: {  	v15 =	vadd.f32 v16, v15;
	_ =	sdelay $0x1  }
0x2fb: {  	v16 =	vperm.xlane v15, v2;
	_ =	sdelay $0x1  }
0x2fc: {  	v15 =	vadd.f32 v16, v15  }
0x2fd: {  	v9 =	vadd.f32 v10, v9  }
0x2fe: {  	v10 =	vadd.f32 v12, v11;
	v11 =	vperm.xlane v15, v5  }
0x2ff: {  	v61 =	vadd.f32 v14, v13;
	v9 =	vnsel vm1, $0x3F800000, v9  }
0x300: {  	v9 =	vsel vm2, v9, v10;
	v10 =	vadd.f32 v11, v15  }
0x301: {  	v9 =	vsel vm3, v9, v61  }
0x302: {  	v9 =	vsel vm4, v9, v10  }
0x303: {  	v10 =	vshra.s32 v9, $0x17;
	v11 =	vand.u32 $0x7FFFFF, v9  }
0x304: {  	v10 =	vadd.s32 $0xFFFFFF81, v10;
	v11 =	vor.u32 $0x3F800000, v11  }
0x305: {  	v10 =	vcvt.s32.f32 v10;
	v11 =	vadd.f32 $-1.000000000e+00, v11;
	_ =	sdelay $0x1  }
0x306: {  	v10 =	vadd.f32 v10, v11;
	_ =	sdelay $0x1  }
0x307: {  	v10 =	vmul.f32 $6.931471820e-01, v10;
	_ =	sdelay $0x1  }
0x308: {  	v11 =	vsub.f32 $0.0e+00, v10;
	_ =	sdelay $0x1  }
0x309: {  	v11 =	vmul.f32 $1.442695020e+00, v11;
	_ =	sdelay $0x1  }
0x30a: {  	(erf) = vpow2.f32 v11;
	_ =	sdelay $0x8  }
0x30b: {  	v11 =	vpop (erf)  }
0x30c: {  	v11 =	vmul.f32 v11, v9;
	_ =	sdelay $0x1  }
0x30d: {  	v10 =	vadd.f32 v11, v10;
	_ =	sdelay $0x1  }
0x30e: {  	v10 =	vadd.f32 $-1.000000000e+00, v10;
	_ =	sdelay $0x1  }
0x30f: {  	v11 =	vsub.f32 $0.0e+00, v10;
	_ =	sdelay $0x1  }
0x310: {  	v11 =	vmul.f32 $1.442695020e+00, v11;
	_ =	sdelay $0x1  }
0x311: {  	(erf) = vpow2.f32 v11;
	_ =	sdelay $0x8  }
0x312: {  	v11 =	vpop (erf)  }
0x313: {  	v11 =	vmul.f32 v11, v9;
	_ =	sdelay $0x1  }
0x314: {  	v10 =	vadd.f32 v11, v10;
	_ =	sdelay $0x1  }
0x315: {  	v10 =	vadd.f32 $-1.000000000e+00, v10;
	_ =	sdelay $0x1  }
0x316: {  	v11 =	vsub.f32 $0.0e+00, v10  }
0x317: {  	v62 =	vld [tilespmem:s2+$0x2080]  }
0x318: {  	v11 =	vmul.f32 $1.442695020e+00, v11;
	_ =	sdelay $0x1  }
0x319: {  	(erf) = vpow2.f32 v11;
	_ =	sdelay $0x1  }
0x31a: {  	v11 =	vshll.u32 v62, $0x2  }
0x31b: {  	v12 =	vand.u32 $0x7F, v62;
	v11 =	vand.u32 $0xFFFFFE00, v11  }
0x31c: {  	v11 =	vor.u32 v11, v12  }
0x31d: {  	v11 =	vor.u32 v6, v11;
	_ =	sdelay $0x3  }
0x31e: {  	v63 =	vpop (erf)  }
0x31f: {  	v11 =	vld.idx.msk [tilespmem:v11+s30+$0x0], $0xf;
	v9 =	vmul.f32 v63, v9;
	_ =	sdelay $0x1  }
0x320: {  	v9 =	vadd.f32 v9, v10;
	_ =	sdelay $0x1  }
0x321: {  	v9 =	vadd.f32 $-1.000000000e+00, v9  }
.Ltmp10:
0x322: {  	v10 =	vnsel vm5, $0x0, v11;
	(pc) =	sbr.rel @p0 .LBB2_20-.Ltmp10, $4  }
0x323: {  	v9 =	vsub.f32 v10, v9  }
0x324: {  	_ =	swait.ge [sflag:s31], $0x8000  }
0x325: {  	[sflag:s31] =	ssyncset.done $0x0;
	v8 =	vadd.f32 v9, v8  }
0x326: {  	[sflag:s31] =	ssyncadd.s32 $0xFFFF8000  }
0x327: {  	v9 =	vld.msk [tilespmem:s2+$0x180], $0xf;
	_ =	sdelay $0x4  }
0x328: {  	v10 =	vshll.u32 v9, $0x6  }
0x329: {  	v9 =	vand.u32 $0x7, v9;
	v10 =	vand.u32 $0xFFFFFE00, v10  }
0x32a: {  	v9 =	vor.u32 v9, v10  }
0x32b: {  	v9 =	vperm.xlane v9, v3;
	_ =	sdelay $0x1  }
0x32c: {  	v9 =	vadd.s32 v4, v9;
	_ =	sdelay $0x4  }
0x32d: {  	[tilespmem:s30], [sflag:$0x2] =	stream.indirect_vreg.gather [hbm4b:s1+s4], $0x80, v9, vm0, $0xb8;
	[tilespmem:$0x14080] =	vst v63  }
0x32e: {  	s5 =	simm.s32 $0xC800  }
0x32f: {  	[tilespmem:s5], [sflag:$0x2] =	stream.indirect_vreg.gather [hbm4b:s7+s4], $0x80, v9, vm0, $0xb8;
	[tilespmem:$0x14080] =	vst v63  }
0x330: {  	s22 =	simm.s32 $0xD000  }
0x331: {  	[tilespmem:s22], [sflag:$0x2] =	stream.indirect_vreg.gather [hbm4b:s8+s4], $0x80, v9, vm0, $0xb8;
	[tilespmem:$0x14080] =	vst v63  }
0x332: {  	s28 =	simm.s32 $0xD800  }
0x333: {  	[tilespmem:s28], [sflag:$0x2] =	stream.indirect_vreg.gather [hbm4b:s9+s4], $0x80, v9, vm0, $0xb8;
	[tilespmem:$0x14080] =	vst v63  }
0x334: {  	s5 =	simm.s32 $0xE000  }
0x335: {  	[tilespmem:s5], [sflag:$0x2] =	stream.indirect_vreg.gather [hbm4b:s10+s4], $0x80, v9, vm0, $0xb8;
	[tilespmem:$0x14080] =	vst v63  }
0x336: {  	s22 =	simm.s32 $0xE800  }
0x337: {  	[tilespmem:s22], [sflag:$0x2] =	stream.indirect_vreg.gather [hbm4b:s11+s4], $0x80, v9, vm0, $0xb8;
	[tilespmem:$0x14080] =	vst v63  }
0x338: {  	s28 =	simm.s32 $0xF000  }
0x339: {  	[tilespmem:s28], [sflag:$0x2] =	stream.indirect_vreg.gather [hbm4b:s12+s4], $0x80, v9, vm0, $0xb8;
	[tilespmem:$0x14080] =	vst v63  }
0x33a: {  	s5 =	simm.s32 $0xF800  }
0x33b: {  	[tilespmem:s5], [sflag:$0x2] =	stream.indirect_vreg.gather [hbm4b:s13+s4], $0x80, v9, vm0, $0xb8;
	[tilespmem:$0x14080] =	vst v63  }
0x33c: {  	s22 =	simm.s32 $0x10000  }
0x33d: {  	[tilespmem:s22], [sflag:$0x2] =	stream.indirect_vreg.gather [hbm4b:s14+s4], $0x80, v9, vm0, $0xb8;
	[tilespmem:$0x14080] =	vst v63  }
0x33e: {  	s28 =	simm.s32 $0x10800  }
0x33f: {  	[tilespmem:s28], [sflag:$0x2] =	stream.indirect_vreg.gather [hbm4b:s15+s4], $0x80, v9, vm0, $0xb8;
	[tilespmem:$0x14080] =	vst v63  }
0x340: {  	s5 =	simm.s32 $0x11000  }
0x341: {  	[tilespmem:s5], [sflag:$0x2] =	stream.indirect_vreg.gather [hbm4b:s16+s4], $0x80, v9, vm0, $0xb8;
	[tilespmem:$0x14080] =	vst v63  }
0x342: {  	s22 =	simm.s32 $0x11800  }
0x343: {  	[tilespmem:s22], [sflag:$0x2] =	stream.indirect_vreg.gather [hbm4b:s17+s4], $0x80, v9, vm0, $0xb8;
	[tilespmem:$0x14080] =	vst v63  }
0x344: {  	s28 =	simm.s32 $0x12000  }
0x345: {  	[tilespmem:s28], [sflag:$0x2] =	stream.indirect_vreg.gather [hbm4b:s18+s4], $0x80, v9, vm0, $0xb8;
	[tilespmem:$0x14080] =	vst v63  }
0x346: {  	s5 =	simm.s32 $0x12800  }
0x347: {  	[tilespmem:s5], [sflag:$0x2] =	stream.indirect_vreg.gather [hbm4b:s19+s4], $0x80, v9, vm0, $0xb8;
	[tilespmem:$0x14080] =	vst v63  }
.Ltmp11:
0x348: {  	_ = 	snop;
	(pc) =	sbr.rel .LBB2_2-.Ltmp11, $4  }
0x349: {  	s22 =	simm.s32 $0x13000  }
0x34a: {  	[tilespmem:s22], [sflag:$0x2] =	stream.indirect_vreg.gather [hbm4b:s20+s4], $0x80, v9, vm0, $0xb8;
	[tilespmem:$0x14080] =	vst v63  }
0x34b: {  	s0 =	sadd.s32 $0x1, s0;
	s28 =	simm.s32 $0x13800  }
0x34c: {  	[tilespmem:s28], [sflag:$0x2] =	stream.indirect_vreg.gather [hbm4b:s21+s4], $0x80, v9, vm0, $0xb8;
	[tilespmem:$0x14080] =	vst v63  }
.LBB2_21:
0x34d: {  	_ =	sfence.sel $0x180000  }
0x34e: {  	[bflag:$0x0] =	sbarrier.arrive $0xFFFF  }
0x34f: {  	_ =	strace $0x90000047  }
0x350: {  	s0 =	stileid.u32;
	[bflag:$0x2] =	sbarrier.arrive $0xFFFF  }
0x351: {  	p0 =	sne.s32 s0, $0x0;
	s0 =	rddreg [dreg:$0x3]  }
0x352: {  	s0 =	sadd.s32 @!p0 $0x100000, s0  }
0x353: {  	[sflag:s0] =	ssyncadd.tile.s32 @!p0 $0x1;
	_ =	shalt  }
.Lfunc_end2:
_tile_overlayer_lowered:
.L_overlay_start_2:
0x354: {  	(tag) =	ssettag $0x2  }
0x355: {  	s0 =	rddreg [dreg:$0x0];
	s2 =	stileid.u32  }
0x356: {  	s1 =	rddreg [dreg:$0x1];
	p0 =	sne.s32 s2, $0x0  }
0x357: {  	s3 =	rddreg [dreg:$0x2];
	[bflag:$0x3] =	sbarrier.arrive $0xFFFF;
	s2 =	simm.s32 @!p0 $0x1C05  }
0x358: {  	[timem:s3], [sflag:s2] =	dma.local @!p0 [hbm:s0], s1  }
0x359: {  	s0 =	simm.s32 @!p0 $0x5  }
0x35a: {  	_ =	swait.ge @!p0 [sflag:s0], s1  }
0x35b: {  	s1 =	ssub.s32 @!p0 $0x0, s1;
	[sflag:s0] =	ssyncset.done @!p0 $0x0  }
0x35c: {  	[sflag:s0] =	ssyncadd.s32 @!p0 s1  }
0x35d: {  	[bflag:$0x3] =	sbarrier.arrive $0xFFFF  }
0x35e: {  	_ =	shalt  }

</sc_bundles>
